<compile_context>
chip_gen: v7x
topology: tpu7x:2x2x1
jax: 0.10.2.dev20260603
libtpu: 0.0.44.dev20260713+nightly
codegen_flags: <defaults>
</compile_context>

<pallas_src>
import functools

import jax
import jax.numpy as jnp
from jax import lax
from jax.experimental import pallas as pl
from jax.experimental.pallas import tpu as pltpu
from jax.experimental.pallas import tpu_sc as plsc

B, L, V, D = 1024, 200, 100000, 300

NCH = 19
PD = NCH * 16
DP = 384
CA, CB = 104, 96


def _sc_pool_diff(idx1_flat, idx2_flat, embp):
    info = plsc.get_sparse_core_info()
    nc, ns = info.num_cores, info.num_subcores
    nw = nc * ns
    bpw = B // nw

    mesh = plsc.VectorSubcoreMesh(core_axis_name="c", subcore_axis_name="s")

    @functools.partial(
        pl.kernel,
        out_type=jax.ShapeDtypeStruct((B * PD,), jnp.float32),
        mesh=mesh,
        scratch_types=[
            pltpu.VMEM((CA,), jnp.int32),
            pltpu.VMEM((CB,), jnp.int32),
            pltpu.VMEM((CA, DP), jnp.float32),
            pltpu.VMEM((CB, DP), jnp.float32),
            pltpu.VMEM((PD,), jnp.float32),
            pltpu.SemaphoreType.DMA,
            pltpu.SemaphoreType.DMA,
        ],
    )
    def sc_kernel(i1_hbm, i2_hbm, emb_hbm, out_hbm,
                  idx0, idx1, buf0, buf1, stg, sem0, sem1):
        wid = lax.axis_index("s") * nc + lax.axis_index("c")
        base_b = wid * bpw

        idxs = (idx0, idx1)
        bufs = (buf0, buf1)
        sems = (sem0, sem1)
        items = ((0, 0, CA), (0, CA, CB), (1, 0, CA), (1, CA, CB))

        def stage_and_fire(k, b):
            src, off, rows = items[k]
            i_hbm = i1_hbm if src == 0 else i2_hbm
            sl = k % 2
            pltpu.sync_copy(i_hbm.at[pl.ds(b * L + off, rows)], idxs[sl])
            pltpu.async_copy(emb_hbm.at[idxs[sl]], bufs[sl], sems[sl])

        def accum(k, acc):
            _, _, rows = items[k]
            buf = bufs[k % 2]
            add = items[k][0] == 0

            def row_body(r, part):
                return tuple(
                    part[c] + (buf[2 * r, pl.ds(c * 16, 16)]
                               + buf[2 * r + 1, pl.ds(c * 16, 16)])
                    for c in range(NCH))

            zero = tuple(jnp.zeros((16,), jnp.float32) for _ in range(NCH))
            part = lax.fori_loop(0, rows // 2, row_body, zero)
            if add:
                return tuple(acc[c] + part[c] for c in range(NCH))
            return tuple(acc[c] - part[c] for c in range(NCH))

        def batch_body(bl, _):
            b = base_b + bl
            acc = tuple(jnp.zeros((16,), jnp.float32) for _ in range(NCH))
            for k in range(4):
                if k < 3:
                    stage_and_fire(k + 1, b)
                else:
                    @pl.when(bl < bpw - 1)
                    def _():
                        stage_and_fire(0, b + 1)
                sl = k % 2
                pltpu.make_async_copy(
                    emb_hbm.at[idxs[sl]], bufs[sl], sems[sl]).wait()
                acc = accum(k, acc)
            for c in range(NCH):
                stg[pl.ds(c * 16, 16)] = acc[c]
            pltpu.sync_copy(stg, out_hbm.at[pl.ds(b * PD, PD)])
            return _

        stage_and_fire(0, base_b)
        lax.fori_loop(0, bpw, batch_body, None)

    return sc_kernel(idx1_flat, idx2_flat, embp)


def _pad_table(emb):
    nblk = 100
    rb = V // nblk

    def body(in_ref, out_ref):
        out_ref[...] = jnp.pad(in_ref[...], ((0, 0), (0, DP - D)))

    return pl.pallas_call(
        body,
        grid=(nblk,),
        in_specs=[pl.BlockSpec((rb, D), lambda i: (i, 0))],
        out_specs=pl.BlockSpec((rb, DP), lambda i: (i, 0)),
        out_shape=jax.ShapeDtypeStruct((V, DP), jnp.float32),
    )(emb)


def _mlp(pooled, w1e, b1, w2, b2, w3, b3, w4, b4, w5, b5):
    def body(p_ref, w1_ref, b1_ref, w2_ref, b2_ref, w3_ref, b3_ref,
             w4_ref, b4_ref, w5_ref, b5_ref, out_ref):
        def leaky(x):
            return jnp.where(x >= 0, x, 10.0 * x)

        def dot(x, w_ref):
            return jnp.dot(x.astype(jnp.bfloat16),
                           w_ref[...].astype(jnp.bfloat16),
                           preferred_element_type=jnp.float32)

        x = p_ref[...] * (1.0 / L)
        x = leaky(dot(x, w1_ref) + b1_ref[...])
        x = leaky(dot(x, w2_ref) + b2_ref[...])
        x = leaky(dot(x, w3_ref) + b3_ref[...])
        x = leaky(dot(x, w4_ref) + b4_ref[...])
        out_ref[...] = dot(x, w5_ref) + b5_ref[...]

    return pl.pallas_call(
        body,
        out_shape=jax.ShapeDtypeStruct((B, 2), jnp.float32),
    )(pooled, w1e, b1, w2, b2, w3, b3, w4, b4, w5, b5)


def kernel(input_1, input_2, emb, W1, b1, W2, b2, W3, b3, W4, b4, W5, b5):
    i1 = input_1.reshape(-1).astype(jnp.int32)
    i2 = input_2.reshape(-1).astype(jnp.int32)

    embp = _pad_table(emb)
    pooled = _sc_pool_diff(i1, i2, embp).reshape(B, PD)

    w1e = jnp.concatenate(
        [W1[D:2 * D], jnp.zeros((PD - D, 2 * D), W1.dtype)], axis=0)

    return _mlp(pooled, w1e, b1, W2, b2, W3, b3, W4, b4, W5, b5)

# --- scband reference (transcript-rebuilt; emitter-appended) ---
"""Pipeline reference for scband-model-77378130805373 (READ-ONLY COPY).

The authoritative reference and input builder live on the scoring server;
editing this copy changes nothing except your own understanding.
"""

import jax, jax.numpy as jnp
import numpy as np

B, L, V, D = 1024, 200, 100000, 300

def setup_inputs(seed: int = 0) -> dict:
    key = jax.random.key(seed)
    ks = jax.random.split(key, 14)
    inp = {}
    inp['input_1'] = jax.random.randint(ks[0], (B, L), 0, V, dtype=jnp.int64) if jax.config.jax_enable_x64 else jax.random.randint(ks[0], (B, L), 0, V, dtype=jnp.int32)
    inp['input_2'] = jax.random.randint(ks[1], (B, L), 0, V, dtype=inp['input_1'].dtype)
    inp['emb'] = jax.random.normal(ks[2], (V, D), dtype=jnp.float32)
    inp['W1'] = jax.random.normal(ks[3], (600, 600), dtype=jnp.float32) * 0.02
    inp['b1'] = jnp.zeros((600,), dtype=jnp.float32)
    inp['W2'] = jax.random.normal(ks[4], (600, 300), dtype=jnp.float32) * 0.02
    inp['b2'] = jnp.zeros((300,), dtype=jnp.float32)
    inp['W3'] = jax.random.normal(ks[5], (300, 300), dtype=jnp.float32) * 0.02
    inp['b3'] = jnp.zeros((300,), dtype=jnp.float32)
    inp['W4'] = jax.random.normal(ks[6], (300, 100), dtype=jnp.float32) * 0.02
    inp['b4'] = jnp.zeros((100,), dtype=jnp.float32)
    inp['W5'] = jax.random.normal(ks[7], (100, 2), dtype=jnp.float32) * 0.02
    inp['b5'] = jnp.zeros((2,), dtype=jnp.float32)
    return inp

def _leaky10(x):
    # nn.LeakyReLU(10) -> negative_slope = 10
    return jnp.where(x >= 0, x, 10.0 * x)

def reference(input_1, input_2, emb, W1, b1, W2, b2, W3, b3, W4, b4, W5, b5):
    e1 = jnp.take(emb, input_1, axis=0)  # [B, L, D]
    e2 = jnp.take(emb, input_2, axis=0)  # [B, L, D]
    b, l, d = e1.shape
    # Faithful to torch: .view(B, D, L) is a RESHAPE (not transpose), then MaxPool1d(L) over last dim
    v1 = e1.reshape(b, d, l)
    max_1 = jnp.max(v1, axis=2)  # [B, D]
    # Faithful bug-preservation: torch code pools embedded_1 for max_2 as well
    max_2 = jnp.max(v1, axis=2)  # [B, D]
    mean_1 = jnp.mean(e1, axis=1)  # [B, D]
    mean_2 = jnp.mean(e2, axis=1)  # [B, D]
    f1 = jnp.concatenate((max_1, mean_1), axis=1)  # [B, 600]
    f2 = jnp.concatenate((max_2, mean_2), axis=1)  # [B, 600]
    x = f1 - f2
    x = _leaky10(x @ W1 + b1)
    x = _leaky10(x @ W2 + b2)
    x = _leaky10(x @ W3 + b3)
    x = _leaky10(x @ W4 + b4)
    x = x @ W5 + b5
    return x

if __name__ == "__main__":
    import jax
    _d = setup_inputs()
    print(jax.jit(kernel)(*tuple(_d.values())))

</pallas_src>

<mosaic_0001>
#map = affine_map<(d0, d1) -> (0)>
#map1 = affine_map<(d0, d1) -> (0, 0)>
module attributes {stable_mosaic.version = 14 : i64} {
  func.func @sc_kernel(%arg0: i32, %arg1: i32, %arg2: memref<204800xi32, #tpu.memory_space<hbm>>, %arg3: memref<204800xi32, #tpu.memory_space<hbm>>, %arg4: memref<100000x384xf32, #tpu.memory_space<hbm>>, %arg5: memref<311296xf32, #tpu.memory_space<hbm>>, %arg6: memref<104xi32, #tpu.memory_space<vmem>>, %arg7: memref<96xi32, #tpu.memory_space<vmem>>, %arg8: memref<104x384xf32, #tpu.memory_space<vmem>>, %arg9: memref<96x384xf32, #tpu.memory_space<vmem>>, %arg10: memref<304xf32, #tpu.memory_space<vmem>>, %arg11: memref<!tpu.dma_semaphore, #tpu.memory_space<semaphore_mem>>, %arg12: memref<!tpu.dma_semaphore, #tpu.memory_space<semaphore_mem>>) attributes {dimension_semantics = [#tpu.dimension_semantics<core_parallel>, #tpu.dimension_semantics<subcore_parallel>], iteration_bounds = array<i64: 2, 16>, scalar_prefetch = 0 : i64, scratch_operands = 7 : i64, tpu.core_type = #tpu.core_type<sc_vector_subcore>, window_params = [{transform_indices = #map}, {transform_indices = #map}, {transform_indices = #map1}, {transform_indices = #map}]} {
    %mul3A = arith.constant 2 : i32
    %mul3A_0 = arith.muli %arg1, %mul3A : i32
    %add3A = arith.addi %mul3A_0, %arg0 : i32
    %mul3A_1 = arith.constant 32 : i32
    %mul3A_2 = arith.muli %add3A, %mul3A_1 : i32
    %mul3A_3 = arith.constant 200 : i32
    %mul3A_4 = arith.muli %mul3A_2, %mul3A_3 : i32
    %add3A_5 = arith.constant 0 : i32
    %add3A_6 = arith.addi %mul3A_4, %add3A_5 : i32
    "tpu.region"() ({
      %run_scoped3A = tpu.sem_alloc : memref<!tpu.dma_semaphore, #tpu.memory_space<semaphore_mem>>
      %dma_start3A_13 = tpu.memref_slice %arg2[%add3A_6] : memref<204800xi32, #tpu.memory_space<hbm>> -> memref<104xi32, #tpu.memory_space<hbm>>
      %dma_start3A_14 = tpu.memref_slice %arg2[%add3A_6] : memref<204800xi32, #tpu.memory_space<hbm>> -> memref<104xi32, #tpu.memory_space<hbm>>
      tpu.enqueue_dma source(%dma_start3A_14 : memref<104xi32, #tpu.memory_space<hbm>>) target(%arg6 : memref<104xi32, #tpu.memory_space<vmem>>) target_semaphore(%run_scoped3A : memref<!tpu.dma_semaphore, #tpu.memory_space<semaphore_mem>>)
      %dma_wait3A = tpu.memref_slice %arg2[%add3A_6] : memref<204800xi32, #tpu.memory_space<hbm>> -> memref<104xi32, #tpu.memory_space<hbm>>
      %dma_wait3A_15 = tpu.memref_slice %arg2[%add3A_6] : memref<204800xi32, #tpu.memory_space<hbm>> -> memref<104xi32, #tpu.memory_space<hbm>>
      tpu.wait_dma2 semaphore(%run_scoped3A : memref<!tpu.dma_semaphore, #tpu.memory_space<semaphore_mem>>) src(%dma_wait3A_15 : memref<104xi32, #tpu.memory_space<hbm>>) dst(%arg6 : memref<104xi32, #tpu.memory_space<vmem>>)
      tpu.yield
    }) : () -> ()
    %dma_start3A = arith.constant 0 : i32
    %dma_start3A_7 = arith.constant 0 : i32
    %dma_start3A_8 = tpu.memref_slice %arg4[%dma_start3A, %dma_start3A_7] : memref<100000x384xf32, #tpu.memory_space<hbm>> -> memref<100000x384xf32, #tpu.memory_space<hbm>>
    tpu.enqueue_indirect_dma source(%dma_start3A_8 : memref<100000x384xf32, #tpu.memory_space<hbm>>) target(%arg8 : memref<104x384xf32, #tpu.memory_space<vmem>>) offsets(%arg6 : memref<104xi32, #tpu.memory_space<vmem>>) semaphore(%arg11 : memref<!tpu.dma_semaphore, #tpu.memory_space<semaphore_mem>>)
    %scan3A = arith.constant 0 : i32
    %scan3A_9 = arith.constant 32 : i32
    %scan3A_10 = arith.addi %scan3A, %scan3A_9 : i32
    %scan3A_11 = arith.constant 1 : i32
    scf.for %scan3A_13 = %scan3A to %scan3A_10 step %scan3A_11  : i32 {
      %add3A_14 = arith.addi %mul3A_2, %scan3A_13 : i32
      %broadcast_in_dim3A = arith.constant 0.000000e+00 : f32
      %broadcast_in_dim3A_15 = vector.broadcast %broadcast_in_dim3A : f32 to vector<16xf32>
      %broadcast_in_dim3A_16 = arith.constant 0.000000e+00 : f32
      %broadcast_in_dim3A_17 = vector.broadcast %broadcast_in_dim3A_16 : f32 to vector<16xf32>
      %broadcast_in_dim3A_18 = arith.constant 0.000000e+00 : f32
      %broadcast_in_dim3A_19 = vector.broadcast %broadcast_in_dim3A_18 : f32 to vector<16xf32>
      %broadcast_in_dim3A_20 = arith.constant 0.000000e+00 : f32
      %broadcast_in_dim3A_21 = vector.broadcast %broadcast_in_dim3A_20 : f32 to vector<16xf32>
      %broadcast_in_dim3A_22 = arith.constant 0.000000e+00 : f32
      %broadcast_in_dim3A_23 = vector.broadcast %broadcast_in_dim3A_22 : f32 to vector<16xf32>
      %broadcast_in_dim3A_24 = arith.constant 0.000000e+00 : f32
      %broadcast_in_dim3A_25 = vector.broadcast %broadcast_in_dim3A_24 : f32 to vector<16xf32>
      %broadcast_in_dim3A_26 = arith.constant 0.000000e+00 : f32
      %broadcast_in_dim3A_27 = vector.broadcast %broadcast_in_dim3A_26 : f32 to vector<16xf32>
      %broadcast_in_dim3A_28 = arith.constant 0.000000e+00 : f32
      %broadcast_in_dim3A_29 = vector.broadcast %broadcast_in_dim3A_28 : f32 to vector<16xf32>
      %broadcast_in_dim3A_30 = arith.constant 0.000000e+00 : f32
      %broadcast_in_dim3A_31 = vector.broadcast %broadcast_in_dim3A_30 : f32 to vector<16xf32>
      %broadcast_in_dim3A_32 = arith.constant 0.000000e+00 : f32
      %broadcast_in_dim3A_33 = vector.broadcast %broadcast_in_dim3A_32 : f32 to vector<16xf32>
      %broadcast_in_dim3A_34 = arith.constant 0.000000e+00 : f32
      %broadcast_in_dim3A_35 = vector.broadcast %broadcast_in_dim3A_34 : f32 to vector<16xf32>
      %broadcast_in_dim3A_36 = arith.constant 0.000000e+00 : f32
      %broadcast_in_dim3A_37 = vector.broadcast %broadcast_in_dim3A_36 : f32 to vector<16xf32>
      %broadcast_in_dim3A_38 = arith.constant 0.000000e+00 : f32
      %broadcast_in_dim3A_39 = vector.broadcast %broadcast_in_dim3A_38 : f32 to vector<16xf32>
      %broadcast_in_dim3A_40 = arith.constant 0.000000e+00 : f32
      %broadcast_in_dim3A_41 = vector.broadcast %broadcast_in_dim3A_40 : f32 to vector<16xf32>
      %broadcast_in_dim3A_42 = arith.constant 0.000000e+00 : f32
      %broadcast_in_dim3A_43 = vector.broadcast %broadcast_in_dim3A_42 : f32 to vector<16xf32>
      %broadcast_in_dim3A_44 = arith.constant 0.000000e+00 : f32
      %broadcast_in_dim3A_45 = vector.broadcast %broadcast_in_dim3A_44 : f32 to vector<16xf32>
      %broadcast_in_dim3A_46 = arith.constant 0.000000e+00 : f32
      %broadcast_in_dim3A_47 = vector.broadcast %broadcast_in_dim3A_46 : f32 to vector<16xf32>
      %broadcast_in_dim3A_48 = arith.constant 0.000000e+00 : f32
      %broadcast_in_dim3A_49 = vector.broadcast %broadcast_in_dim3A_48 : f32 to vector<16xf32>
      %broadcast_in_dim3A_50 = arith.constant 0.000000e+00 : f32
      %broadcast_in_dim3A_51 = vector.broadcast %broadcast_in_dim3A_50 : f32 to vector<16xf32>
      %mul3A_52 = arith.constant 200 : i32
      %mul3A_53 = arith.muli %add3A_14, %mul3A_52 : i32
      %add3A_54 = arith.constant 104 : i32
      %add3A_55 = arith.addi %mul3A_53, %add3A_54 : i32
      "tpu.region"() ({
        %run_scoped3A = tpu.sem_alloc : memref<!tpu.dma_semaphore, #tpu.memory_space<semaphore_mem>>
        %dma_start3A_414 = tpu.memref_slice %arg2[%add3A_55] : memref<204800xi32, #tpu.memory_space<hbm>> -> memref<96xi32, #tpu.memory_space<hbm>>
        %dma_start3A_415 = tpu.memref_slice %arg2[%add3A_55] : memref<204800xi32, #tpu.memory_space<hbm>> -> memref<96xi32, #tpu.memory_space<hbm>>
        tpu.enqueue_dma source(%dma_start3A_415 : memref<96xi32, #tpu.memory_space<hbm>>) target(%arg7 : memref<96xi32, #tpu.memory_space<vmem>>) target_semaphore(%run_scoped3A : memref<!tpu.dma_semaphore, #tpu.memory_space<semaphore_mem>>)
        %dma_wait3A_416 = tpu.memref_slice %arg2[%add3A_55] : memref<204800xi32, #tpu.memory_space<hbm>> -> memref<96xi32, #tpu.memory_space<hbm>>
        %dma_wait3A_417 = tpu.memref_slice %arg2[%add3A_55] : memref<204800xi32, #tpu.memory_space<hbm>> -> memref<96xi32, #tpu.memory_space<hbm>>
        tpu.wait_dma2 semaphore(%run_scoped3A : memref<!tpu.dma_semaphore, #tpu.memory_space<semaphore_mem>>) src(%dma_wait3A_417 : memref<96xi32, #tpu.memory_space<hbm>>) dst(%arg7 : memref<96xi32, #tpu.memory_space<vmem>>)
        tpu.yield
      }) : () -> ()
      %dma_start3A_56 = arith.constant 0 : i32
      %dma_start3A_57 = arith.constant 0 : i32
      %dma_start3A_58 = tpu.memref_slice %arg4[%dma_start3A_56, %dma_start3A_57] : memref<100000x384xf32, #tpu.memory_space<hbm>> -> memref<100000x384xf32, #tpu.memory_space<hbm>>
      tpu.enqueue_indirect_dma source(%dma_start3A_58 : memref<100000x384xf32, #tpu.memory_space<hbm>>) target(%arg9 : memref<96x384xf32, #tpu.memory_space<vmem>>) offsets(%arg7 : memref<96xi32, #tpu.memory_space<vmem>>) semaphore(%arg12 : memref<!tpu.dma_semaphore, #tpu.memory_space<semaphore_mem>>)
      %dma_wait3A = arith.constant 0 : i32
      %dma_wait3A_59 = arith.constant 0 : i32
      %dma_wait3A_60 = tpu.memref_slice %arg4[%dma_wait3A, %dma_wait3A_59] : memref<100000x384xf32, #tpu.memory_space<hbm>> -> memref<100000x384xf32, #tpu.memory_space<hbm>>
      tpu.wait_indirect_dma semaphore(%arg11 : memref<!tpu.dma_semaphore, #tpu.memory_space<semaphore_mem>>) src(%dma_wait3A_60 : memref<100000x384xf32, #tpu.memory_space<hbm>>) dst(%arg8 : memref<104x384xf32, #tpu.memory_space<vmem>>)
      %broadcast_in_dim3A_61 = arith.constant 0.000000e+00 : f32
      %broadcast_in_dim3A_62 = vector.broadcast %broadcast_in_dim3A_61 : f32 to vector<16xf32>
      %broadcast_in_dim3A_63 = arith.constant 0.000000e+00 : f32
      %broadcast_in_dim3A_64 = vector.broadcast %broadcast_in_dim3A_63 : f32 to vector<16xf32>
      %broadcast_in_dim3A_65 = arith.constant 0.000000e+00 : f32
      %broadcast_in_dim3A_66 = vector.broadcast %broadcast_in_dim3A_65 : f32 to vector<16xf32>
      %broadcast_in_dim3A_67 = arith.constant 0.000000e+00 : f32
      %broadcast_in_dim3A_68 = vector.broadcast %broadcast_in_dim3A_67 : f32 to vector<16xf32>
      %broadcast_in_dim3A_69 = arith.constant 0.000000e+00 : f32
      %broadcast_in_dim3A_70 = vector.broadcast %broadcast_in_dim3A_69 : f32 to vector<16xf32>
      %broadcast_in_dim3A_71 = arith.constant 0.000000e+00 : f32
      %broadcast_in_dim3A_72 = vector.broadcast %broadcast_in_dim3A_71 : f32 to vector<16xf32>
      %broadcast_in_dim3A_73 = arith.constant 0.000000e+00 : f32
      %broadcast_in_dim3A_74 = vector.broadcast %broadcast_in_dim3A_73 : f32 to vector<16xf32>
      %broadcast_in_dim3A_75 = arith.constant 0.000000e+00 : f32
      %broadcast_in_dim3A_76 = vector.broadcast %broadcast_in_dim3A_75 : f32 to vector<16xf32>
      %broadcast_in_dim3A_77 = arith.constant 0.000000e+00 : f32
      %broadcast_in_dim3A_78 = vector.broadcast %broadcast_in_dim3A_77 : f32 to vector<16xf32>
      %broadcast_in_dim3A_79 = arith.constant 0.000000e+00 : f32
      %broadcast_in_dim3A_80 = vector.broadcast %broadcast_in_dim3A_79 : f32 to vector<16xf32>
      %broadcast_in_dim3A_81 = arith.constant 0.000000e+00 : f32
      %broadcast_in_dim3A_82 = vector.broadcast %broadcast_in_dim3A_81 : f32 to vector<16xf32>
      %broadcast_in_dim3A_83 = arith.constant 0.000000e+00 : f32
      %broadcast_in_dim3A_84 = vector.broadcast %broadcast_in_dim3A_83 : f32 to vector<16xf32>
      %broadcast_in_dim3A_85 = arith.constant 0.000000e+00 : f32
      %broadcast_in_dim3A_86 = vector.broadcast %broadcast_in_dim3A_85 : f32 to vector<16xf32>
      %broadcast_in_dim3A_87 = arith.constant 0.000000e+00 : f32
      %broadcast_in_dim3A_88 = vector.broadcast %broadcast_in_dim3A_87 : f32 to vector<16xf32>
      %broadcast_in_dim3A_89 = arith.constant 0.000000e+00 : f32
      %broadcast_in_dim3A_90 = vector.broadcast %broadcast_in_dim3A_89 : f32 to vector<16xf32>
      %broadcast_in_dim3A_91 = arith.constant 0.000000e+00 : f32
      %broadcast_in_dim3A_92 = vector.broadcast %broadcast_in_dim3A_91 : f32 to vector<16xf32>
      %broadcast_in_dim3A_93 = arith.constant 0.000000e+00 : f32
      %broadcast_in_dim3A_94 = vector.broadcast %broadcast_in_dim3A_93 : f32 to vector<16xf32>
      %broadcast_in_dim3A_95 = arith.constant 0.000000e+00 : f32
      %broadcast_in_dim3A_96 = vector.broadcast %broadcast_in_dim3A_95 : f32 to vector<16xf32>
      %broadcast_in_dim3A_97 = arith.constant 0.000000e+00 : f32
      %broadcast_in_dim3A_98 = vector.broadcast %broadcast_in_dim3A_97 : f32 to vector<16xf32>
      %scan3A_99 = arith.constant 0 : i32
      %scan3A_100 = arith.constant 52 : i32
      %scan3A_101 = arith.addi %scan3A_99, %scan3A_100 : i32
      %scan3A_102 = arith.constant 1 : i32
      %scan3A_103:19 = scf.for %scan3A_414 = %scan3A_99 to %scan3A_101 step %scan3A_102 iter_args(%scan3A_415 = %broadcast_in_dim3A_62, %scan3A_416 = %broadcast_in_dim3A_64, %scan3A_417 = %broadcast_in_dim3A_66, %scan3A_418 = %broadcast_in_dim3A_68, %scan3A_419 = %broadcast_in_dim3A_70, %scan3A_420 = %broadcast_in_dim3A_72, %scan3A_421 = %broadcast_in_dim3A_74, %scan3A_422 = %broadcast_in_dim3A_76, %scan3A_423 = %broadcast_in_dim3A_78, %scan3A_424 = %broadcast_in_dim3A_80, %scan3A_425 = %broadcast_in_dim3A_82, %scan3A_426 = %broadcast_in_dim3A_84, %scan3A_427 = %broadcast_in_dim3A_86, %scan3A_428 = %broadcast_in_dim3A_88, %scan3A_429 = %broadcast_in_dim3A_90, %scan3A_430 = %broadcast_in_dim3A_92, %scan3A_431 = %broadcast_in_dim3A_94, %scan3A_432 = %broadcast_in_dim3A_96, %scan3A_433 = %broadcast_in_dim3A_98) -> (vector<16xf32>, vector<16xf32>, vector<16xf32>, vector<16xf32>, vector<16xf32>, vector<16xf32>, vector<16xf32>, vector<16xf32>, vector<16xf32>, vector<16xf32>, vector<16xf32>, vector<16xf32>, vector<16xf32>, vector<16xf32>, vector<16xf32>, vector<16xf32>, vector<16xf32>, vector<16xf32>, vector<16xf32>)  : i32 {
        %mul3A_434 = arith.constant 2 : i32
        %mul3A_435 = arith.muli %mul3A_434, %scan3A_414 : i32
        %get3A = arith.index_cast %mul3A_435 : i32 to index
        %get3A_436 = arith.constant 0 : index
        %get3A_437 = tpu.vector_load %arg8[%get3A, %get3A_436] {strides = array<i32>} : memref<104x384xf32, #tpu.memory_space<vmem>>, vector<1x16xf32>,
        %get3A_438 = vector.shape_cast %get3A_437 : vector<1x16xf32> to vector<16xf32>
        %mul3A_439 = arith.constant 2 : i32
        %mul3A_440 = arith.muli %mul3A_439, %scan3A_414 : i32
        %add3A_441 = arith.constant 1 : i32
        %add3A_442 = arith.addi %mul3A_440, %add3A_441 : i32
        %get3A_443 = arith.index_cast %add3A_442 : i32 to index
        %get3A_444 = arith.constant 0 : index
        %get3A_445 = tpu.vector_load %arg8[%get3A_443, %get3A_444] {strides = array<i32>} : memref<104x384xf32, #tpu.memory_space<vmem>>, vector<1x16xf32>,
        %get3A_446 = vector.shape_cast %get3A_445 : vector<1x16xf32> to vector<16xf32>
        %add3A_447 = arith.addf %get3A_438, %get3A_446 : vector<16xf32>
        %add3A_448 = arith.addf %scan3A_415, %add3A_447 : vector<16xf32>
        %mul3A_449 = arith.constant 2 : i32
        %mul3A_450 = arith.muli %mul3A_449, %scan3A_414 : i32
        %get3A_451 = arith.index_cast %mul3A_450 : i32 to index
        %get3A_452 = arith.constant 16 : index
        %get3A_453 = tpu.vector_load %arg8[%get3A_451, %get3A_452] {strides = array<i32>} : memref<104x384xf32, #tpu.memory_space<vmem>>, vector<1x16xf32>,
        %get3A_454 = vector.shape_cast %get3A_453 : vector<1x16xf32> to vector<16xf32>
        %mul3A_455 = arith.constant 2 : i32
        %mul3A_456 = arith.muli %mul3A_455, %scan3A_414 : i32
        %add3A_457 = arith.constant 1 : i32
        %add3A_458 = arith.addi %mul3A_456, %add3A_457 : i32
        %get3A_459 = arith.index_cast %add3A_458 : i32 to index
        %get3A_460 = arith.constant 16 : index
        %get3A_461 = tpu.vector_load %arg8[%get3A_459, %get3A_460] {strides = array<i32>} : memref<104x384xf32, #tpu.memory_space<vmem>>, vector<1x16xf32>,
        %get3A_462 = vector.shape_cast %get3A_461 : vector<1x16xf32> to vector<16xf32>
        %add3A_463 = arith.addf %get3A_454, %get3A_462 : vector<16xf32>
        %add3A_464 = arith.addf %scan3A_416, %add3A_463 : vector<16xf32>
        %mul3A_465 = arith.constant 2 : i32
        %mul3A_466 = arith.muli %mul3A_465, %scan3A_414 : i32
        %get3A_467 = arith.index_cast %mul3A_466 : i32 to index
        %get3A_468 = arith.constant 32 : index
        %get3A_469 = tpu.vector_load %arg8[%get3A_467, %get3A_468] {strides = array<i32>} : memref<104x384xf32, #tpu.memory_space<vmem>>, vector<1x16xf32>,
        %get3A_470 = vector.shape_cast %get3A_469 : vector<1x16xf32> to vector<16xf32>
        %mul3A_471 = arith.constant 2 : i32
        %mul3A_472 = arith.muli %mul3A_471, %scan3A_414 : i32
        %add3A_473 = arith.constant 1 : i32
        %add3A_474 = arith.addi %mul3A_472, %add3A_473 : i32
        %get3A_475 = arith.index_cast %add3A_474 : i32 to index
        %get3A_476 = arith.constant 32 : index
        %get3A_477 = tpu.vector_load %arg8[%get3A_475, %get3A_476] {strides = array<i32>} : memref<104x384xf32, #tpu.memory_space<vmem>>, vector<1x16xf32>,
        %get3A_478 = vector.shape_cast %get3A_477 : vector<1x16xf32> to vector<16xf32>
        %add3A_479 = arith.addf %get3A_470, %get3A_478 : vector<16xf32>
        %add3A_480 = arith.addf %scan3A_417, %add3A_479 : vector<16xf32>
        %mul3A_481 = arith.constant 2 : i32
        %mul3A_482 = arith.muli %mul3A_481, %scan3A_414 : i32
        %get3A_483 = arith.index_cast %mul3A_482 : i32 to index
        %get3A_484 = arith.constant 48 : index
        %get3A_485 = tpu.vector_load %arg8[%get3A_483, %get3A_484] {strides = array<i32>} : memref<104x384xf32, #tpu.memory_space<vmem>>, vector<1x16xf32>,
        %get3A_486 = vector.shape_cast %get3A_485 : vector<1x16xf32> to vector<16xf32>
        %mul3A_487 = arith.constant 2 : i32
        %mul3A_488 = arith.muli %mul3A_487, %scan3A_414 : i32
        %add3A_489 = arith.constant 1 : i32
        %add3A_490 = arith.addi %mul3A_488, %add3A_489 : i32
        %get3A_491 = arith.index_cast %add3A_490 : i32 to index
        %get3A_492 = arith.constant 48 : index
        %get3A_493 = tpu.vector_load %arg8[%get3A_491, %get3A_492] {strides = array<i32>} : memref<104x384xf32, #tpu.memory_space<vmem>>, vector<1x16xf32>,
        %get3A_494 = vector.shape_cast %get3A_493 : vector<1x16xf32> to vector<16xf32>
        %add3A_495 = arith.addf %get3A_486, %get3A_494 : vector<16xf32>
        %add3A_496 = arith.addf %scan3A_418, %add3A_495 : vector<16xf32>
        %mul3A_497 = arith.constant 2 : i32
        %mul3A_498 = arith.muli %mul3A_497, %scan3A_414 : i32
        %get3A_499 = arith.index_cast %mul3A_498 : i32 to index
        %get3A_500 = arith.constant 64 : index
        %get3A_501 = tpu.vector_load %arg8[%get3A_499, %get3A_500] {strides = array<i32>} : memref<104x384xf32, #tpu.memory_space<vmem>>, vector<1x16xf32>,
        %get3A_502 = vector.shape_cast %get3A_501 : vector<1x16xf32> to vector<16xf32>
        %mul3A_503 = arith.constant 2 : i32
        %mul3A_504 = arith.muli %mul3A_503, %scan3A_414 : i32
        %add3A_505 = arith.constant 1 : i32
        %add3A_506 = arith.addi %mul3A_504, %add3A_505 : i32
        %get3A_507 = arith.index_cast %add3A_506 : i32 to index
        %get3A_508 = arith.constant 64 : index
        %get3A_509 = tpu.vector_load %arg8[%get3A_507, %get3A_508] {strides = array<i32>} : memref<104x384xf32, #tpu.memory_space<vmem>>, vector<1x16xf32>,
        %get3A_510 = vector.shape_cast %get3A_509 : vector<1x16xf32> to vector<16xf32>
        %add3A_511 = arith.addf %get3A_502, %get3A_510 : vector<16xf32>
        %add3A_512 = arith.addf %scan3A_419, %add3A_511 : vector<16xf32>
        %mul3A_513 = arith.constant 2 : i32
        %mul3A_514 = arith.muli %mul3A_513, %scan3A_414 : i32
        %get3A_515 = arith.index_cast %mul3A_514 : i32 to index
        %get3A_516 = arith.constant 80 : index
        %get3A_517 = tpu.vector_load %arg8[%get3A_515, %get3A_516] {strides = array<i32>} : memref<104x384xf32, #tpu.memory_space<vmem>>, vector<1x16xf32>,
        %get3A_518 = vector.shape_cast %get3A_517 : vector<1x16xf32> to vector<16xf32>
        %mul3A_519 = arith.constant 2 : i32
        %mul3A_520 = arith.muli %mul3A_519, %scan3A_414 : i32
        %add3A_521 = arith.constant 1 : i32
        %add3A_522 = arith.addi %mul3A_520, %add3A_521 : i32
        %get3A_523 = arith.index_cast %add3A_522 : i32 to index
        %get3A_524 = arith.constant 80 : index
        %get3A_525 = tpu.vector_load %arg8[%get3A_523, %get3A_524] {strides = array<i32>} : memref<104x384xf32, #tpu.memory_space<vmem>>, vector<1x16xf32>,
        %get3A_526 = vector.shape_cast %get3A_525 : vector<1x16xf32> to vector<16xf32>
        %add3A_527 = arith.addf %get3A_518, %get3A_526 : vector<16xf32>
        %add3A_528 = arith.addf %scan3A_420, %add3A_527 : vector<16xf32>
        %mul3A_529 = arith.constant 2 : i32
        %mul3A_530 = arith.muli %mul3A_529, %scan3A_414 : i32
        %get3A_531 = arith.index_cast %mul3A_530 : i32 to index
        %get3A_532 = arith.constant 96 : index
        %get3A_533 = tpu.vector_load %arg8[%get3A_531, %get3A_532] {strides = array<i32>} : memref<104x384xf32, #tpu.memory_space<vmem>>, vector<1x16xf32>,
        %get3A_534 = vector.shape_cast %get3A_533 : vector<1x16xf32> to vector<16xf32>
        %mul3A_535 = arith.constant 2 : i32
        %mul3A_536 = arith.muli %mul3A_535, %scan3A_414 : i32
        %add3A_537 = arith.constant 1 : i32
        %add3A_538 = arith.addi %mul3A_536, %add3A_537 : i32
        %get3A_539 = arith.index_cast %add3A_538 : i32 to index
        %get3A_540 = arith.constant 96 : index
        %get3A_541 = tpu.vector_load %arg8[%get3A_539, %get3A_540] {strides = array<i32>} : memref<104x384xf32, #tpu.memory_space<vmem>>, vector<1x16xf32>,
        %get3A_542 = vector.shape_cast %get3A_541 : vector<1x16xf32> to vector<16xf32>
        %add3A_543 = arith.addf %get3A_534, %get3A_542 : vector<16xf32>
        %add3A_544 = arith.addf %scan3A_421, %add3A_543 : vector<16xf32>
        %mul3A_545 = arith.constant 2 : i32
        %mul3A_546 = arith.muli %mul3A_545, %scan3A_414 : i32
        %get3A_547 = arith.index_cast %mul3A_546 : i32 to index
        %get3A_548 = arith.constant 112 : index
        %get3A_549 = tpu.vector_load %arg8[%get3A_547, %get3A_548] {strides = array<i32>} : memref<104x384xf32, #tpu.memory_space<vmem>>, vector<1x16xf32>,
        %get3A_550 = vector.shape_cast %get3A_549 : vector<1x16xf32> to vector<16xf32>
        %mul3A_551 = arith.constant 2 : i32
        %mul3A_552 = arith.muli %mul3A_551, %scan3A_414 : i32
        %add3A_553 = arith.constant 1 : i32
        %add3A_554 = arith.addi %mul3A_552, %add3A_553 : i32
        %get3A_555 = arith.index_cast %add3A_554 : i32 to index
        %get3A_556 = arith.constant 112 : index
        %get3A_557 = tpu.vector_load %arg8[%get3A_555, %get3A_556] {strides = array<i32>} : memref<104x384xf32, #tpu.memory_space<vmem>>, vector<1x16xf32>,
        %get3A_558 = vector.shape_cast %get3A_557 : vector<1x16xf32> to vector<16xf32>
        %add3A_559 = arith.addf %get3A_550, %get3A_558 : vector<16xf32>
        %add3A_560 = arith.addf %scan3A_422, %add3A_559 : vector<16xf32>
        %mul3A_561 = arith.constant 2 : i32
        %mul3A_562 = arith.muli %mul3A_561, %scan3A_414 : i32
        %get3A_563 = arith.index_cast %mul3A_562 : i32 to index
        %get3A_564 = arith.constant 128 : index
        %get3A_565 = tpu.vector_load %arg8[%get3A_563, %get3A_564] {strides = array<i32>} : memref<104x384xf32, #tpu.memory_space<vmem>>, vector<1x16xf32>,
        %get3A_566 = vector.shape_cast %get3A_565 : vector<1x16xf32> to vector<16xf32>
        %mul3A_567 = arith.constant 2 : i32
        %mul3A_568 = arith.muli %mul3A_567, %scan3A_414 : i32
        %add3A_569 = arith.constant 1 : i32
        %add3A_570 = arith.addi %mul3A_568, %add3A_569 : i32
        %get3A_571 = arith.index_cast %add3A_570 : i32 to index
        %get3A_572 = arith.constant 128 : index
        %get3A_573 = tpu.vector_load %arg8[%get3A_571, %get3A_572] {strides = array<i32>} : memref<104x384xf32, #tpu.memory_space<vmem>>, vector<1x16xf32>,
        %get3A_574 = vector.shape_cast %get3A_573 : vector<1x16xf32> to vector<16xf32>
        %add3A_575 = arith.addf %get3A_566, %get3A_574 : vector<16xf32>
        %add3A_576 = arith.addf %scan3A_423, %add3A_575 : vector<16xf32>
        %mul3A_577 = arith.constant 2 : i32
        %mul3A_578 = arith.muli %mul3A_577, %scan3A_414 : i32
        %get3A_579 = arith.index_cast %mul3A_578 : i32 to index
        %get3A_580 = arith.constant 144 : index
        %get3A_581 = tpu.vector_load %arg8[%get3A_579, %get3A_580] {strides = array<i32>} : memref<104x384xf32, #tpu.memory_space<vmem>>, vector<1x16xf32>,
        %get3A_582 = vector.shape_cast %get3A_581 : vector<1x16xf32> to vector<16xf32>
        %mul3A_583 = arith.constant 2 : i32
        %mul3A_584 = arith.muli %mul3A_583, %scan3A_414 : i32
        %add3A_585 = arith.constant 1 : i32
        %add3A_586 = arith.addi %mul3A_584, %add3A_585 : i32
        %get3A_587 = arith.index_cast %add3A_586 : i32 to index
        %get3A_588 = arith.constant 144 : index
        %get3A_589 = tpu.vector_load %arg8[%get3A_587, %get3A_588] {strides = array<i32>} : memref<104x384xf32, #tpu.memory_space<vmem>>, vector<1x16xf32>,
        %get3A_590 = vector.shape_cast %get3A_589 : vector<1x16xf32> to vector<16xf32>
        %add3A_591 = arith.addf %get3A_582, %get3A_590 : vector<16xf32>
        %add3A_592 = arith.addf %scan3A_424, %add3A_591 : vector<16xf32>
        %mul3A_593 = arith.constant 2 : i32
        %mul3A_594 = arith.muli %mul3A_593, %scan3A_414 : i32
        %get3A_595 = arith.index_cast %mul3A_594 : i32 to index
        %get3A_596 = arith.constant 160 : index
        %get3A_597 = tpu.vector_load %arg8[%get3A_595, %get3A_596] {strides = array<i32>} : memref<104x384xf32, #tpu.memory_space<vmem>>, vector<1x16xf32>,
        %get3A_598 = vector.shape_cast %get3A_597 : vector<1x16xf32> to vector<16xf32>
        %mul3A_599 = arith.constant 2 : i32
        %mul3A_600 = arith.muli %mul3A_599, %scan3A_414 : i32
        %add3A_601 = arith.constant 1 : i32
        %add3A_602 = arith.addi %mul3A_600, %add3A_601 : i32
        %get3A_603 = arith.index_cast %add3A_602 : i32 to index
        %get3A_604 = arith.constant 160 : index
        %get3A_605 = tpu.vector_load %arg8[%get3A_603, %get3A_604] {strides = array<i32>} : memref<104x384xf32, #tpu.memory_space<vmem>>, vector<1x16xf32>,
        %get3A_606 = vector.shape_cast %get3A_605 : vector<1x16xf32> to vector<16xf32>
        %add3A_607 = arith.addf %get3A_598, %get3A_606 : vector<16xf32>
        %add3A_608 = arith.addf %scan3A_425, %add3A_607 : vector<16xf32>
        %mul3A_609 = arith.constant 2 : i32
        %mul3A_610 = arith.muli %mul3A_609, %scan3A_414 : i32
        %get3A_611 = arith.index_cast %mul3A_610 : i32 to index
        %get3A_612 = arith.constant 176 : index
        %get3A_613 = tpu.vector_load %arg8[%get3A_611, %get3A_612] {strides = array<i32>} : memref<104x384xf32, #tpu.memory_space<vmem>>, vector<1x16xf32>,
        %get3A_614 = vector.shape_cast %get3A_613 : vector<1x16xf32> to vector<16xf32>
        %mul3A_615 = arith.constant 2 : i32
        %mul3A_616 = arith.muli %mul3A_615, %scan3A_414 : i32
        %add3A_617 = arith.constant 1 : i32
        %add3A_618 = arith.addi %mul3A_616, %add3A_617 : i32
        %get3A_619 = arith.index_cast %add3A_618 : i32 to index
        %get3A_620 = arith.constant 176 : index
        %get3A_621 = tpu.vector_load %arg8[%get3A_619, %get3A_620] {strides = array<i32>} : memref<104x384xf32, #tpu.memory_space<vmem>>, vector<1x16xf32>,
        %get3A_622 = vector.shape_cast %get3A_621 : vector<1x16xf32> to vector<16xf32>
        %add3A_623 = arith.addf %get3A_614, %get3A_622 : vector<16xf32>
        %add3A_624 = arith.addf %scan3A_426, %add3A_623 : vector<16xf32>
        %mul3A_625 = arith.constant 2 : i32
        %mul3A_626 = arith.muli %mul3A_625, %scan3A_414 : i32
        %get3A_627 = arith.index_cast %mul3A_626 : i32 to index
        %get3A_628 = arith.constant 192 : index
        %get3A_629 = tpu.vector_load %arg8[%get3A_627, %get3A_628] {strides = array<i32>} : memref<104x384xf32, #tpu.memory_space<vmem>>, vector<1x16xf32>,
        %get3A_630 = vector.shape_cast %get3A_629 : vector<1x16xf32> to vector<16xf32>
        %mul3A_631 = arith.constant 2 : i32
        %mul3A_632 = arith.muli %mul3A_631, %scan3A_414 : i32
        %add3A_633 = arith.constant 1 : i32
        %add3A_634 = arith.addi %mul3A_632, %add3A_633 : i32
        %get3A_635 = arith.index_cast %add3A_634 : i32 to index
        %get3A_636 = arith.constant 192 : index
        %get3A_637 = tpu.vector_load %arg8[%get3A_635, %get3A_636] {strides = array<i32>} : memref<104x384xf32, #tpu.memory_space<vmem>>, vector<1x16xf32>,
        %get3A_638 = vector.shape_cast %get3A_637 : vector<1x16xf32> to vector<16xf32>
        %add3A_639 = arith.addf %get3A_630, %get3A_638 : vector<16xf32>
        %add3A_640 = arith.addf %scan3A_427, %add3A_639 : vector<16xf32>
        %mul3A_641 = arith.constant 2 : i32
        %mul3A_642 = arith.muli %mul3A_641, %scan3A_414 : i32
        %get3A_643 = arith.index_cast %mul3A_642 : i32 to index
        %get3A_644 = arith.constant 208 : index
        %get3A_645 = tpu.vector_load %arg8[%get3A_643, %get3A_644] {strides = array<i32>} : memref<104x384xf32, #tpu.memory_space<vmem>>, vector<1x16xf32>,
        %get3A_646 = vector.shape_cast %get3A_645 : vector<1x16xf32> to vector<16xf32>
        %mul3A_647 = arith.constant 2 : i32
        %mul3A_648 = arith.muli %mul3A_647, %scan3A_414 : i32
        %add3A_649 = arith.constant 1 : i32
        %add3A_650 = arith.addi %mul3A_648, %add3A_649 : i32
        %get3A_651 = arith.index_cast %add3A_650 : i32 to index
        %get3A_652 = arith.constant 208 : index
        %get3A_653 = tpu.vector_load %arg8[%get3A_651, %get3A_652] {strides = array<i32>} : memref<104x384xf32, #tpu.memory_space<vmem>>, vector<1x16xf32>,
        %get3A_654 = vector.shape_cast %get3A_653 : vector<1x16xf32> to vector<16xf32>
        %add3A_655 = arith.addf %get3A_646, %get3A_654 : vector<16xf32>
        %add3A_656 = arith.addf %scan3A_428, %add3A_655 : vector<16xf32>
        %mul3A_657 = arith.constant 2 : i32
        %mul3A_658 = arith.muli %mul3A_657, %scan3A_414 : i32
        %get3A_659 = arith.index_cast %mul3A_658 : i32 to index
        %get3A_660 = arith.constant 224 : index
        %get3A_661 = tpu.vector_load %arg8[%get3A_659, %get3A_660] {strides = array<i32>} : memref<104x384xf32, #tpu.memory_space<vmem>>, vector<1x16xf32>,
        %get3A_662 = vector.shape_cast %get3A_661 : vector<1x16xf32> to vector<16xf32>
        %mul3A_663 = arith.constant 2 : i32
        %mul3A_664 = arith.muli %mul3A_663, %scan3A_414 : i32
        %add3A_665 = arith.constant 1 : i32
        %add3A_666 = arith.addi %mul3A_664, %add3A_665 : i32
        %get3A_667 = arith.index_cast %add3A_666 : i32 to index
        %get3A_668 = arith.constant 224 : index
        %get3A_669 = tpu.vector_load %arg8[%get3A_667, %get3A_668] {strides = array<i32>} : memref<104x384xf32, #tpu.memory_space<vmem>>, vector<1x16xf32>,
        %get3A_670 = vector.shape_cast %get3A_669 : vector<1x16xf32> to vector<16xf32>
        %add3A_671 = arith.addf %get3A_662, %get3A_670 : vector<16xf32>
        %add3A_672 = arith.addf %scan3A_429, %add3A_671 : vector<16xf32>
        %mul3A_673 = arith.constant 2 : i32
        %mul3A_674 = arith.muli %mul3A_673, %scan3A_414 : i32
        %get3A_675 = arith.index_cast %mul3A_674 : i32 to index
        %get3A_676 = arith.constant 240 : index
        %get3A_677 = tpu.vector_load %arg8[%get3A_675, %get3A_676] {strides = array<i32>} : memref<104x384xf32, #tpu.memory_space<vmem>>, vector<1x16xf32>,
        %get3A_678 = vector.shape_cast %get3A_677 : vector<1x16xf32> to vector<16xf32>
        %mul3A_679 = arith.constant 2 : i32
        %mul3A_680 = arith.muli %mul3A_679, %scan3A_414 : i32
        %add3A_681 = arith.constant 1 : i32
        %add3A_682 = arith.addi %mul3A_680, %add3A_681 : i32
        %get3A_683 = arith.index_cast %add3A_682 : i32 to index
        %get3A_684 = arith.constant 240 : index
        %get3A_685 = tpu.vector_load %arg8[%get3A_683, %get3A_684] {strides = array<i32>} : memref<104x384xf32, #tpu.memory_space<vmem>>, vector<1x16xf32>,
        %get3A_686 = vector.shape_cast %get3A_685 : vector<1x16xf32> to vector<16xf32>
        %add3A_687 = arith.addf %get3A_678, %get3A_686 : vector<16xf32>
        %add3A_688 = arith.addf %scan3A_430, %add3A_687 : vector<16xf32>
        %mul3A_689 = arith.constant 2 : i32
        %mul3A_690 = arith.muli %mul3A_689, %scan3A_414 : i32
        %get3A_691 = arith.index_cast %mul3A_690 : i32 to index
        %get3A_692 = arith.constant 256 : index
        %get3A_693 = tpu.vector_load %arg8[%get3A_691, %get3A_692] {strides = array<i32>} : memref<104x384xf32, #tpu.memory_space<vmem>>, vector<1x16xf32>,
        %get3A_694 = vector.shape_cast %get3A_693 : vector<1x16xf32> to vector<16xf32>
        %mul3A_695 = arith.constant 2 : i32
        %mul3A_696 = arith.muli %mul3A_695, %scan3A_414 : i32
        %add3A_697 = arith.constant 1 : i32
        %add3A_698 = arith.addi %mul3A_696, %add3A_697 : i32
        %get3A_699 = arith.index_cast %add3A_698 : i32 to index
        %get3A_700 = arith.constant 256 : index
        %get3A_701 = tpu.vector_load %arg8[%get3A_699, %get3A_700] {strides = array<i32>} : memref<104x384xf32, #tpu.memory_space<vmem>>, vector<1x16xf32>,
        %get3A_702 = vector.shape_cast %get3A_701 : vector<1x16xf32> to vector<16xf32>
        %add3A_703 = arith.addf %get3A_694, %get3A_702 : vector<16xf32>
        %add3A_704 = arith.addf %scan3A_431, %add3A_703 : vector<16xf32>
        %mul3A_705 = arith.constant 2 : i32
        %mul3A_706 = arith.muli %mul3A_705, %scan3A_414 : i32
        %get3A_707 = arith.index_cast %mul3A_706 : i32 to index
        %get3A_708 = arith.constant 272 : index
        %get3A_709 = tpu.vector_load %arg8[%get3A_707, %get3A_708] {strides = array<i32>} : memref<104x384xf32, #tpu.memory_space<vmem>>, vector<1x16xf32>,
        %get3A_710 = vector.shape_cast %get3A_709 : vector<1x16xf32> to vector<16xf32>
        %mul3A_711 = arith.constant 2 : i32
        %mul3A_712 = arith.muli %mul3A_711, %scan3A_414 : i32
        %add3A_713 = arith.constant 1 : i32
        %add3A_714 = arith.addi %mul3A_712, %add3A_713 : i32
        %get3A_715 = arith.index_cast %add3A_714 : i32 to index
        %get3A_716 = arith.constant 272 : index
        %get3A_717 = tpu.vector_load %arg8[%get3A_715, %get3A_716] {strides = array<i32>} : memref<104x384xf32, #tpu.memory_space<vmem>>, vector<1x16xf32>,
        %get3A_718 = vector.shape_cast %get3A_717 : vector<1x16xf32> to vector<16xf32>
        %add3A_719 = arith.addf %get3A_710, %get3A_718 : vector<16xf32>
        %add3A_720 = arith.addf %scan3A_432, %add3A_719 : vector<16xf32>
        %mul3A_721 = arith.constant 2 : i32
        %mul3A_722 = arith.muli %mul3A_721, %scan3A_414 : i32
        %get3A_723 = arith.index_cast %mul3A_722 : i32 to index
        %get3A_724 = arith.constant 288 : index
        %get3A_725 = tpu.vector_load %arg8[%get3A_723, %get3A_724] {strides = array<i32>} : memref<104x384xf32, #tpu.memory_space<vmem>>, vector<1x16xf32>,
        %get3A_726 = vector.shape_cast %get3A_725 : vector<1x16xf32> to vector<16xf32>
        %mul3A_727 = arith.constant 2 : i32
        %mul3A_728 = arith.muli %mul3A_727, %scan3A_414 : i32
        %add3A_729 = arith.constant 1 : i32
        %add3A_730 = arith.addi %mul3A_728, %add3A_729 : i32
        %get3A_731 = arith.index_cast %add3A_730 : i32 to index
        %get3A_732 = arith.constant 288 : index
        %get3A_733 = tpu.vector_load %arg8[%get3A_731, %get3A_732] {strides = array<i32>} : memref<104x384xf32, #tpu.memory_space<vmem>>, vector<1x16xf32>,
        %get3A_734 = vector.shape_cast %get3A_733 : vector<1x16xf32> to vector<16xf32>
        %add3A_735 = arith.addf %get3A_726, %get3A_734 : vector<16xf32>
        %add3A_736 = arith.addf %scan3A_433, %add3A_735 : vector<16xf32>
        scf.yield %add3A_448, %add3A_464, %add3A_480, %add3A_496, %add3A_512, %add3A_528, %add3A_544, %add3A_560, %add3A_576, %add3A_592, %add3A_608, %add3A_624, %add3A_640, %add3A_656, %add3A_672, %add3A_688, %add3A_704, %add3A_720, %add3A_736 : vector<16xf32>, vector<16xf32>, vector<16xf32>, vector<16xf32>, vector<16xf32>, vector<16xf32>, vector<16xf32>, vector<16xf32>, vector<16xf32>, vector<16xf32>, vector<16xf32>, vector<16xf32>, vector<16xf32>, vector<16xf32>, vector<16xf32>, vector<16xf32>, vector<16xf32>, vector<16xf32>, vector<16xf32>
      }
      %scan3A_104 = arith.constant 52 : i32
      %add3A_105 = arith.addf %broadcast_in_dim3A_15, %scan3A_103#0 : vector<16xf32>
      %add3A_106 = arith.addf %broadcast_in_dim3A_17, %scan3A_103#1 : vector<16xf32>
      %add3A_107 = arith.addf %broadcast_in_dim3A_19, %scan3A_103#2 : vector<16xf32>
      %add3A_108 = arith.addf %broadcast_in_dim3A_21, %scan3A_103#3 : vector<16xf32>
      %add3A_109 = arith.addf %broadcast_in_dim3A_23, %scan3A_103#4 : vector<16xf32>
      %add3A_110 = arith.addf %broadcast_in_dim3A_25, %scan3A_103#5 : vector<16xf32>
      %add3A_111 = arith.addf %broadcast_in_dim3A_27, %scan3A_103#6 : vector<16xf32>
      %add3A_112 = arith.addf %broadcast_in_dim3A_29, %scan3A_103#7 : vector<16xf32>
      %add3A_113 = arith.addf %broadcast_in_dim3A_31, %scan3A_103#8 : vector<16xf32>
      %add3A_114 = arith.addf %broadcast_in_dim3A_33, %scan3A_103#9 : vector<16xf32>
      %add3A_115 = arith.addf %broadcast_in_dim3A_35, %scan3A_103#10 : vector<16xf32>
      %add3A_116 = arith.addf %broadcast_in_dim3A_37, %scan3A_103#11 : vector<16xf32>
      %add3A_117 = arith.addf %broadcast_in_dim3A_39, %scan3A_103#12 : vector<16xf32>
      %add3A_118 = arith.addf %broadcast_in_dim3A_41, %scan3A_103#13 : vector<16xf32>
      %add3A_119 = arith.addf %broadcast_in_dim3A_43, %scan3A_103#14 : vector<16xf32>
      %add3A_120 = arith.addf %broadcast_in_dim3A_45, %scan3A_103#15 : vector<16xf32>
      %add3A_121 = arith.addf %broadcast_in_dim3A_47, %scan3A_103#16 : vector<16xf32>
      %add3A_122 = arith.addf %broadcast_in_dim3A_49, %scan3A_103#17 : vector<16xf32>
      %add3A_123 = arith.addf %broadcast_in_dim3A_51, %scan3A_103#18 : vector<16xf32>
      %mul3A_124 = arith.constant 200 : i32
      %mul3A_125 = arith.muli %add3A_14, %mul3A_124 : i32
      %add3A_126 = arith.constant 0 : i32
      %add3A_127 = arith.addi %mul3A_125, %add3A_126 : i32
      "tpu.region"() ({
        %run_scoped3A = tpu.sem_alloc : memref<!tpu.dma_semaphore, #tpu.memory_space<semaphore_mem>>
        %dma_start3A_414 = tpu.memref_slice %arg3[%add3A_127] : memref<204800xi32, #tpu.memory_space<hbm>> -> memref<104xi32, #tpu.memory_space<hbm>>
        %dma_start3A_415 = tpu.memref_slice %arg3[%add3A_127] : memref<204800xi32, #tpu.memory_space<hbm>> -> memref<104xi32, #tpu.memory_space<hbm>>
        tpu.enqueue_dma source(%dma_start3A_415 : memref<104xi32, #tpu.memory_space<hbm>>) target(%arg6 : memref<104xi32, #tpu.memory_space<vmem>>) target_semaphore(%run_scoped3A : memref<!tpu.dma_semaphore, #tpu.memory_space<semaphore_mem>>)
        %dma_wait3A_416 = tpu.memref_slice %arg3[%add3A_127] : memref<204800xi32, #tpu.memory_space<hbm>> -> memref<104xi32, #tpu.memory_space<hbm>>
        %dma_wait3A_417 = tpu.memref_slice %arg3[%add3A_127] : memref<204800xi32, #tpu.memory_space<hbm>> -> memref<104xi32, #tpu.memory_space<hbm>>
        tpu.wait_dma2 semaphore(%run_scoped3A : memref<!tpu.dma_semaphore, #tpu.memory_space<semaphore_mem>>) src(%dma_wait3A_417 : memref<104xi32, #tpu.memory_space<hbm>>) dst(%arg6 : memref<104xi32, #tpu.memory_space<vmem>>)
        tpu.yield
      }) : () -> ()
      %dma_start3A_128 = arith.constant 0 : i32
      %dma_start3A_129 = arith.constant 0 : i32
      %dma_start3A_130 = tpu.memref_slice %arg4[%dma_start3A_128, %dma_start3A_129] : memref<100000x384xf32, #tpu.memory_space<hbm>> -> memref<100000x384xf32, #tpu.memory_space<hbm>>
      tpu.enqueue_indirect_dma source(%dma_start3A_130 : memref<100000x384xf32, #tpu.memory_space<hbm>>) target(%arg8 : memref<104x384xf32, #tpu.memory_space<vmem>>) offsets(%arg6 : memref<104xi32, #tpu.memory_space<vmem>>) semaphore(%arg11 : memref<!tpu.dma_semaphore, #tpu.memory_space<semaphore_mem>>)
      %dma_wait3A_131 = arith.constant 0 : i32
      %dma_wait3A_132 = arith.constant 0 : i32
      %dma_wait3A_133 = tpu.memref_slice %arg4[%dma_wait3A_131, %dma_wait3A_132] : memref<100000x384xf32, #tpu.memory_space<hbm>> -> memref<100000x384xf32, #tpu.memory_space<hbm>>
      tpu.wait_indirect_dma semaphore(%arg12 : memref<!tpu.dma_semaphore, #tpu.memory_space<semaphore_mem>>) src(%dma_wait3A_133 : memref<100000x384xf32, #tpu.memory_space<hbm>>) dst(%arg9 : memref<96x384xf32, #tpu.memory_space<vmem>>)
      %broadcast_in_dim3A_134 = arith.constant 0.000000e+00 : f32
      %broadcast_in_dim3A_135 = vector.broadcast %broadcast_in_dim3A_134 : f32 to vector<16xf32>
      %broadcast_in_dim3A_136 = arith.constant 0.000000e+00 : f32
      %broadcast_in_dim3A_137 = vector.broadcast %broadcast_in_dim3A_136 : f32 to vector<16xf32>
      %broadcast_in_dim3A_138 = arith.constant 0.000000e+00 : f32
      %broadcast_in_dim3A_139 = vector.broadcast %broadcast_in_dim3A_138 : f32 to vector<16xf32>
      %broadcast_in_dim3A_140 = arith.constant 0.000000e+00 : f32
      %broadcast_in_dim3A_141 = vector.broadcast %broadcast_in_dim3A_140 : f32 to vector<16xf32>
      %broadcast_in_dim3A_142 = arith.constant 0.000000e+00 : f32
      %broadcast_in_dim3A_143 = vector.broadcast %broadcast_in_dim3A_142 : f32 to vector<16xf32>
      %broadcast_in_dim3A_144 = arith.constant 0.000000e+00 : f32
      %broadcast_in_dim3A_145 = vector.broadcast %broadcast_in_dim3A_144 : f32 to vector<16xf32>
      %broadcast_in_dim3A_146 = arith.constant 0.000000e+00 : f32
      %broadcast_in_dim3A_147 = vector.broadcast %broadcast_in_dim3A_146 : f32 to vector<16xf32>
      %broadcast_in_dim3A_148 = arith.constant 0.000000e+00 : f32
      %broadcast_in_dim3A_149 = vector.broadcast %broadcast_in_dim3A_148 : f32 to vector<16xf32>
      %broadcast_in_dim3A_150 = arith.constant 0.000000e+00 : f32
      %broadcast_in_dim3A_151 = vector.broadcast %broadcast_in_dim3A_150 : f32 to vector<16xf32>
      %broadcast_in_dim3A_152 = arith.constant 0.000000e+00 : f32
      %broadcast_in_dim3A_153 = vector.broadcast %broadcast_in_dim3A_152 : f32 to vector<16xf32>
      %broadcast_in_dim3A_154 = arith.constant 0.000000e+00 : f32
      %broadcast_in_dim3A_155 = vector.broadcast %broadcast_in_dim3A_154 : f32 to vector<16xf32>
      %broadcast_in_dim3A_156 = arith.constant 0.000000e+00 : f32
      %broadcast_in_dim3A_157 = vector.broadcast %broadcast_in_dim3A_156 : f32 to vector<16xf32>
      %broadcast_in_dim3A_158 = arith.constant 0.000000e+00 : f32
      %broadcast_in_dim3A_159 = vector.broadcast %broadcast_in_dim3A_158 : f32 to vector<16xf32>
      %broadcast_in_dim3A_160 = arith.constant 0.000000e+00 : f32
      %broadcast_in_dim3A_161 = vector.broadcast %broadcast_in_dim3A_160 : f32 to vector<16xf32>
      %broadcast_in_dim3A_162 = arith.constant 0.000000e+00 : f32
      %broadcast_in_dim3A_163 = vector.broadcast %broadcast_in_dim3A_162 : f32 to vector<16xf32>
      %broadcast_in_dim3A_164 = arith.constant 0.000000e+00 : f32
      %broadcast_in_dim3A_165 = vector.broadcast %broadcast_in_dim3A_164 : f32 to vector<16xf32>
      %broadcast_in_dim3A_166 = arith.constant 0.000000e+00 : f32
      %broadcast_in_dim3A_167 = vector.broadcast %broadcast_in_dim3A_166 : f32 to vector<16xf32>
      %broadcast_in_dim3A_168 = arith.constant 0.000000e+00 : f32
      %broadcast_in_dim3A_169 = vector.broadcast %broadcast_in_dim3A_168 : f32 to vector<16xf32>
      %broadcast_in_dim3A_170 = arith.constant 0.000000e+00 : f32
      %broadcast_in_dim3A_171 = vector.broadcast %broadcast_in_dim3A_170 : f32 to vector<16xf32>
      %scan3A_172 = arith.constant 0 : i32
      %scan3A_173 = arith.constant 48 : i32
      %scan3A_174 = arith.addi %scan3A_172, %scan3A_173 : i32
      %scan3A_175 = arith.constant 1 : i32
      %scan3A_176:19 = scf.for %scan3A_414 = %scan3A_172 to %scan3A_174 step %scan3A_175 iter_args(%scan3A_415 = %broadcast_in_dim3A_135, %scan3A_416 = %broadcast_in_dim3A_137, %scan3A_417 = %broadcast_in_dim3A_139, %scan3A_418 = %broadcast_in_dim3A_141, %scan3A_419 = %broadcast_in_dim3A_143, %scan3A_420 = %broadcast_in_dim3A_145, %scan3A_421 = %broadcast_in_dim3A_147, %scan3A_422 = %broadcast_in_dim3A_149, %scan3A_423 = %broadcast_in_dim3A_151, %scan3A_424 = %broadcast_in_dim3A_153, %scan3A_425 = %broadcast_in_dim3A_155, %scan3A_426 = %broadcast_in_dim3A_157, %scan3A_427 = %broadcast_in_dim3A_159, %scan3A_428 = %broadcast_in_dim3A_161, %scan3A_429 = %broadcast_in_dim3A_163, %scan3A_430 = %broadcast_in_dim3A_165, %scan3A_431 = %broadcast_in_dim3A_167, %scan3A_432 = %broadcast_in_dim3A_169, %scan3A_433 = %broadcast_in_dim3A_171) -> (vector<16xf32>, vector<16xf32>, vector<16xf32>, vector<16xf32>, vector<16xf32>, vector<16xf32>, vector<16xf32>, vector<16xf32>, vector<16xf32>, vector<16xf32>, vector<16xf32>, vector<16xf32>, vector<16xf32>, vector<16xf32>, vector<16xf32>, vector<16xf32>, vector<16xf32>, vector<16xf32>, vector<16xf32>)  : i32 {
        %mul3A_434 = arith.constant 2 : i32
        %mul3A_435 = arith.muli %mul3A_434, %scan3A_414 : i32
        %get3A = arith.index_cast %mul3A_435 : i32 to index
        %get3A_436 = arith.constant 0 : index
        %get3A_437 = tpu.vector_load %arg9[%get3A, %get3A_436] {strides = array<i32>} : memref<96x384xf32, #tpu.memory_space<vmem>>, vector<1x16xf32>,
        %get3A_438 = vector.shape_cast %get3A_437 : vector<1x16xf32> to vector<16xf32>
        %mul3A_439 = arith.constant 2 : i32
        %mul3A_440 = arith.muli %mul3A_439, %scan3A_414 : i32
        %add3A_441 = arith.constant 1 : i32
        %add3A_442 = arith.addi %mul3A_440, %add3A_441 : i32
        %get3A_443 = arith.index_cast %add3A_442 : i32 to index
        %get3A_444 = arith.constant 0 : index
        %get3A_445 = tpu.vector_load %arg9[%get3A_443, %get3A_444] {strides = array<i32>} : memref<96x384xf32, #tpu.memory_space<vmem>>, vector<1x16xf32>,
        %get3A_446 = vector.shape_cast %get3A_445 : vector<1x16xf32> to vector<16xf32>
        %add3A_447 = arith.addf %get3A_438, %get3A_446 : vector<16xf32>
        %add3A_448 = arith.addf %scan3A_415, %add3A_447 : vector<16xf32>
        %mul3A_449 = arith.constant 2 : i32
        %mul3A_450 = arith.muli %mul3A_449, %scan3A_414 : i32
        %get3A_451 = arith.index_cast %mul3A_450 : i32 to index
        %get3A_452 = arith.constant 16 : index
        %get3A_453 = tpu.vector_load %arg9[%get3A_451, %get3A_452] {strides = array<i32>} : memref<96x384xf32, #tpu.memory_space<vmem>>, vector<1x16xf32>,
        %get3A_454 = vector.shape_cast %get3A_453 : vector<1x16xf32> to vector<16xf32>
        %mul3A_455 = arith.constant 2 : i32
        %mul3A_456 = arith.muli %mul3A_455, %scan3A_414 : i32
        %add3A_457 = arith.constant 1 : i32
        %add3A_458 = arith.addi %mul3A_456, %add3A_457 : i32
        %get3A_459 = arith.index_cast %add3A_458 : i32 to index
        %get3A_460 = arith.constant 16 : index
        %get3A_461 = tpu.vector_load %arg9[%get3A_459, %get3A_460] {strides = array<i32>} : memref<96x384xf32, #tpu.memory_space<vmem>>, vector<1x16xf32>,
        %get3A_462 = vector.shape_cast %get3A_461 : vector<1x16xf32> to vector<16xf32>
        %add3A_463 = arith.addf %get3A_454, %get3A_462 : vector<16xf32>
        %add3A_464 = arith.addf %scan3A_416, %add3A_463 : vector<16xf32>
        %mul3A_465 = arith.constant 2 : i32
        %mul3A_466 = arith.muli %mul3A_465, %scan3A_414 : i32
        %get3A_467 = arith.index_cast %mul3A_466 : i32 to index
        %get3A_468 = arith.constant 32 : index
        %get3A_469 = tpu.vector_load %arg9[%get3A_467, %get3A_468] {strides = array<i32>} : memref<96x384xf32, #tpu.memory_space<vmem>>, vector<1x16xf32>,
        %get3A_470 = vector.shape_cast %get3A_469 : vector<1x16xf32> to vector<16xf32>
        %mul3A_471 = arith.constant 2 : i32
        %mul3A_472 = arith.muli %mul3A_471, %scan3A_414 : i32
        %add3A_473 = arith.constant 1 : i32
        %add3A_474 = arith.addi %mul3A_472, %add3A_473 : i32
        %get3A_475 = arith.index_cast %add3A_474 : i32 to index
        %get3A_476 = arith.constant 32 : index
        %get3A_477 = tpu.vector_load %arg9[%get3A_475, %get3A_476] {strides = array<i32>} : memref<96x384xf32, #tpu.memory_space<vmem>>, vector<1x16xf32>,
        %get3A_478 = vector.shape_cast %get3A_477 : vector<1x16xf32> to vector<16xf32>
        %add3A_479 = arith.addf %get3A_470, %get3A_478 : vector<16xf32>
        %add3A_480 = arith.addf %scan3A_417, %add3A_479 : vector<16xf32>
        %mul3A_481 = arith.constant 2 : i32
        %mul3A_482 = arith.muli %mul3A_481, %scan3A_414 : i32
        %get3A_483 = arith.index_cast %mul3A_482 : i32 to index
        %get3A_484 = arith.constant 48 : index
        %get3A_485 = tpu.vector_load %arg9[%get3A_483, %get3A_484] {strides = array<i32>} : memref<96x384xf32, #tpu.memory_space<vmem>>, vector<1x16xf32>,
        %get3A_486 = vector.shape_cast %get3A_485 : vector<1x16xf32> to vector<16xf32>
        %mul3A_487 = arith.constant 2 : i32
        %mul3A_488 = arith.muli %mul3A_487, %scan3A_414 : i32
        %add3A_489 = arith.constant 1 : i32
        %add3A_490 = arith.addi %mul3A_488, %add3A_489 : i32
        %get3A_491 = arith.index_cast %add3A_490 : i32 to index
        %get3A_492 = arith.constant 48 : index
        %get3A_493 = tpu.vector_load %arg9[%get3A_491, %get3A_492] {strides = array<i32>} : memref<96x384xf32, #tpu.memory_space<vmem>>, vector<1x16xf32>,
        %get3A_494 = vector.shape_cast %get3A_493 : vector<1x16xf32> to vector<16xf32>
        %add3A_495 = arith.addf %get3A_486, %get3A_494 : vector<16xf32>
        %add3A_496 = arith.addf %scan3A_418, %add3A_495 : vector<16xf32>
        %mul3A_497 = arith.constant 2 : i32
        %mul3A_498 = arith.muli %mul3A_497, %scan3A_414 : i32
        %get3A_499 = arith.index_cast %mul3A_498 : i32 to index
        %get3A_500 = arith.constant 64 : index
        %get3A_501 = tpu.vector_load %arg9[%get3A_499, %get3A_500] {strides = array<i32>} : memref<96x384xf32, #tpu.memory_space<vmem>>, vector<1x16xf32>,
        %get3A_502 = vector.shape_cast %get3A_501 : vector<1x16xf32> to vector<16xf32>
        %mul3A_503 = arith.constant 2 : i32
        %mul3A_504 = arith.muli %mul3A_503, %scan3A_414 : i32
        %add3A_505 = arith.constant 1 : i32
        %add3A_506 = arith.addi %mul3A_504, %add3A_505 : i32
        %get3A_507 = arith.index_cast %add3A_506 : i32 to index
        %get3A_508 = arith.constant 64 : index
        %get3A_509 = tpu.vector_load %arg9[%get3A_507, %get3A_508] {strides = array<i32>} : memref<96x384xf32, #tpu.memory_space<vmem>>, vector<1x16xf32>,
        %get3A_510 = vector.shape_cast %get3A_509 : vector<1x16xf32> to vector<16xf32>
        %add3A_511 = arith.addf %get3A_502, %get3A_510 : vector<16xf32>
        %add3A_512 = arith.addf %scan3A_419, %add3A_511 : vector<16xf32>
        %mul3A_513 = arith.constant 2 : i32
        %mul3A_514 = arith.muli %mul3A_513, %scan3A_414 : i32
        %get3A_515 = arith.index_cast %mul3A_514 : i32 to index
        %get3A_516 = arith.constant 80 : index
        %get3A_517 = tpu.vector_load %arg9[%get3A_515, %get3A_516] {strides = array<i32>} : memref<96x384xf32, #tpu.memory_space<vmem>>, vector<1x16xf32>,
        %get3A_518 = vector.shape_cast %get3A_517 : vector<1x16xf32> to vector<16xf32>
        %mul3A_519 = arith.constant 2 : i32
        %mul3A_520 = arith.muli %mul3A_519, %scan3A_414 : i32
        %add3A_521 = arith.constant 1 : i32
        %add3A_522 = arith.addi %mul3A_520, %add3A_521 : i32
        %get3A_523 = arith.index_cast %add3A_522 : i32 to index
        %get3A_524 = arith.constant 80 : index
        %get3A_525 = tpu.vector_load %arg9[%get3A_523, %get3A_524] {strides = array<i32>} : memref<96x384xf32, #tpu.memory_space<vmem>>, vector<1x16xf32>,
        %get3A_526 = vector.shape_cast %get3A_525 : vector<1x16xf32> to vector<16xf32>
        %add3A_527 = arith.addf %get3A_518, %get3A_526 : vector<16xf32>
        %add3A_528 = arith.addf %scan3A_420, %add3A_527 : vector<16xf32>
        %mul3A_529 = arith.constant 2 : i32
        %mul3A_530 = arith.muli %mul3A_529, %scan3A_414 : i32
        %get3A_531 = arith.index_cast %mul3A_530 : i32 to index
        %get3A_532 = arith.constant 96 : index
        %get3A_533 = tpu.vector_load %arg9[%get3A_531, %get3A_532] {strides = array<i32>} : memref<96x384xf32, #tpu.memory_space<vmem>>, vector<1x16xf32>,
        %get3A_534 = vector.shape_cast %get3A_533 : vector<1x16xf32> to vector<16xf32>
        %mul3A_535 = arith.constant 2 : i32
        %mul3A_536 = arith.muli %mul3A_535, %scan3A_414 : i32
        %add3A_537 = arith.constant 1 : i32
        %add3A_538 = arith.addi %mul3A_536, %add3A_537 : i32
        %get3A_539 = arith.index_cast %add3A_538 : i32 to index
        %get3A_540 = arith.constant 96 : index
        %get3A_541 = tpu.vector_load %arg9[%get3A_539, %get3A_540] {strides = array<i32>} : memref<96x384xf32, #tpu.memory_space<vmem>>, vector<1x16xf32>,
        %get3A_542 = vector.shape_cast %get3A_541 : vector<1x16xf32> to vector<16xf32>
        %add3A_543 = arith.addf %get3A_534, %get3A_542 : vector<16xf32>
        %add3A_544 = arith.addf %scan3A_421, %add3A_543 : vector<16xf32>
        %mul3A_545 = arith.constant 2 : i32
        %mul3A_546 = arith.muli %mul3A_545, %scan3A_414 : i32
        %get3A_547 = arith.index_cast %mul3A_546 : i32 to index
        %get3A_548 = arith.constant 112 : index
        %get3A_549 = tpu.vector_load %arg9[%get3A_547, %get3A_548] {strides = array<i32>} : memref<96x384xf32, #tpu.memory_space<vmem>>, vector<1x16xf32>,
        %get3A_550 = vector.shape_cast %get3A_549 : vector<1x16xf32> to vector<16xf32>
        %mul3A_551 = arith.constant 2 : i32
        %mul3A_552 = arith.muli %mul3A_551, %scan3A_414 : i32
        %add3A_553 = arith.constant 1 : i32
        %add3A_554 = arith.addi %mul3A_552, %add3A_553 : i32
        %get3A_555 = arith.index_cast %add3A_554 : i32 to index
        %get3A_556 = arith.constant 112 : index
        %get3A_557 = tpu.vector_load %arg9[%get3A_555, %get3A_556] {strides = array<i32>} : memref<96x384xf32, #tpu.memory_space<vmem>>, vector<1x16xf32>,
        %get3A_558 = vector.shape_cast %get3A_557 : vector<1x16xf32> to vector<16xf32>
        %add3A_559 = arith.addf %get3A_550, %get3A_558 : vector<16xf32>
        %add3A_560 = arith.addf %scan3A_422, %add3A_559 : vector<16xf32>
        %mul3A_561 = arith.constant 2 : i32
        %mul3A_562 = arith.muli %mul3A_561, %scan3A_414 : i32
        %get3A_563 = arith.index_cast %mul3A_562 : i32 to index
        %get3A_564 = arith.constant 128 : index
        %get3A_565 = tpu.vector_load %arg9[%get3A_563, %get3A_564] {strides = array<i32>} : memref<96x384xf32, #tpu.memory_space<vmem>>, vector<1x16xf32>,
        %get3A_566 = vector.shape_cast %get3A_565 : vector<1x16xf32> to vector<16xf32>
        %mul3A_567 = arith.constant 2 : i32
        %mul3A_568 = arith.muli %mul3A_567, %scan3A_414 : i32
        %add3A_569 = arith.constant 1 : i32
        %add3A_570 = arith.addi %mul3A_568, %add3A_569 : i32
        %get3A_571 = arith.index_cast %add3A_570 : i32 to index
        %get3A_572 = arith.constant 128 : index
        %get3A_573 = tpu.vector_load %arg9[%get3A_571, %get3A_572] {strides = array<i32>} : memref<96x384xf32, #tpu.memory_space<vmem>>, vector<1x16xf32>,
        %get3A_574 = vector.shape_cast %get3A_573 : vector<1x16xf32> to vector<16xf32>
        %add3A_575 = arith.addf %get3A_566, %get3A_574 : vector<16xf32>
        %add3A_576 = arith.addf %scan3A_423, %add3A_575 : vector<16xf32>
        %mul3A_577 = arith.constant 2 : i32
        %mul3A_578 = arith.muli %mul3A_577, %scan3A_414 : i32
        %get3A_579 = arith.index_cast %mul3A_578 : i32 to index
        %get3A_580 = arith.constant 144 : index
        %get3A_581 = tpu.vector_load %arg9[%get3A_579, %get3A_580] {strides = array<i32>} : memref<96x384xf32, #tpu.memory_space<vmem>>, vector<1x16xf32>,
        %get3A_582 = vector.shape_cast %get3A_581 : vector<1x16xf32> to vector<16xf32>
        %mul3A_583 = arith.constant 2 : i32
        %mul3A_584 = arith.muli %mul3A_583, %scan3A_414 : i32
        %add3A_585 = arith.constant 1 : i32
        %add3A_586 = arith.addi %mul3A_584, %add3A_585 : i32
        %get3A_587 = arith.index_cast %add3A_586 : i32 to index
        %get3A_588 = arith.constant 144 : index
        %get3A_589 = tpu.vector_load %arg9[%get3A_587, %get3A_588] {strides = array<i32>} : memref<96x384xf32, #tpu.memory_space<vmem>>, vector<1x16xf32>,
        %get3A_590 = vector.shape_cast %get3A_589 : vector<1x16xf32> to vector<16xf32>
        %add3A_591 = arith.addf %get3A_582, %get3A_590 : vector<16xf32>
        %add3A_592 = arith.addf %scan3A_424, %add3A_591 : vector<16xf32>
        %mul3A_593 = arith.constant 2 : i32
        %mul3A_594 = arith.muli %mul3A_593, %scan3A_414 : i32
        %get3A_595 = arith.index_cast %mul3A_594 : i32 to index
        %get3A_596 = arith.constant 160 : index
        %get3A_597 = tpu.vector_load %arg9[%get3A_595, %get3A_596] {strides = array<i32>} : memref<96x384xf32, #tpu.memory_space<vmem>>, vector<1x16xf32>,
        %get3A_598 = vector.shape_cast %get3A_597 : vector<1x16xf32> to vector<16xf32>
        %mul3A_599 = arith.constant 2 : i32
        %mul3A_600 = arith.muli %mul3A_599, %scan3A_414 : i32
        %add3A_601 = arith.constant 1 : i32
        %add3A_602 = arith.addi %mul3A_600, %add3A_601 : i32
        %get3A_603 = arith.index_cast %add3A_602 : i32 to index
        %get3A_604 = arith.constant 160 : index
        %get3A_605 = tpu.vector_load %arg9[%get3A_603, %get3A_604] {strides = array<i32>} : memref<96x384xf32, #tpu.memory_space<vmem>>, vector<1x16xf32>,
        %get3A_606 = vector.shape_cast %get3A_605 : vector<1x16xf32> to vector<16xf32>
        %add3A_607 = arith.addf %get3A_598, %get3A_606 : vector<16xf32>
        %add3A_608 = arith.addf %scan3A_425, %add3A_607 : vector<16xf32>
        %mul3A_609 = arith.constant 2 : i32
        %mul3A_610 = arith.muli %mul3A_609, %scan3A_414 : i32
        %get3A_611 = arith.index_cast %mul3A_610 : i32 to index
        %get3A_612 = arith.constant 176 : index
        %get3A_613 = tpu.vector_load %arg9[%get3A_611, %get3A_612] {strides = array<i32>} : memref<96x384xf32, #tpu.memory_space<vmem>>, vector<1x16xf32>,
        %get3A_614 = vector.shape_cast %get3A_613 : vector<1x16xf32> to vector<16xf32>
        %mul3A_615 = arith.constant 2 : i32
        %mul3A_616 = arith.muli %mul3A_615, %scan3A_414 : i32
        %add3A_617 = arith.constant 1 : i32
        %add3A_618 = arith.addi %mul3A_616, %add3A_617 : i32
        %get3A_619 = arith.index_cast %add3A_618 : i32 to index
        %get3A_620 = arith.constant 176 : index
        %get3A_621 = tpu.vector_load %arg9[%get3A_619, %get3A_620] {strides = array<i32>} : memref<96x384xf32, #tpu.memory_space<vmem>>, vector<1x16xf32>,
        %get3A_622 = vector.shape_cast %get3A_621 : vector<1x16xf32> to vector<16xf32>
        %add3A_623 = arith.addf %get3A_614, %get3A_622 : vector<16xf32>
        %add3A_624 = arith.addf %scan3A_426, %add3A_623 : vector<16xf32>
        %mul3A_625 = arith.constant 2 : i32
        %mul3A_626 = arith.muli %mul3A_625, %scan3A_414 : i32
        %get3A_627 = arith.index_cast %mul3A_626 : i32 to index
        %get3A_628 = arith.constant 192 : index
        %get3A_629 = tpu.vector_load %arg9[%get3A_627, %get3A_628] {strides = array<i32>} : memref<96x384xf32, #tpu.memory_space<vmem>>, vector<1x16xf32>,
        %get3A_630 = vector.shape_cast %get3A_629 : vector<1x16xf32> to vector<16xf32>
        %mul3A_631 = arith.constant 2 : i32
        %mul3A_632 = arith.muli %mul3A_631, %scan3A_414 : i32
        %add3A_633 = arith.constant 1 : i32
        %add3A_634 = arith.addi %mul3A_632, %add3A_633 : i32
        %get3A_635 = arith.index_cast %add3A_634 : i32 to index
        %get3A_636 = arith.constant 192 : index
        %get3A_637 = tpu.vector_load %arg9[%get3A_635, %get3A_636] {strides = array<i32>} : memref<96x384xf32, #tpu.memory_space<vmem>>, vector<1x16xf32>,
        %get3A_638 = vector.shape_cast %get3A_637 : vector<1x16xf32> to vector<16xf32>
        %add3A_639 = arith.addf %get3A_630, %get3A_638 : vector<16xf32>
        %add3A_640 = arith.addf %scan3A_427, %add3A_639 : vector<16xf32>
        %mul3A_641 = arith.constant 2 : i32
        %mul3A_642 = arith.muli %mul3A_641, %scan3A_414 : i32
        %get3A_643 = arith.index_cast %mul3A_642 : i32 to index
        %get3A_644 = arith.constant 208 : index
        %get3A_645 = tpu.vector_load %arg9[%get3A_643, %get3A_644] {strides = array<i32>} : memref<96x384xf32, #tpu.memory_space<vmem>>, vector<1x16xf32>,
        %get3A_646 = vector.shape_cast %get3A_645 : vector<1x16xf32> to vector<16xf32>
        %mul3A_647 = arith.constant 2 : i32
        %mul3A_648 = arith.muli %mul3A_647, %scan3A_414 : i32
        %add3A_649 = arith.constant 1 : i32
        %add3A_650 = arith.addi %mul3A_648, %add3A_649 : i32
        %get3A_651 = arith.index_cast %add3A_650 : i32 to index
        %get3A_652 = arith.constant 208 : index
        %get3A_653 = tpu.vector_load %arg9[%get3A_651, %get3A_652] {strides = array<i32>} : memref<96x384xf32, #tpu.memory_space<vmem>>, vector<1x16xf32>,
        %get3A_654 = vector.shape_cast %get3A_653 : vector<1x16xf32> to vector<16xf32>
        %add3A_655 = arith.addf %get3A_646, %get3A_654 : vector<16xf32>
        %add3A_656 = arith.addf %scan3A_428, %add3A_655 : vector<16xf32>
        %mul3A_657 = arith.constant 2 : i32
        %mul3A_658 = arith.muli %mul3A_657, %scan3A_414 : i32
        %get3A_659 = arith.index_cast %mul3A_658 : i32 to index
        %get3A_660 = arith.constant 224 : index
        %get3A_661 = tpu.vector_load %arg9[%get3A_659, %get3A_660] {strides = array<i32>} : memref<96x384xf32, #tpu.memory_space<vmem>>, vector<1x16xf32>,
        %get3A_662 = vector.shape_cast %get3A_661 : vector<1x16xf32> to vector<16xf32>
        %mul3A_663 = arith.constant 2 : i32
        %mul3A_664 = arith.muli %mul3A_663, %scan3A_414 : i32
        %add3A_665 = arith.constant 1 : i32
        %add3A_666 = arith.addi %mul3A_664, %add3A_665 : i32
        %get3A_667 = arith.index_cast %add3A_666 : i32 to index
        %get3A_668 = arith.constant 224 : index
        %get3A_669 = tpu.vector_load %arg9[%get3A_667, %get3A_668] {strides = array<i32>} : memref<96x384xf32, #tpu.memory_space<vmem>>, vector<1x16xf32>,
        %get3A_670 = vector.shape_cast %get3A_669 : vector<1x16xf32> to vector<16xf32>
        %add3A_671 = arith.addf %get3A_662, %get3A_670 : vector<16xf32>
        %add3A_672 = arith.addf %scan3A_429, %add3A_671 : vector<16xf32>
        %mul3A_673 = arith.constant 2 : i32
        %mul3A_674 = arith.muli %mul3A_673, %scan3A_414 : i32
        %get3A_675 = arith.index_cast %mul3A_674 : i32 to index
        %get3A_676 = arith.constant 240 : index
        %get3A_677 = tpu.vector_load %arg9[%get3A_675, %get3A_676] {strides = array<i32>} : memref<96x384xf32, #tpu.memory_space<vmem>>, vector<1x16xf32>,
        %get3A_678 = vector.shape_cast %get3A_677 : vector<1x16xf32> to vector<16xf32>
        %mul3A_679 = arith.constant 2 : i32
        %mul3A_680 = arith.muli %mul3A_679, %scan3A_414 : i32
        %add3A_681 = arith.constant 1 : i32
        %add3A_682 = arith.addi %mul3A_680, %add3A_681 : i32
        %get3A_683 = arith.index_cast %add3A_682 : i32 to index
        %get3A_684 = arith.constant 240 : index
        %get3A_685 = tpu.vector_load %arg9[%get3A_683, %get3A_684] {strides = array<i32>} : memref<96x384xf32, #tpu.memory_space<vmem>>, vector<1x16xf32>,
        %get3A_686 = vector.shape_cast %get3A_685 : vector<1x16xf32> to vector<16xf32>
        %add3A_687 = arith.addf %get3A_678, %get3A_686 : vector<16xf32>
        %add3A_688 = arith.addf %scan3A_430, %add3A_687 : vector<16xf32>
        %mul3A_689 = arith.constant 2 : i32
        %mul3A_690 = arith.muli %mul3A_689, %scan3A_414 : i32
        %get3A_691 = arith.index_cast %mul3A_690 : i32 to index
        %get3A_692 = arith.constant 256 : index
        %get3A_693 = tpu.vector_load %arg9[%get3A_691, %get3A_692] {strides = array<i32>} : memref<96x384xf32, #tpu.memory_space<vmem>>, vector<1x16xf32>,
        %get3A_694 = vector.shape_cast %get3A_693 : vector<1x16xf32> to vector<16xf32>
        %mul3A_695 = arith.constant 2 : i32
        %mul3A_696 = arith.muli %mul3A_695, %scan3A_414 : i32
        %add3A_697 = arith.constant 1 : i32
        %add3A_698 = arith.addi %mul3A_696, %add3A_697 : i32
        %get3A_699 = arith.index_cast %add3A_698 : i32 to index
        %get3A_700 = arith.constant 256 : index
        %get3A_701 = tpu.vector_load %arg9[%get3A_699, %get3A_700] {strides = array<i32>} : memref<96x384xf32, #tpu.memory_space<vmem>>, vector<1x16xf32>,
        %get3A_702 = vector.shape_cast %get3A_701 : vector<1x16xf32> to vector<16xf32>
        %add3A_703 = arith.addf %get3A_694, %get3A_702 : vector<16xf32>
        %add3A_704 = arith.addf %scan3A_431, %add3A_703 : vector<16xf32>
        %mul3A_705 = arith.constant 2 : i32
        %mul3A_706 = arith.muli %mul3A_705, %scan3A_414 : i32
        %get3A_707 = arith.index_cast %mul3A_706 : i32 to index
        %get3A_708 = arith.constant 272 : index
        %get3A_709 = tpu.vector_load %arg9[%get3A_707, %get3A_708] {strides = array<i32>} : memref<96x384xf32, #tpu.memory_space<vmem>>, vector<1x16xf32>,
        %get3A_710 = vector.shape_cast %get3A_709 : vector<1x16xf32> to vector<16xf32>
        %mul3A_711 = arith.constant 2 : i32
        %mul3A_712 = arith.muli %mul3A_711, %scan3A_414 : i32
        %add3A_713 = arith.constant 1 : i32
        %add3A_714 = arith.addi %mul3A_712, %add3A_713 : i32
        %get3A_715 = arith.index_cast %add3A_714 : i32 to index
        %get3A_716 = arith.constant 272 : index
        %get3A_717 = tpu.vector_load %arg9[%get3A_715, %get3A_716] {strides = array<i32>} : memref<96x384xf32, #tpu.memory_space<vmem>>, vector<1x16xf32>,
        %get3A_718 = vector.shape_cast %get3A_717 : vector<1x16xf32> to vector<16xf32>
        %add3A_719 = arith.addf %get3A_710, %get3A_718 : vector<16xf32>
        %add3A_720 = arith.addf %scan3A_432, %add3A_719 : vector<16xf32>
        %mul3A_721 = arith.constant 2 : i32
        %mul3A_722 = arith.muli %mul3A_721, %scan3A_414 : i32
        %get3A_723 = arith.index_cast %mul3A_722 : i32 to index
        %get3A_724 = arith.constant 288 : index
        %get3A_725 = tpu.vector_load %arg9[%get3A_723, %get3A_724] {strides = array<i32>} : memref<96x384xf32, #tpu.memory_space<vmem>>, vector<1x16xf32>,
        %get3A_726 = vector.shape_cast %get3A_725 : vector<1x16xf32> to vector<16xf32>
        %mul3A_727 = arith.constant 2 : i32
        %mul3A_728 = arith.muli %mul3A_727, %scan3A_414 : i32
        %add3A_729 = arith.constant 1 : i32
        %add3A_730 = arith.addi %mul3A_728, %add3A_729 : i32
        %get3A_731 = arith.index_cast %add3A_730 : i32 to index
        %get3A_732 = arith.constant 288 : index
        %get3A_733 = tpu.vector_load %arg9[%get3A_731, %get3A_732] {strides = array<i32>} : memref<96x384xf32, #tpu.memory_space<vmem>>, vector<1x16xf32>,
        %get3A_734 = vector.shape_cast %get3A_733 : vector<1x16xf32> to vector<16xf32>
        %add3A_735 = arith.addf %get3A_726, %get3A_734 : vector<16xf32>
        %add3A_736 = arith.addf %scan3A_433, %add3A_735 : vector<16xf32>
        scf.yield %add3A_448, %add3A_464, %add3A_480, %add3A_496, %add3A_512, %add3A_528, %add3A_544, %add3A_560, %add3A_576, %add3A_592, %add3A_608, %add3A_624, %add3A_640, %add3A_656, %add3A_672, %add3A_688, %add3A_704, %add3A_720, %add3A_736 : vector<16xf32>, vector<16xf32>, vector<16xf32>, vector<16xf32>, vector<16xf32>, vector<16xf32>, vector<16xf32>, vector<16xf32>, vector<16xf32>, vector<16xf32>, vector<16xf32>, vector<16xf32>, vector<16xf32>, vector<16xf32>, vector<16xf32>, vector<16xf32>, vector<16xf32>, vector<16xf32>, vector<16xf32>
      }
      %scan3A_177 = arith.constant 48 : i32
      %add3A_178 = arith.addf %add3A_105, %scan3A_176#0 : vector<16xf32>
      %add3A_179 = arith.addf %add3A_106, %scan3A_176#1 : vector<16xf32>
      %add3A_180 = arith.addf %add3A_107, %scan3A_176#2 : vector<16xf32>
      %add3A_181 = arith.addf %add3A_108, %scan3A_176#3 : vector<16xf32>
      %add3A_182 = arith.addf %add3A_109, %scan3A_176#4 : vector<16xf32>
      %add3A_183 = arith.addf %add3A_110, %scan3A_176#5 : vector<16xf32>
      %add3A_184 = arith.addf %add3A_111, %scan3A_176#6 : vector<16xf32>
      %add3A_185 = arith.addf %add3A_112, %scan3A_176#7 : vector<16xf32>
      %add3A_186 = arith.addf %add3A_113, %scan3A_176#8 : vector<16xf32>
      %add3A_187 = arith.addf %add3A_114, %scan3A_176#9 : vector<16xf32>
      %add3A_188 = arith.addf %add3A_115, %scan3A_176#10 : vector<16xf32>
      %add3A_189 = arith.addf %add3A_116, %scan3A_176#11 : vector<16xf32>
      %add3A_190 = arith.addf %add3A_117, %scan3A_176#12 : vector<16xf32>
      %add3A_191 = arith.addf %add3A_118, %scan3A_176#13 : vector<16xf32>
      %add3A_192 = arith.addf %add3A_119, %scan3A_176#14 : vector<16xf32>
      %add3A_193 = arith.addf %add3A_120, %scan3A_176#15 : vector<16xf32>
      %add3A_194 = arith.addf %add3A_121, %scan3A_176#16 : vector<16xf32>
      %add3A_195 = arith.addf %add3A_122, %scan3A_176#17 : vector<16xf32>
      %add3A_196 = arith.addf %add3A_123, %scan3A_176#18 : vector<16xf32>
      %mul3A_197 = arith.constant 200 : i32
      %mul3A_198 = arith.muli %add3A_14, %mul3A_197 : i32
      %add3A_199 = arith.constant 104 : i32
      %add3A_200 = arith.addi %mul3A_198, %add3A_199 : i32
      "tpu.region"() ({
        %run_scoped3A = tpu.sem_alloc : memref<!tpu.dma_semaphore, #tpu.memory_space<semaphore_mem>>
        %dma_start3A_414 = tpu.memref_slice %arg3[%add3A_200] : memref<204800xi32, #tpu.memory_space<hbm>> -> memref<96xi32, #tpu.memory_space<hbm>>
        %dma_start3A_415 = tpu.memref_slice %arg3[%add3A_200] : memref<204800xi32, #tpu.memory_space<hbm>> -> memref<96xi32, #tpu.memory_space<hbm>>
        tpu.enqueue_dma source(%dma_start3A_415 : memref<96xi32, #tpu.memory_space<hbm>>) target(%arg7 : memref<96xi32, #tpu.memory_space<vmem>>) target_semaphore(%run_scoped3A : memref<!tpu.dma_semaphore, #tpu.memory_space<semaphore_mem>>)
        %dma_wait3A_416 = tpu.memref_slice %arg3[%add3A_200] : memref<204800xi32, #tpu.memory_space<hbm>> -> memref<96xi32, #tpu.memory_space<hbm>>
        %dma_wait3A_417 = tpu.memref_slice %arg3[%add3A_200] : memref<204800xi32, #tpu.memory_space<hbm>> -> memref<96xi32, #tpu.memory_space<hbm>>
        tpu.wait_dma2 semaphore(%run_scoped3A : memref<!tpu.dma_semaphore, #tpu.memory_space<semaphore_mem>>) src(%dma_wait3A_417 : memref<96xi32, #tpu.memory_space<hbm>>) dst(%arg7 : memref<96xi32, #tpu.memory_space<vmem>>)
        tpu.yield
      }) : () -> ()
      %dma_start3A_201 = arith.constant 0 : i32
      %dma_start3A_202 = arith.constant 0 : i32
      %dma_start3A_203 = tpu.memref_slice %arg4[%dma_start3A_201, %dma_start3A_202] : memref<100000x384xf32, #tpu.memory_space<hbm>> -> memref<100000x384xf32, #tpu.memory_space<hbm>>
      tpu.enqueue_indirect_dma source(%dma_start3A_203 : memref<100000x384xf32, #tpu.memory_space<hbm>>) target(%arg9 : memref<96x384xf32, #tpu.memory_space<vmem>>) offsets(%arg7 : memref<96xi32, #tpu.memory_space<vmem>>) semaphore(%arg12 : memref<!tpu.dma_semaphore, #tpu.memory_space<semaphore_mem>>)
      %dma_wait3A_204 = arith.constant 0 : i32
      %dma_wait3A_205 = arith.constant 0 : i32
      %dma_wait3A_206 = tpu.memref_slice %arg4[%dma_wait3A_204, %dma_wait3A_205] : memref<100000x384xf32, #tpu.memory_space<hbm>> -> memref<100000x384xf32, #tpu.memory_space<hbm>>
      tpu.wait_indirect_dma semaphore(%arg11 : memref<!tpu.dma_semaphore, #tpu.memory_space<semaphore_mem>>) src(%dma_wait3A_206 : memref<100000x384xf32, #tpu.memory_space<hbm>>) dst(%arg8 : memref<104x384xf32, #tpu.memory_space<vmem>>)
      %broadcast_in_dim3A_207 = arith.constant 0.000000e+00 : f32
      %broadcast_in_dim3A_208 = vector.broadcast %broadcast_in_dim3A_207 : f32 to vector<16xf32>
      %broadcast_in_dim3A_209 = arith.constant 0.000000e+00 : f32
      %broadcast_in_dim3A_210 = vector.broadcast %broadcast_in_dim3A_209 : f32 to vector<16xf32>
      %broadcast_in_dim3A_211 = arith.constant 0.000000e+00 : f32
      %broadcast_in_dim3A_212 = vector.broadcast %broadcast_in_dim3A_211 : f32 to vector<16xf32>
      %broadcast_in_dim3A_213 = arith.constant 0.000000e+00 : f32
      %broadcast_in_dim3A_214 = vector.broadcast %broadcast_in_dim3A_213 : f32 to vector<16xf32>
      %broadcast_in_dim3A_215 = arith.constant 0.000000e+00 : f32
      %broadcast_in_dim3A_216 = vector.broadcast %broadcast_in_dim3A_215 : f32 to vector<16xf32>
      %broadcast_in_dim3A_217 = arith.constant 0.000000e+00 : f32
      %broadcast_in_dim3A_218 = vector.broadcast %broadcast_in_dim3A_217 : f32 to vector<16xf32>
      %broadcast_in_dim3A_219 = arith.constant 0.000000e+00 : f32
      %broadcast_in_dim3A_220 = vector.broadcast %broadcast_in_dim3A_219 : f32 to vector<16xf32>
      %broadcast_in_dim3A_221 = arith.constant 0.000000e+00 : f32
      %broadcast_in_dim3A_222 = vector.broadcast %broadcast_in_dim3A_221 : f32 to vector<16xf32>
      %broadcast_in_dim3A_223 = arith.constant 0.000000e+00 : f32
      %broadcast_in_dim3A_224 = vector.broadcast %broadcast_in_dim3A_223 : f32 to vector<16xf32>
      %broadcast_in_dim3A_225 = arith.constant 0.000000e+00 : f32
      %broadcast_in_dim3A_226 = vector.broadcast %broadcast_in_dim3A_225 : f32 to vector<16xf32>
      %broadcast_in_dim3A_227 = arith.constant 0.000000e+00 : f32
      %broadcast_in_dim3A_228 = vector.broadcast %broadcast_in_dim3A_227 : f32 to vector<16xf32>
      %broadcast_in_dim3A_229 = arith.constant 0.000000e+00 : f32
      %broadcast_in_dim3A_230 = vector.broadcast %broadcast_in_dim3A_229 : f32 to vector<16xf32>
      %broadcast_in_dim3A_231 = arith.constant 0.000000e+00 : f32
      %broadcast_in_dim3A_232 = vector.broadcast %broadcast_in_dim3A_231 : f32 to vector<16xf32>
      %broadcast_in_dim3A_233 = arith.constant 0.000000e+00 : f32
      %broadcast_in_dim3A_234 = vector.broadcast %broadcast_in_dim3A_233 : f32 to vector<16xf32>
      %broadcast_in_dim3A_235 = arith.constant 0.000000e+00 : f32
      %broadcast_in_dim3A_236 = vector.broadcast %broadcast_in_dim3A_235 : f32 to vector<16xf32>
      %broadcast_in_dim3A_237 = arith.constant 0.000000e+00 : f32
      %broadcast_in_dim3A_238 = vector.broadcast %broadcast_in_dim3A_237 : f32 to vector<16xf32>
      %broadcast_in_dim3A_239 = arith.constant 0.000000e+00 : f32
      %broadcast_in_dim3A_240 = vector.broadcast %broadcast_in_dim3A_239 : f32 to vector<16xf32>
      %broadcast_in_dim3A_241 = arith.constant 0.000000e+00 : f32
      %broadcast_in_dim3A_242 = vector.broadcast %broadcast_in_dim3A_241 : f32 to vector<16xf32>
      %broadcast_in_dim3A_243 = arith.constant 0.000000e+00 : f32
      %broadcast_in_dim3A_244 = vector.broadcast %broadcast_in_dim3A_243 : f32 to vector<16xf32>
      %scan3A_245 = arith.constant 0 : i32
      %scan3A_246 = arith.constant 52 : i32
      %scan3A_247 = arith.addi %scan3A_245, %scan3A_246 : i32
      %scan3A_248 = arith.constant 1 : i32
      %scan3A_249:19 = scf.for %scan3A_414 = %scan3A_245 to %scan3A_247 step %scan3A_248 iter_args(%scan3A_415 = %broadcast_in_dim3A_208, %scan3A_416 = %broadcast_in_dim3A_210, %scan3A_417 = %broadcast_in_dim3A_212, %scan3A_418 = %broadcast_in_dim3A_214, %scan3A_419 = %broadcast_in_dim3A_216, %scan3A_420 = %broadcast_in_dim3A_218, %scan3A_421 = %broadcast_in_dim3A_220, %scan3A_422 = %broadcast_in_dim3A_222, %scan3A_423 = %broadcast_in_dim3A_224, %scan3A_424 = %broadcast_in_dim3A_226, %scan3A_425 = %broadcast_in_dim3A_228, %scan3A_426 = %broadcast_in_dim3A_230, %scan3A_427 = %broadcast_in_dim3A_232, %scan3A_428 = %broadcast_in_dim3A_234, %scan3A_429 = %broadcast_in_dim3A_236, %scan3A_430 = %broadcast_in_dim3A_238, %scan3A_431 = %broadcast_in_dim3A_240, %scan3A_432 = %broadcast_in_dim3A_242, %scan3A_433 = %broadcast_in_dim3A_244) -> (vector<16xf32>, vector<16xf32>, vector<16xf32>, vector<16xf32>, vector<16xf32>, vector<16xf32>, vector<16xf32>, vector<16xf32>, vector<16xf32>, vector<16xf32>, vector<16xf32>, vector<16xf32>, vector<16xf32>, vector<16xf32>, vector<16xf32>, vector<16xf32>, vector<16xf32>, vector<16xf32>, vector<16xf32>)  : i32 {
        %mul3A_434 = arith.constant 2 : i32
        %mul3A_435 = arith.muli %mul3A_434, %scan3A_414 : i32
        %get3A = arith.index_cast %mul3A_435 : i32 to index
        %get3A_436 = arith.constant 0 : index
        %get3A_437 = tpu.vector_load %arg8[%get3A, %get3A_436] {strides = array<i32>} : memref<104x384xf32, #tpu.memory_space<vmem>>, vector<1x16xf32>,
        %get3A_438 = vector.shape_cast %get3A_437 : vector<1x16xf32> to vector<16xf32>
        %mul3A_439 = arith.constant 2 : i32
        %mul3A_440 = arith.muli %mul3A_439, %scan3A_414 : i32
        %add3A_441 = arith.constant 1 : i32
        %add3A_442 = arith.addi %mul3A_440, %add3A_441 : i32
        %get3A_443 = arith.index_cast %add3A_442 : i32 to index
        %get3A_444 = arith.constant 0 : index
        %get3A_445 = tpu.vector_load %arg8[%get3A_443, %get3A_444] {strides = array<i32>} : memref<104x384xf32, #tpu.memory_space<vmem>>, vector<1x16xf32>,
        %get3A_446 = vector.shape_cast %get3A_445 : vector<1x16xf32> to vector<16xf32>
        %add3A_447 = arith.addf %get3A_438, %get3A_446 : vector<16xf32>
        %add3A_448 = arith.addf %scan3A_415, %add3A_447 : vector<16xf32>
        %mul3A_449 = arith.constant 2 : i32
        %mul3A_450 = arith.muli %mul3A_449, %scan3A_414 : i32
        %get3A_451 = arith.index_cast %mul3A_450 : i32 to index
        %get3A_452 = arith.constant 16 : index
        %get3A_453 = tpu.vector_load %arg8[%get3A_451, %get3A_452] {strides = array<i32>} : memref<104x384xf32, #tpu.memory_space<vmem>>, vector<1x16xf32>,
        %get3A_454 = vector.shape_cast %get3A_453 : vector<1x16xf32> to vector<16xf32>
        %mul3A_455 = arith.constant 2 : i32
        %mul3A_456 = arith.muli %mul3A_455, %scan3A_414 : i32
        %add3A_457 = arith.constant 1 : i32
        %add3A_458 = arith.addi %mul3A_456, %add3A_457 : i32
        %get3A_459 = arith.index_cast %add3A_458 : i32 to index
        %get3A_460 = arith.constant 16 : index
        %get3A_461 = tpu.vector_load %arg8[%get3A_459, %get3A_460] {strides = array<i32>} : memref<104x384xf32, #tpu.memory_space<vmem>>, vector<1x16xf32>,
        %get3A_462 = vector.shape_cast %get3A_461 : vector<1x16xf32> to vector<16xf32>
        %add3A_463 = arith.addf %get3A_454, %get3A_462 : vector<16xf32>
        %add3A_464 = arith.addf %scan3A_416, %add3A_463 : vector<16xf32>
        %mul3A_465 = arith.constant 2 : i32
        %mul3A_466 = arith.muli %mul3A_465, %scan3A_414 : i32
        %get3A_467 = arith.index_cast %mul3A_466 : i32 to index
        %get3A_468 = arith.constant 32 : index
        %get3A_469 = tpu.vector_load %arg8[%get3A_467, %get3A_468] {strides = array<i32>} : memref<104x384xf32, #tpu.memory_space<vmem>>, vector<1x16xf32>,
        %get3A_470 = vector.shape_cast %get3A_469 : vector<1x16xf32> to vector<16xf32>
        %mul3A_471 = arith.constant 2 : i32
        %mul3A_472 = arith.muli %mul3A_471, %scan3A_414 : i32
        %add3A_473 = arith.constant 1 : i32
        %add3A_474 = arith.addi %mul3A_472, %add3A_473 : i32
        %get3A_475 = arith.index_cast %add3A_474 : i32 to index
        %get3A_476 = arith.constant 32 : index
        %get3A_477 = tpu.vector_load %arg8[%get3A_475, %get3A_476] {strides = array<i32>} : memref<104x384xf32, #tpu.memory_space<vmem>>, vector<1x16xf32>,
        %get3A_478 = vector.shape_cast %get3A_477 : vector<1x16xf32> to vector<16xf32>
        %add3A_479 = arith.addf %get3A_470, %get3A_478 : vector<16xf32>
        %add3A_480 = arith.addf %scan3A_417, %add3A_479 : vector<16xf32>
        %mul3A_481 = arith.constant 2 : i32
        %mul3A_482 = arith.muli %mul3A_481, %scan3A_414 : i32
        %get3A_483 = arith.index_cast %mul3A_482 : i32 to index
        %get3A_484 = arith.constant 48 : index
        %get3A_485 = tpu.vector_load %arg8[%get3A_483, %get3A_484] {strides = array<i32>} : memref<104x384xf32, #tpu.memory_space<vmem>>, vector<1x16xf32>,
        %get3A_486 = vector.shape_cast %get3A_485 : vector<1x16xf32> to vector<16xf32>
        %mul3A_487 = arith.constant 2 : i32
        %mul3A_488 = arith.muli %mul3A_487, %scan3A_414 : i32
        %add3A_489 = arith.constant 1 : i32
        %add3A_490 = arith.addi %mul3A_488, %add3A_489 : i32
        %get3A_491 = arith.index_cast %add3A_490 : i32 to index
        %get3A_492 = arith.constant 48 : index
        %get3A_493 = tpu.vector_load %arg8[%get3A_491, %get3A_492] {strides = array<i32>} : memref<104x384xf32, #tpu.memory_space<vmem>>, vector<1x16xf32>,
        %get3A_494 = vector.shape_cast %get3A_493 : vector<1x16xf32> to vector<16xf32>
        %add3A_495 = arith.addf %get3A_486, %get3A_494 : vector<16xf32>
        %add3A_496 = arith.addf %scan3A_418, %add3A_495 : vector<16xf32>
        %mul3A_497 = arith.constant 2 : i32
        %mul3A_498 = arith.muli %mul3A_497, %scan3A_414 : i32
        %get3A_499 = arith.index_cast %mul3A_498 : i32 to index
        %get3A_500 = arith.constant 64 : index
        %get3A_501 = tpu.vector_load %arg8[%get3A_499, %get3A_500] {strides = array<i32>} : memref<104x384xf32, #tpu.memory_space<vmem>>, vector<1x16xf32>,
        %get3A_502 = vector.shape_cast %get3A_501 : vector<1x16xf32> to vector<16xf32>
        %mul3A_503 = arith.constant 2 : i32
        %mul3A_504 = arith.muli %mul3A_503, %scan3A_414 : i32
        %add3A_505 = arith.constant 1 : i32
        %add3A_506 = arith.addi %mul3A_504, %add3A_505 : i32
        %get3A_507 = arith.index_cast %add3A_506 : i32 to index
        %get3A_508 = arith.constant 64 : index
        %get3A_509 = tpu.vector_load %arg8[%get3A_507, %get3A_508] {strides = array<i32>} : memref<104x384xf32, #tpu.memory_space<vmem>>, vector<1x16xf32>,
        %get3A_510 = vector.shape_cast %get3A_509 : vector<1x16xf32> to vector<16xf32>
        %add3A_511 = arith.addf %get3A_502, %get3A_510 : vector<16xf32>
        %add3A_512 = arith.addf %scan3A_419, %add3A_511 : vector<16xf32>
        %mul3A_513 = arith.constant 2 : i32
        %mul3A_514 = arith.muli %mul3A_513, %scan3A_414 : i32
        %get3A_515 = arith.index_cast %mul3A_514 : i32 to index
        %get3A_516 = arith.constant 80 : index
        %get3A_517 = tpu.vector_load %arg8[%get3A_515, %get3A_516] {strides = array<i32>} : memref<104x384xf32, #tpu.memory_space<vmem>>, vector<1x16xf32>,
        %get3A_518 = vector.shape_cast %get3A_517 : vector<1x16xf32> to vector<16xf32>
        %mul3A_519 = arith.constant 2 : i32
        %mul3A_520 = arith.muli %mul3A_519, %scan3A_414 : i32
        %add3A_521 = arith.constant 1 : i32
        %add3A_522 = arith.addi %mul3A_520, %add3A_521 : i32
        %get3A_523 = arith.index_cast %add3A_522 : i32 to index
        %get3A_524 = arith.constant 80 : index
        %get3A_525 = tpu.vector_load %arg8[%get3A_523, %get3A_524] {strides = array<i32>} : memref<104x384xf32, #tpu.memory_space<vmem>>, vector<1x16xf32>,
        %get3A_526 = vector.shape_cast %get3A_525 : vector<1x16xf32> to vector<16xf32>
        %add3A_527 = arith.addf %get3A_518, %get3A_526 : vector<16xf32>
        %add3A_528 = arith.addf %scan3A_420, %add3A_527 : vector<16xf32>
        %mul3A_529 = arith.constant 2 : i32
        %mul3A_530 = arith.muli %mul3A_529, %scan3A_414 : i32
        %get3A_531 = arith.index_cast %mul3A_530 : i32 to index
        %get3A_532 = arith.constant 96 : index
        %get3A_533 = tpu.vector_load %arg8[%get3A_531, %get3A_532] {strides = array<i32>} : memref<104x384xf32, #tpu.memory_space<vmem>>, vector<1x16xf32>,
        %get3A_534 = vector.shape_cast %get3A_533 : vector<1x16xf32> to vector<16xf32>
        %mul3A_535 = arith.constant 2 : i32
        %mul3A_536 = arith.muli %mul3A_535, %scan3A_414 : i32
        %add3A_537 = arith.constant 1 : i32
        %add3A_538 = arith.addi %mul3A_536, %add3A_537 : i32
        %get3A_539 = arith.index_cast %add3A_538 : i32 to index
        %get3A_540 = arith.constant 96 : index
        %get3A_541 = tpu.vector_load %arg8[%get3A_539, %get3A_540] {strides = array<i32>} : memref<104x384xf32, #tpu.memory_space<vmem>>, vector<1x16xf32>,
        %get3A_542 = vector.shape_cast %get3A_541 : vector<1x16xf32> to vector<16xf32>
        %add3A_543 = arith.addf %get3A_534, %get3A_542 : vector<16xf32>
        %add3A_544 = arith.addf %scan3A_421, %add3A_543 : vector<16xf32>
        %mul3A_545 = arith.constant 2 : i32
        %mul3A_546 = arith.muli %mul3A_545, %scan3A_414 : i32
        %get3A_547 = arith.index_cast %mul3A_546 : i32 to index
        %get3A_548 = arith.constant 112 : index
        %get3A_549 = tpu.vector_load %arg8[%get3A_547, %get3A_548] {strides = array<i32>} : memref<104x384xf32, #tpu.memory_space<vmem>>, vector<1x16xf32>,
        %get3A_550 = vector.shape_cast %get3A_549 : vector<1x16xf32> to vector<16xf32>
        %mul3A_551 = arith.constant 2 : i32
        %mul3A_552 = arith.muli %mul3A_551, %scan3A_414 : i32
        %add3A_553 = arith.constant 1 : i32
        %add3A_554 = arith.addi %mul3A_552, %add3A_553 : i32
        %get3A_555 = arith.index_cast %add3A_554 : i32 to index
        %get3A_556 = arith.constant 112 : index
        %get3A_557 = tpu.vector_load %arg8[%get3A_555, %get3A_556] {strides = array<i32>} : memref<104x384xf32, #tpu.memory_space<vmem>>, vector<1x16xf32>,
        %get3A_558 = vector.shape_cast %get3A_557 : vector<1x16xf32> to vector<16xf32>
        %add3A_559 = arith.addf %get3A_550, %get3A_558 : vector<16xf32>
        %add3A_560 = arith.addf %scan3A_422, %add3A_559 : vector<16xf32>
        %mul3A_561 = arith.constant 2 : i32
        %mul3A_562 = arith.muli %mul3A_561, %scan3A_414 : i32
        %get3A_563 = arith.index_cast %mul3A_562 : i32 to index
        %get3A_564 = arith.constant 128 : index
        %get3A_565 = tpu.vector_load %arg8[%get3A_563, %get3A_564] {strides = array<i32>} : memref<104x384xf32, #tpu.memory_space<vmem>>, vector<1x16xf32>,
        %get3A_566 = vector.shape_cast %get3A_565 : vector<1x16xf32> to vector<16xf32>
        %mul3A_567 = arith.constant 2 : i32
        %mul3A_568 = arith.muli %mul3A_567, %scan3A_414 : i32
        %add3A_569 = arith.constant 1 : i32
        %add3A_570 = arith.addi %mul3A_568, %add3A_569 : i32
        %get3A_571 = arith.index_cast %add3A_570 : i32 to index
        %get3A_572 = arith.constant 128 : index
        %get3A_573 = tpu.vector_load %arg8[%get3A_571, %get3A_572] {strides = array<i32>} : memref<104x384xf32, #tpu.memory_space<vmem>>, vector<1x16xf32>,
        %get3A_574 = vector.shape_cast %get3A_573 : vector<1x16xf32> to vector<16xf32>
        %add3A_575 = arith.addf %get3A_566, %get3A_574 : vector<16xf32>
        %add3A_576 = arith.addf %scan3A_423, %add3A_575 : vector<16xf32>
        %mul3A_577 = arith.constant 2 : i32
        %mul3A_578 = arith.muli %mul3A_577, %scan3A_414 : i32
        %get3A_579 = arith.index_cast %mul3A_578 : i32 to index
        %get3A_580 = arith.constant 144 : index
        %get3A_581 = tpu.vector_load %arg8[%get3A_579, %get3A_580] {strides = array<i32>} : memref<104x384xf32, #tpu.memory_space<vmem>>, vector<1x16xf32>,
        %get3A_582 = vector.shape_cast %get3A_581 : vector<1x16xf32> to vector<16xf32>
        %mul3A_583 = arith.constant 2 : i32
        %mul3A_584 = arith.muli %mul3A_583, %scan3A_414 : i32
        %add3A_585 = arith.constant 1 : i32
        %add3A_586 = arith.addi %mul3A_584, %add3A_585 : i32
        %get3A_587 = arith.index_cast %add3A_586 : i32 to index
        %get3A_588 = arith.constant 144 : index
        %get3A_589 = tpu.vector_load %arg8[%get3A_587, %get3A_588] {strides = array<i32>} : memref<104x384xf32, #tpu.memory_space<vmem>>, vector<1x16xf32>,
        %get3A_590 = vector.shape_cast %get3A_589 : vector<1x16xf32> to vector<16xf32>
        %add3A_591 = arith.addf %get3A_582, %get3A_590 : vector<16xf32>
        %add3A_592 = arith.addf %scan3A_424, %add3A_591 : vector<16xf32>
        %mul3A_593 = arith.constant 2 : i32
        %mul3A_594 = arith.muli %mul3A_593, %scan3A_414 : i32
        %get3A_595 = arith.index_cast %mul3A_594 : i32 to index
        %get3A_596 = arith.constant 160 : index
        %get3A_597 = tpu.vector_load %arg8[%get3A_595, %get3A_596] {strides = array<i32>} : memref<104x384xf32, #tpu.memory_space<vmem>>, vector<1x16xf32>,
        %get3A_598 = vector.shape_cast %get3A_597 : vector<1x16xf32> to vector<16xf32>
        %mul3A_599 = arith.constant 2 : i32
        %mul3A_600 = arith.muli %mul3A_599, %scan3A_414 : i32
        %add3A_601 = arith.constant 1 : i32
        %add3A_602 = arith.addi %mul3A_600, %add3A_601 : i32
        %get3A_603 = arith.index_cast %add3A_602 : i32 to index
        %get3A_604 = arith.constant 160 : index
        %get3A_605 = tpu.vector_load %arg8[%get3A_603, %get3A_604] {strides = array<i32>} : memref<104x384xf32, #tpu.memory_space<vmem>>, vector<1x16xf32>,
        %get3A_606 = vector.shape_cast %get3A_605 : vector<1x16xf32> to vector<16xf32>
        %add3A_607 = arith.addf %get3A_598, %get3A_606 : vector<16xf32>
        %add3A_608 = arith.addf %scan3A_425, %add3A_607 : vector<16xf32>
        %mul3A_609 = arith.constant 2 : i32
        %mul3A_610 = arith.muli %mul3A_609, %scan3A_414 : i32
        %get3A_611 = arith.index_cast %mul3A_610 : i32 to index
        %get3A_612 = arith.constant 176 : index
        %get3A_613 = tpu.vector_load %arg8[%get3A_611, %get3A_612] {strides = array<i32>} : memref<104x384xf32, #tpu.memory_space<vmem>>, vector<1x16xf32>,
        %get3A_614 = vector.shape_cast %get3A_613 : vector<1x16xf32> to vector<16xf32>
        %mul3A_615 = arith.constant 2 : i32
        %mul3A_616 = arith.muli %mul3A_615, %scan3A_414 : i32
        %add3A_617 = arith.constant 1 : i32
        %add3A_618 = arith.addi %mul3A_616, %add3A_617 : i32
        %get3A_619 = arith.index_cast %add3A_618 : i32 to index
        %get3A_620 = arith.constant 176 : index
        %get3A_621 = tpu.vector_load %arg8[%get3A_619, %get3A_620] {strides = array<i32>} : memref<104x384xf32, #tpu.memory_space<vmem>>, vector<1x16xf32>,
        %get3A_622 = vector.shape_cast %get3A_621 : vector<1x16xf32> to vector<16xf32>
        %add3A_623 = arith.addf %get3A_614, %get3A_622 : vector<16xf32>
        %add3A_624 = arith.addf %scan3A_426, %add3A_623 : vector<16xf32>
        %mul3A_625 = arith.constant 2 : i32
        %mul3A_626 = arith.muli %mul3A_625, %scan3A_414 : i32
        %get3A_627 = arith.index_cast %mul3A_626 : i32 to index
        %get3A_628 = arith.constant 192 : index
        %get3A_629 = tpu.vector_load %arg8[%get3A_627, %get3A_628] {strides = array<i32>} : memref<104x384xf32, #tpu.memory_space<vmem>>, vector<1x16xf32>,
        %get3A_630 = vector.shape_cast %get3A_629 : vector<1x16xf32> to vector<16xf32>
        %mul3A_631 = arith.constant 2 : i32
        %mul3A_632 = arith.muli %mul3A_631, %scan3A_414 : i32
        %add3A_633 = arith.constant 1 : i32
        %add3A_634 = arith.addi %mul3A_632, %add3A_633 : i32
        %get3A_635 = arith.index_cast %add3A_634 : i32 to index
        %get3A_636 = arith.constant 192 : index
        %get3A_637 = tpu.vector_load %arg8[%get3A_635, %get3A_636] {strides = array<i32>} : memref<104x384xf32, #tpu.memory_space<vmem>>, vector<1x16xf32>,
        %get3A_638 = vector.shape_cast %get3A_637 : vector<1x16xf32> to vector<16xf32>
        %add3A_639 = arith.addf %get3A_630, %get3A_638 : vector<16xf32>
        %add3A_640 = arith.addf %scan3A_427, %add3A_639 : vector<16xf32>
        %mul3A_641 = arith.constant 2 : i32
        %mul3A_642 = arith.muli %mul3A_641, %scan3A_414 : i32
        %get3A_643 = arith.index_cast %mul3A_642 : i32 to index
        %get3A_644 = arith.constant 208 : index
        %get3A_645 = tpu.vector_load %arg8[%get3A_643, %get3A_644] {strides = array<i32>} : memref<104x384xf32, #tpu.memory_space<vmem>>, vector<1x16xf32>,
        %get3A_646 = vector.shape_cast %get3A_645 : vector<1x16xf32> to vector<16xf32>
        %mul3A_647 = arith.constant 2 : i32
        %mul3A_648 = arith.muli %mul3A_647, %scan3A_414 : i32
        %add3A_649 = arith.constant 1 : i32
        %add3A_650 = arith.addi %mul3A_648, %add3A_649 : i32
        %get3A_651 = arith.index_cast %add3A_650 : i32 to index
        %get3A_652 = arith.constant 208 : index
        %get3A_653 = tpu.vector_load %arg8[%get3A_651, %get3A_652] {strides = array<i32>} : memref<104x384xf32, #tpu.memory_space<vmem>>, vector<1x16xf32>,
        %get3A_654 = vector.shape_cast %get3A_653 : vector<1x16xf32> to vector<16xf32>
        %add3A_655 = arith.addf %get3A_646, %get3A_654 : vector<16xf32>
        %add3A_656 = arith.addf %scan3A_428, %add3A_655 : vector<16xf32>
        %mul3A_657 = arith.constant 2 : i32
        %mul3A_658 = arith.muli %mul3A_657, %scan3A_414 : i32
        %get3A_659 = arith.index_cast %mul3A_658 : i32 to index
        %get3A_660 = arith.constant 224 : index
        %get3A_661 = tpu.vector_load %arg8[%get3A_659, %get3A_660] {strides = array<i32>} : memref<104x384xf32, #tpu.memory_space<vmem>>, vector<1x16xf32>,
        %get3A_662 = vector.shape_cast %get3A_661 : vector<1x16xf32> to vector<16xf32>
        %mul3A_663 = arith.constant 2 : i32
        %mul3A_664 = arith.muli %mul3A_663, %scan3A_414 : i32
        %add3A_665 = arith.constant 1 : i32
        %add3A_666 = arith.addi %mul3A_664, %add3A_665 : i32
        %get3A_667 = arith.index_cast %add3A_666 : i32 to index
        %get3A_668 = arith.constant 224 : index
        %get3A_669 = tpu.vector_load %arg8[%get3A_667, %get3A_668] {strides = array<i32>} : memref<104x384xf32, #tpu.memory_space<vmem>>, vector<1x16xf32>,
        %get3A_670 = vector.shape_cast %get3A_669 : vector<1x16xf32> to vector<16xf32>
        %add3A_671 = arith.addf %get3A_662, %get3A_670 : vector<16xf32>
        %add3A_672 = arith.addf %scan3A_429, %add3A_671 : vector<16xf32>
        %mul3A_673 = arith.constant 2 : i32
        %mul3A_674 = arith.muli %mul3A_673, %scan3A_414 : i32
        %get3A_675 = arith.index_cast %mul3A_674 : i32 to index
        %get3A_676 = arith.constant 240 : index
        %get3A_677 = tpu.vector_load %arg8[%get3A_675, %get3A_676] {strides = array<i32>} : memref<104x384xf32, #tpu.memory_space<vmem>>, vector<1x16xf32>,
        %get3A_678 = vector.shape_cast %get3A_677 : vector<1x16xf32> to vector<16xf32>
        %mul3A_679 = arith.constant 2 : i32
        %mul3A_680 = arith.muli %mul3A_679, %scan3A_414 : i32
        %add3A_681 = arith.constant 1 : i32
        %add3A_682 = arith.addi %mul3A_680, %add3A_681 : i32
        %get3A_683 = arith.index_cast %add3A_682 : i32 to index
        %get3A_684 = arith.constant 240 : index
        %get3A_685 = tpu.vector_load %arg8[%get3A_683, %get3A_684] {strides = array<i32>} : memref<104x384xf32, #tpu.memory_space<vmem>>, vector<1x16xf32>,
        %get3A_686 = vector.shape_cast %get3A_685 : vector<1x16xf32> to vector<16xf32>
        %add3A_687 = arith.addf %get3A_678, %get3A_686 : vector<16xf32>
        %add3A_688 = arith.addf %scan3A_430, %add3A_687 : vector<16xf32>
        %mul3A_689 = arith.constant 2 : i32
        %mul3A_690 = arith.muli %mul3A_689, %scan3A_414 : i32
        %get3A_691 = arith.index_cast %mul3A_690 : i32 to index
        %get3A_692 = arith.constant 256 : index
        %get3A_693 = tpu.vector_load %arg8[%get3A_691, %get3A_692] {strides = array<i32>} : memref<104x384xf32, #tpu.memory_space<vmem>>, vector<1x16xf32>,
        %get3A_694 = vector.shape_cast %get3A_693 : vector<1x16xf32> to vector<16xf32>
        %mul3A_695 = arith.constant 2 : i32
        %mul3A_696 = arith.muli %mul3A_695, %scan3A_414 : i32
        %add3A_697 = arith.constant 1 : i32
        %add3A_698 = arith.addi %mul3A_696, %add3A_697 : i32
        %get3A_699 = arith.index_cast %add3A_698 : i32 to index
        %get3A_700 = arith.constant 256 : index
        %get3A_701 = tpu.vector_load %arg8[%get3A_699, %get3A_700] {strides = array<i32>} : memref<104x384xf32, #tpu.memory_space<vmem>>, vector<1x16xf32>,
        %get3A_702 = vector.shape_cast %get3A_701 : vector<1x16xf32> to vector<16xf32>
        %add3A_703 = arith.addf %get3A_694, %get3A_702 : vector<16xf32>
        %add3A_704 = arith.addf %scan3A_431, %add3A_703 : vector<16xf32>
        %mul3A_705 = arith.constant 2 : i32
        %mul3A_706 = arith.muli %mul3A_705, %scan3A_414 : i32
        %get3A_707 = arith.index_cast %mul3A_706 : i32 to index
        %get3A_708 = arith.constant 272 : index
        %get3A_709 = tpu.vector_load %arg8[%get3A_707, %get3A_708] {strides = array<i32>} : memref<104x384xf32, #tpu.memory_space<vmem>>, vector<1x16xf32>,
        %get3A_710 = vector.shape_cast %get3A_709 : vector<1x16xf32> to vector<16xf32>
        %mul3A_711 = arith.constant 2 : i32
        %mul3A_712 = arith.muli %mul3A_711, %scan3A_414 : i32
        %add3A_713 = arith.constant 1 : i32
        %add3A_714 = arith.addi %mul3A_712, %add3A_713 : i32
        %get3A_715 = arith.index_cast %add3A_714 : i32 to index
        %get3A_716 = arith.constant 272 : index
        %get3A_717 = tpu.vector_load %arg8[%get3A_715, %get3A_716] {strides = array<i32>} : memref<104x384xf32, #tpu.memory_space<vmem>>, vector<1x16xf32>,
        %get3A_718 = vector.shape_cast %get3A_717 : vector<1x16xf32> to vector<16xf32>
        %add3A_719 = arith.addf %get3A_710, %get3A_718 : vector<16xf32>
        %add3A_720 = arith.addf %scan3A_432, %add3A_719 : vector<16xf32>
        %mul3A_721 = arith.constant 2 : i32
        %mul3A_722 = arith.muli %mul3A_721, %scan3A_414 : i32
        %get3A_723 = arith.index_cast %mul3A_722 : i32 to index
        %get3A_724 = arith.constant 288 : index
        %get3A_725 = tpu.vector_load %arg8[%get3A_723, %get3A_724] {strides = array<i32>} : memref<104x384xf32, #tpu.memory_space<vmem>>, vector<1x16xf32>,
        %get3A_726 = vector.shape_cast %get3A_725 : vector<1x16xf32> to vector<16xf32>
        %mul3A_727 = arith.constant 2 : i32
        %mul3A_728 = arith.muli %mul3A_727, %scan3A_414 : i32
        %add3A_729 = arith.constant 1 : i32
        %add3A_730 = arith.addi %mul3A_728, %add3A_729 : i32
        %get3A_731 = arith.index_cast %add3A_730 : i32 to index
        %get3A_732 = arith.constant 288 : index
        %get3A_733 = tpu.vector_load %arg8[%get3A_731, %get3A_732] {strides = array<i32>} : memref<104x384xf32, #tpu.memory_space<vmem>>, vector<1x16xf32>,
        %get3A_734 = vector.shape_cast %get3A_733 : vector<1x16xf32> to vector<16xf32>
        %add3A_735 = arith.addf %get3A_726, %get3A_734 : vector<16xf32>
        %add3A_736 = arith.addf %scan3A_433, %add3A_735 : vector<16xf32>
        scf.yield %add3A_448, %add3A_464, %add3A_480, %add3A_496, %add3A_512, %add3A_528, %add3A_544, %add3A_560, %add3A_576, %add3A_592, %add3A_608, %add3A_624, %add3A_640, %add3A_656, %add3A_672, %add3A_688, %add3A_704, %add3A_720, %add3A_736 : vector<16xf32>, vector<16xf32>, vector<16xf32>, vector<16xf32>, vector<16xf32>, vector<16xf32>, vector<16xf32>, vector<16xf32>, vector<16xf32>, vector<16xf32>, vector<16xf32>, vector<16xf32>, vector<16xf32>, vector<16xf32>, vector<16xf32>, vector<16xf32>, vector<16xf32>, vector<16xf32>, vector<16xf32>
      }
      %scan3A_250 = arith.constant 52 : i32
      %sub3A = arith.subf %add3A_178, %scan3A_249#0 : vector<16xf32>
      %sub3A_251 = arith.subf %add3A_179, %scan3A_249#1 : vector<16xf32>
      %sub3A_252 = arith.subf %add3A_180, %scan3A_249#2 : vector<16xf32>
      %sub3A_253 = arith.subf %add3A_181, %scan3A_249#3 : vector<16xf32>
      %sub3A_254 = arith.subf %add3A_182, %scan3A_249#4 : vector<16xf32>
      %sub3A_255 = arith.subf %add3A_183, %scan3A_249#5 : vector<16xf32>
      %sub3A_256 = arith.subf %add3A_184, %scan3A_249#6 : vector<16xf32>
      %sub3A_257 = arith.subf %add3A_185, %scan3A_249#7 : vector<16xf32>
      %sub3A_258 = arith.subf %add3A_186, %scan3A_249#8 : vector<16xf32>
      %sub3A_259 = arith.subf %add3A_187, %scan3A_249#9 : vector<16xf32>
      %sub3A_260 = arith.subf %add3A_188, %scan3A_249#10 : vector<16xf32>
      %sub3A_261 = arith.subf %add3A_189, %scan3A_249#11 : vector<16xf32>
      %sub3A_262 = arith.subf %add3A_190, %scan3A_249#12 : vector<16xf32>
      %sub3A_263 = arith.subf %add3A_191, %scan3A_249#13 : vector<16xf32>
      %sub3A_264 = arith.subf %add3A_192, %scan3A_249#14 : vector<16xf32>
      %sub3A_265 = arith.subf %add3A_193, %scan3A_249#15 : vector<16xf32>
      %sub3A_266 = arith.subf %add3A_194, %scan3A_249#16 : vector<16xf32>
      %sub3A_267 = arith.subf %add3A_195, %scan3A_249#17 : vector<16xf32>
      %sub3A_268 = arith.subf %add3A_196, %scan3A_249#18 : vector<16xf32>
      %lt3A = arith.constant 31 : i32
      %lt3A_269 = arith.cmpi slt, %scan3A_13, %lt3A : i32
      %convert_element_type3A = arith.extui %lt3A_269 : i1 to i32
      %cond3A = arith.constant 0 : i32
      %cond3A_270 = arith.cmpi ne, %convert_element_type3A, %cond3A : i32
      scf.if %cond3A_270 {
        %add3A_414 = arith.constant 1 : i32
        %add3A_415 = arith.addi %add3A_14, %add3A_414 : i32
        %mul3A_416 = arith.constant 200 : i32
        %mul3A_417 = arith.muli %add3A_415, %mul3A_416 : i32
        %add3A_418 = arith.constant 0 : i32
        %add3A_419 = arith.addi %mul3A_417, %add3A_418 : i32
        "tpu.region"() ({
          %run_scoped3A = tpu.sem_alloc : memref<!tpu.dma_semaphore, #tpu.memory_space<semaphore_mem>>
          %dma_start3A_423 = tpu.memref_slice %arg2[%add3A_419] : memref<204800xi32, #tpu.memory_space<hbm>> -> memref<104xi32, #tpu.memory_space<hbm>>
          %dma_start3A_424 = tpu.memref_slice %arg2[%add3A_419] : memref<204800xi32, #tpu.memory_space<hbm>> -> memref<104xi32, #tpu.memory_space<hbm>>
          tpu.enqueue_dma source(%dma_start3A_424 : memref<104xi32, #tpu.memory_space<hbm>>) target(%arg6 : memref<104xi32, #tpu.memory_space<vmem>>) target_semaphore(%run_scoped3A : memref<!tpu.dma_semaphore, #tpu.memory_space<semaphore_mem>>)
          %dma_wait3A_425 = tpu.memref_slice %arg2[%add3A_419] : memref<204800xi32, #tpu.memory_space<hbm>> -> memref<104xi32, #tpu.memory_space<hbm>>
          %dma_wait3A_426 = tpu.memref_slice %arg2[%add3A_419] : memref<204800xi32, #tpu.memory_space<hbm>> -> memref<104xi32, #tpu.memory_space<hbm>>
          tpu.wait_dma2 semaphore(%run_scoped3A : memref<!tpu.dma_semaphore, #tpu.memory_space<semaphore_mem>>) src(%dma_wait3A_426 : memref<104xi32, #tpu.memory_space<hbm>>) dst(%arg6 : memref<104xi32, #tpu.memory_space<vmem>>)
          tpu.yield
        }) : () -> ()
        %dma_start3A_420 = arith.constant 0 : i32
        %dma_start3A_421 = arith.constant 0 : i32
        %dma_start3A_422 = tpu.memref_slice %arg4[%dma_start3A_420, %dma_start3A_421] : memref<100000x384xf32, #tpu.memory_space<hbm>> -> memref<100000x384xf32, #tpu.memory_space<hbm>>
        tpu.enqueue_indirect_dma source(%dma_start3A_422 : memref<100000x384xf32, #tpu.memory_space<hbm>>) target(%arg8 : memref<104x384xf32, #tpu.memory_space<vmem>>) offsets(%arg6 : memref<104xi32, #tpu.memory_space<vmem>>) semaphore(%arg11 : memref<!tpu.dma_semaphore, #tpu.memory_space<semaphore_mem>>)
      } else {
      }
      %dma_wait3A_271 = arith.constant 0 : i32
      %dma_wait3A_272 = arith.constant 0 : i32
      %dma_wait3A_273 = tpu.memref_slice %arg4[%dma_wait3A_271, %dma_wait3A_272] : memref<100000x384xf32, #tpu.memory_space<hbm>> -> memref<100000x384xf32, #tpu.memory_space<hbm>>
      tpu.wait_indirect_dma semaphore(%arg12 : memref<!tpu.dma_semaphore, #tpu.memory_space<semaphore_mem>>) src(%dma_wait3A_273 : memref<100000x384xf32, #tpu.memory_space<hbm>>) dst(%arg9 : memref<96x384xf32, #tpu.memory_space<vmem>>)
      %broadcast_in_dim3A_274 = arith.constant 0.000000e+00 : f32
      %broadcast_in_dim3A_275 = vector.broadcast %broadcast_in_dim3A_274 : f32 to vector<16xf32>
      %broadcast_in_dim3A_276 = arith.constant 0.000000e+00 : f32
      %broadcast_in_dim3A_277 = vector.broadcast %broadcast_in_dim3A_276 : f32 to vector<16xf32>
      %broadcast_in_dim3A_278 = arith.constant 0.000000e+00 : f32
      %broadcast_in_dim3A_279 = vector.broadcast %broadcast_in_dim3A_278 : f32 to vector<16xf32>
      %broadcast_in_dim3A_280 = arith.constant 0.000000e+00 : f32
      %broadcast_in_dim3A_281 = vector.broadcast %broadcast_in_dim3A_280 : f32 to vector<16xf32>
      %broadcast_in_dim3A_282 = arith.constant 0.000000e+00 : f32
      %broadcast_in_dim3A_283 = vector.broadcast %broadcast_in_dim3A_282 : f32 to vector<16xf32>
      %broadcast_in_dim3A_284 = arith.constant 0.000000e+00 : f32
      %broadcast_in_dim3A_285 = vector.broadcast %broadcast_in_dim3A_284 : f32 to vector<16xf32>
      %broadcast_in_dim3A_286 = arith.constant 0.000000e+00 : f32
      %broadcast_in_dim3A_287 = vector.broadcast %broadcast_in_dim3A_286 : f32 to vector<16xf32>
      %broadcast_in_dim3A_288 = arith.constant 0.000000e+00 : f32
      %broadcast_in_dim3A_289 = vector.broadcast %broadcast_in_dim3A_288 : f32 to vector<16xf32>
      %broadcast_in_dim3A_290 = arith.constant 0.000000e+00 : f32
      %broadcast_in_dim3A_291 = vector.broadcast %broadcast_in_dim3A_290 : f32 to vector<16xf32>
      %broadcast_in_dim3A_292 = arith.constant 0.000000e+00 : f32
      %broadcast_in_dim3A_293 = vector.broadcast %broadcast_in_dim3A_292 : f32 to vector<16xf32>
      %broadcast_in_dim3A_294 = arith.constant 0.000000e+00 : f32
      %broadcast_in_dim3A_295 = vector.broadcast %broadcast_in_dim3A_294 : f32 to vector<16xf32>
      %broadcast_in_dim3A_296 = arith.constant 0.000000e+00 : f32
      %broadcast_in_dim3A_297 = vector.broadcast %broadcast_in_dim3A_296 : f32 to vector<16xf32>
      %broadcast_in_dim3A_298 = arith.constant 0.000000e+00 : f32
      %broadcast_in_dim3A_299 = vector.broadcast %broadcast_in_dim3A_298 : f32 to vector<16xf32>
      %broadcast_in_dim3A_300 = arith.constant 0.000000e+00 : f32
      %broadcast_in_dim3A_301 = vector.broadcast %broadcast_in_dim3A_300 : f32 to vector<16xf32>
      %broadcast_in_dim3A_302 = arith.constant 0.000000e+00 : f32
      %broadcast_in_dim3A_303 = vector.broadcast %broadcast_in_dim3A_302 : f32 to vector<16xf32>
      %broadcast_in_dim3A_304 = arith.constant 0.000000e+00 : f32
      %broadcast_in_dim3A_305 = vector.broadcast %broadcast_in_dim3A_304 : f32 to vector<16xf32>
      %broadcast_in_dim3A_306 = arith.constant 0.000000e+00 : f32
      %broadcast_in_dim3A_307 = vector.broadcast %broadcast_in_dim3A_306 : f32 to vector<16xf32>
      %broadcast_in_dim3A_308 = arith.constant 0.000000e+00 : f32
      %broadcast_in_dim3A_309 = vector.broadcast %broadcast_in_dim3A_308 : f32 to vector<16xf32>
      %broadcast_in_dim3A_310 = arith.constant 0.000000e+00 : f32
      %broadcast_in_dim3A_311 = vector.broadcast %broadcast_in_dim3A_310 : f32 to vector<16xf32>
      %scan3A_312 = arith.constant 0 : i32
      %scan3A_313 = arith.constant 48 : i32
      %scan3A_314 = arith.addi %scan3A_312, %scan3A_313 : i32
      %scan3A_315 = arith.constant 1 : i32
      %scan3A_316:19 = scf.for %scan3A_414 = %scan3A_312 to %scan3A_314 step %scan3A_315 iter_args(%scan3A_415 = %broadcast_in_dim3A_275, %scan3A_416 = %broadcast_in_dim3A_277, %scan3A_417 = %broadcast_in_dim3A_279, %scan3A_418 = %broadcast_in_dim3A_281, %scan3A_419 = %broadcast_in_dim3A_283, %scan3A_420 = %broadcast_in_dim3A_285, %scan3A_421 = %broadcast_in_dim3A_287, %scan3A_422 = %broadcast_in_dim3A_289, %scan3A_423 = %broadcast_in_dim3A_291, %scan3A_424 = %broadcast_in_dim3A_293, %scan3A_425 = %broadcast_in_dim3A_295, %scan3A_426 = %broadcast_in_dim3A_297, %scan3A_427 = %broadcast_in_dim3A_299, %scan3A_428 = %broadcast_in_dim3A_301, %scan3A_429 = %broadcast_in_dim3A_303, %scan3A_430 = %broadcast_in_dim3A_305, %scan3A_431 = %broadcast_in_dim3A_307, %scan3A_432 = %broadcast_in_dim3A_309, %scan3A_433 = %broadcast_in_dim3A_311) -> (vector<16xf32>, vector<16xf32>, vector<16xf32>, vector<16xf32>, vector<16xf32>, vector<16xf32>, vector<16xf32>, vector<16xf32>, vector<16xf32>, vector<16xf32>, vector<16xf32>, vector<16xf32>, vector<16xf32>, vector<16xf32>, vector<16xf32>, vector<16xf32>, vector<16xf32>, vector<16xf32>, vector<16xf32>)  : i32 {
        %mul3A_434 = arith.constant 2 : i32
        %mul3A_435 = arith.muli %mul3A_434, %scan3A_414 : i32
        %get3A = arith.index_cast %mul3A_435 : i32 to index
        %get3A_436 = arith.constant 0 : index
        %get3A_437 = tpu.vector_load %arg9[%get3A, %get3A_436] {strides = array<i32>} : memref<96x384xf32, #tpu.memory_space<vmem>>, vector<1x16xf32>,
        %get3A_438 = vector.shape_cast %get3A_437 : vector<1x16xf32> to vector<16xf32>
        %mul3A_439 = arith.constant 2 : i32
        %mul3A_440 = arith.muli %mul3A_439, %scan3A_414 : i32
        %add3A_441 = arith.constant 1 : i32
        %add3A_442 = arith.addi %mul3A_440, %add3A_441 : i32
        %get3A_443 = arith.index_cast %add3A_442 : i32 to index
        %get3A_444 = arith.constant 0 : index
        %get3A_445 = tpu.vector_load %arg9[%get3A_443, %get3A_444] {strides = array<i32>} : memref<96x384xf32, #tpu.memory_space<vmem>>, vector<1x16xf32>,
        %get3A_446 = vector.shape_cast %get3A_445 : vector<1x16xf32> to vector<16xf32>
        %add3A_447 = arith.addf %get3A_438, %get3A_446 : vector<16xf32>
        %add3A_448 = arith.addf %scan3A_415, %add3A_447 : vector<16xf32>
        %mul3A_449 = arith.constant 2 : i32
        %mul3A_450 = arith.muli %mul3A_449, %scan3A_414 : i32
        %get3A_451 = arith.index_cast %mul3A_450 : i32 to index
        %get3A_452 = arith.constant 16 : index
        %get3A_453 = tpu.vector_load %arg9[%get3A_451, %get3A_452] {strides = array<i32>} : memref<96x384xf32, #tpu.memory_space<vmem>>, vector<1x16xf32>,
        %get3A_454 = vector.shape_cast %get3A_453 : vector<1x16xf32> to vector<16xf32>
        %mul3A_455 = arith.constant 2 : i32
        %mul3A_456 = arith.muli %mul3A_455, %scan3A_414 : i32
        %add3A_457 = arith.constant 1 : i32
        %add3A_458 = arith.addi %mul3A_456, %add3A_457 : i32
        %get3A_459 = arith.index_cast %add3A_458 : i32 to index
        %get3A_460 = arith.constant 16 : index
        %get3A_461 = tpu.vector_load %arg9[%get3A_459, %get3A_460] {strides = array<i32>} : memref<96x384xf32, #tpu.memory_space<vmem>>, vector<1x16xf32>,
        %get3A_462 = vector.shape_cast %get3A_461 : vector<1x16xf32> to vector<16xf32>
        %add3A_463 = arith.addf %get3A_454, %get3A_462 : vector<16xf32>
        %add3A_464 = arith.addf %scan3A_416, %add3A_463 : vector<16xf32>
        %mul3A_465 = arith.constant 2 : i32
        %mul3A_466 = arith.muli %mul3A_465, %scan3A_414 : i32
        %get3A_467 = arith.index_cast %mul3A_466 : i32 to index
        %get3A_468 = arith.constant 32 : index
        %get3A_469 = tpu.vector_load %arg9[%get3A_467, %get3A_468] {strides = array<i32>} : memref<96x384xf32, #tpu.memory_space<vmem>>, vector<1x16xf32>,
        %get3A_470 = vector.shape_cast %get3A_469 : vector<1x16xf32> to vector<16xf32>
        %mul3A_471 = arith.constant 2 : i32
        %mul3A_472 = arith.muli %mul3A_471, %scan3A_414 : i32
        %add3A_473 = arith.constant 1 : i32
        %add3A_474 = arith.addi %mul3A_472, %add3A_473 : i32
        %get3A_475 = arith.index_cast %add3A_474 : i32 to index
        %get3A_476 = arith.constant 32 : index
        %get3A_477 = tpu.vector_load %arg9[%get3A_475, %get3A_476] {strides = array<i32>} : memref<96x384xf32, #tpu.memory_space<vmem>>, vector<1x16xf32>,
        %get3A_478 = vector.shape_cast %get3A_477 : vector<1x16xf32> to vector<16xf32>
        %add3A_479 = arith.addf %get3A_470, %get3A_478 : vector<16xf32>
        %add3A_480 = arith.addf %scan3A_417, %add3A_479 : vector<16xf32>
        %mul3A_481 = arith.constant 2 : i32
        %mul3A_482 = arith.muli %mul3A_481, %scan3A_414 : i32
        %get3A_483 = arith.index_cast %mul3A_482 : i32 to index
        %get3A_484 = arith.constant 48 : index
        %get3A_485 = tpu.vector_load %arg9[%get3A_483, %get3A_484] {strides = array<i32>} : memref<96x384xf32, #tpu.memory_space<vmem>>, vector<1x16xf32>,
        %get3A_486 = vector.shape_cast %get3A_485 : vector<1x16xf32> to vector<16xf32>
        %mul3A_487 = arith.constant 2 : i32
        %mul3A_488 = arith.muli %mul3A_487, %scan3A_414 : i32
        %add3A_489 = arith.constant 1 : i32
        %add3A_490 = arith.addi %mul3A_488, %add3A_489 : i32
        %get3A_491 = arith.index_cast %add3A_490 : i32 to index
        %get3A_492 = arith.constant 48 : index
        %get3A_493 = tpu.vector_load %arg9[%get3A_491, %get3A_492] {strides = array<i32>} : memref<96x384xf32, #tpu.memory_space<vmem>>, vector<1x16xf32>,
        %get3A_494 = vector.shape_cast %get3A_493 : vector<1x16xf32> to vector<16xf32>
        %add3A_495 = arith.addf %get3A_486, %get3A_494 : vector<16xf32>
        %add3A_496 = arith.addf %scan3A_418, %add3A_495 : vector<16xf32>
        %mul3A_497 = arith.constant 2 : i32
        %mul3A_498 = arith.muli %mul3A_497, %scan3A_414 : i32
        %get3A_499 = arith.index_cast %mul3A_498 : i32 to index
        %get3A_500 = arith.constant 64 : index
        %get3A_501 = tpu.vector_load %arg9[%get3A_499, %get3A_500] {strides = array<i32>} : memref<96x384xf32, #tpu.memory_space<vmem>>, vector<1x16xf32>,
        %get3A_502 = vector.shape_cast %get3A_501 : vector<1x16xf32> to vector<16xf32>
        %mul3A_503 = arith.constant 2 : i32
        %mul3A_504 = arith.muli %mul3A_503, %scan3A_414 : i32
        %add3A_505 = arith.constant 1 : i32
        %add3A_506 = arith.addi %mul3A_504, %add3A_505 : i32
        %get3A_507 = arith.index_cast %add3A_506 : i32 to index
        %get3A_508 = arith.constant 64 : index
        %get3A_509 = tpu.vector_load %arg9[%get3A_507, %get3A_508] {strides = array<i32>} : memref<96x384xf32, #tpu.memory_space<vmem>>, vector<1x16xf32>,
        %get3A_510 = vector.shape_cast %get3A_509 : vector<1x16xf32> to vector<16xf32>
        %add3A_511 = arith.addf %get3A_502, %get3A_510 : vector<16xf32>
        %add3A_512 = arith.addf %scan3A_419, %add3A_511 : vector<16xf32>
        %mul3A_513 = arith.constant 2 : i32
        %mul3A_514 = arith.muli %mul3A_513, %scan3A_414 : i32
        %get3A_515 = arith.index_cast %mul3A_514 : i32 to index
        %get3A_516 = arith.constant 80 : index
        %get3A_517 = tpu.vector_load %arg9[%get3A_515, %get3A_516] {strides = array<i32>} : memref<96x384xf32, #tpu.memory_space<vmem>>, vector<1x16xf32>,
        %get3A_518 = vector.shape_cast %get3A_517 : vector<1x16xf32> to vector<16xf32>
        %mul3A_519 = arith.constant 2 : i32
        %mul3A_520 = arith.muli %mul3A_519, %scan3A_414 : i32
        %add3A_521 = arith.constant 1 : i32
        %add3A_522 = arith.addi %mul3A_520, %add3A_521 : i32
        %get3A_523 = arith.index_cast %add3A_522 : i32 to index
        %get3A_524 = arith.constant 80 : index
        %get3A_525 = tpu.vector_load %arg9[%get3A_523, %get3A_524] {strides = array<i32>} : memref<96x384xf32, #tpu.memory_space<vmem>>, vector<1x16xf32>,
        %get3A_526 = vector.shape_cast %get3A_525 : vector<1x16xf32> to vector<16xf32>
        %add3A_527 = arith.addf %get3A_518, %get3A_526 : vector<16xf32>
        %add3A_528 = arith.addf %scan3A_420, %add3A_527 : vector<16xf32>
        %mul3A_529 = arith.constant 2 : i32
        %mul3A_530 = arith.muli %mul3A_529, %scan3A_414 : i32
        %get3A_531 = arith.index_cast %mul3A_530 : i32 to index
        %get3A_532 = arith.constant 96 : index
        %get3A_533 = tpu.vector_load %arg9[%get3A_531, %get3A_532] {strides = array<i32>} : memref<96x384xf32, #tpu.memory_space<vmem>>, vector<1x16xf32>,
        %get3A_534 = vector.shape_cast %get3A_533 : vector<1x16xf32> to vector<16xf32>
        %mul3A_535 = arith.constant 2 : i32
        %mul3A_536 = arith.muli %mul3A_535, %scan3A_414 : i32
        %add3A_537 = arith.constant 1 : i32
        %add3A_538 = arith.addi %mul3A_536, %add3A_537 : i32
        %get3A_539 = arith.index_cast %add3A_538 : i32 to index
        %get3A_540 = arith.constant 96 : index
        %get3A_541 = tpu.vector_load %arg9[%get3A_539, %get3A_540] {strides = array<i32>} : memref<96x384xf32, #tpu.memory_space<vmem>>, vector<1x16xf32>,
        %get3A_542 = vector.shape_cast %get3A_541 : vector<1x16xf32> to vector<16xf32>
        %add3A_543 = arith.addf %get3A_534, %get3A_542 : vector<16xf32>
        %add3A_544 = arith.addf %scan3A_421, %add3A_543 : vector<16xf32>
        %mul3A_545 = arith.constant 2 : i32
        %mul3A_546 = arith.muli %mul3A_545, %scan3A_414 : i32
        %get3A_547 = arith.index_cast %mul3A_546 : i32 to index
        %get3A_548 = arith.constant 112 : index
        %get3A_549 = tpu.vector_load %arg9[%get3A_547, %get3A_548] {strides = array<i32>} : memref<96x384xf32, #tpu.memory_space<vmem>>, vector<1x16xf32>,
        %get3A_550 = vector.shape_cast %get3A_549 : vector<1x16xf32> to vector<16xf32>
        %mul3A_551 = arith.constant 2 : i32
        %mul3A_552 = arith.muli %mul3A_551, %scan3A_414 : i32
        %add3A_553 = arith.constant 1 : i32
        %add3A_554 = arith.addi %mul3A_552, %add3A_553 : i32
        %get3A_555 = arith.index_cast %add3A_554 : i32 to index
        %get3A_556 = arith.constant 112 : index
        %get3A_557 = tpu.vector_load %arg9[%get3A_555, %get3A_556] {strides = array<i32>} : memref<96x384xf32, #tpu.memory_space<vmem>>, vector<1x16xf32>,
        %get3A_558 = vector.shape_cast %get3A_557 : vector<1x16xf32> to vector<16xf32>
        %add3A_559 = arith.addf %get3A_550, %get3A_558 : vector<16xf32>
        %add3A_560 = arith.addf %scan3A_422, %add3A_559 : vector<16xf32>
        %mul3A_561 = arith.constant 2 : i32
        %mul3A_562 = arith.muli %mul3A_561, %scan3A_414 : i32
        %get3A_563 = arith.index_cast %mul3A_562 : i32 to index
        %get3A_564 = arith.constant 128 : index
        %get3A_565 = tpu.vector_load %arg9[%get3A_563, %get3A_564] {strides = array<i32>} : memref<96x384xf32, #tpu.memory_space<vmem>>, vector<1x16xf32>,
        %get3A_566 = vector.shape_cast %get3A_565 : vector<1x16xf32> to vector<16xf32>
        %mul3A_567 = arith.constant 2 : i32
        %mul3A_568 = arith.muli %mul3A_567, %scan3A_414 : i32
        %add3A_569 = arith.constant 1 : i32
        %add3A_570 = arith.addi %mul3A_568, %add3A_569 : i32
        %get3A_571 = arith.index_cast %add3A_570 : i32 to index
        %get3A_572 = arith.constant 128 : index
        %get3A_573 = tpu.vector_load %arg9[%get3A_571, %get3A_572] {strides = array<i32>} : memref<96x384xf32, #tpu.memory_space<vmem>>, vector<1x16xf32>,
        %get3A_574 = vector.shape_cast %get3A_573 : vector<1x16xf32> to vector<16xf32>
        %add3A_575 = arith.addf %get3A_566, %get3A_574 : vector<16xf32>
        %add3A_576 = arith.addf %scan3A_423, %add3A_575 : vector<16xf32>
        %mul3A_577 = arith.constant 2 : i32
        %mul3A_578 = arith.muli %mul3A_577, %scan3A_414 : i32
        %get3A_579 = arith.index_cast %mul3A_578 : i32 to index
        %get3A_580 = arith.constant 144 : index
        %get3A_581 = tpu.vector_load %arg9[%get3A_579, %get3A_580] {strides = array<i32>} : memref<96x384xf32, #tpu.memory_space<vmem>>, vector<1x16xf32>,
        %get3A_582 = vector.shape_cast %get3A_581 : vector<1x16xf32> to vector<16xf32>
        %mul3A_583 = arith.constant 2 : i32
        %mul3A_584 = arith.muli %mul3A_583, %scan3A_414 : i32
        %add3A_585 = arith.constant 1 : i32
        %add3A_586 = arith.addi %mul3A_584, %add3A_585 : i32
        %get3A_587 = arith.index_cast %add3A_586 : i32 to index
        %get3A_588 = arith.constant 144 : index
        %get3A_589 = tpu.vector_load %arg9[%get3A_587, %get3A_588] {strides = array<i32>} : memref<96x384xf32, #tpu.memory_space<vmem>>, vector<1x16xf32>,
        %get3A_590 = vector.shape_cast %get3A_589 : vector<1x16xf32> to vector<16xf32>
        %add3A_591 = arith.addf %get3A_582, %get3A_590 : vector<16xf32>
        %add3A_592 = arith.addf %scan3A_424, %add3A_591 : vector<16xf32>
        %mul3A_593 = arith.constant 2 : i32
        %mul3A_594 = arith.muli %mul3A_593, %scan3A_414 : i32
        %get3A_595 = arith.index_cast %mul3A_594 : i32 to index
        %get3A_596 = arith.constant 160 : index
        %get3A_597 = tpu.vector_load %arg9[%get3A_595, %get3A_596] {strides = array<i32>} : memref<96x384xf32, #tpu.memory_space<vmem>>, vector<1x16xf32>,
        %get3A_598 = vector.shape_cast %get3A_597 : vector<1x16xf32> to vector<16xf32>
        %mul3A_599 = arith.constant 2 : i32
        %mul3A_600 = arith.muli %mul3A_599, %scan3A_414 : i32
        %add3A_601 = arith.constant 1 : i32
        %add3A_602 = arith.addi %mul3A_600, %add3A_601 : i32
        %get3A_603 = arith.index_cast %add3A_602 : i32 to index
        %get3A_604 = arith.constant 160 : index
        %get3A_605 = tpu.vector_load %arg9[%get3A_603, %get3A_604] {strides = array<i32>} : memref<96x384xf32, #tpu.memory_space<vmem>>, vector<1x16xf32>,
        %get3A_606 = vector.shape_cast %get3A_605 : vector<1x16xf32> to vector<16xf32>
        %add3A_607 = arith.addf %get3A_598, %get3A_606 : vector<16xf32>
        %add3A_608 = arith.addf %scan3A_425, %add3A_607 : vector<16xf32>
        %mul3A_609 = arith.constant 2 : i32
        %mul3A_610 = arith.muli %mul3A_609, %scan3A_414 : i32
        %get3A_611 = arith.index_cast %mul3A_610 : i32 to index
        %get3A_612 = arith.constant 176 : index
        %get3A_613 = tpu.vector_load %arg9[%get3A_611, %get3A_612] {strides = array<i32>} : memref<96x384xf32, #tpu.memory_space<vmem>>, vector<1x16xf32>,
        %get3A_614 = vector.shape_cast %get3A_613 : vector<1x16xf32> to vector<16xf32>
        %mul3A_615 = arith.constant 2 : i32
        %mul3A_616 = arith.muli %mul3A_615, %scan3A_414 : i32
        %add3A_617 = arith.constant 1 : i32
        %add3A_618 = arith.addi %mul3A_616, %add3A_617 : i32
        %get3A_619 = arith.index_cast %add3A_618 : i32 to index
        %get3A_620 = arith.constant 176 : index
        %get3A_621 = tpu.vector_load %arg9[%get3A_619, %get3A_620] {strides = array<i32>} : memref<96x384xf32, #tpu.memory_space<vmem>>, vector<1x16xf32>,
        %get3A_622 = vector.shape_cast %get3A_621 : vector<1x16xf32> to vector<16xf32>
        %add3A_623 = arith.addf %get3A_614, %get3A_622 : vector<16xf32>
        %add3A_624 = arith.addf %scan3A_426, %add3A_623 : vector<16xf32>
        %mul3A_625 = arith.constant 2 : i32
        %mul3A_626 = arith.muli %mul3A_625, %scan3A_414 : i32
        %get3A_627 = arith.index_cast %mul3A_626 : i32 to index
        %get3A_628 = arith.constant 192 : index
        %get3A_629 = tpu.vector_load %arg9[%get3A_627, %get3A_628] {strides = array<i32>} : memref<96x384xf32, #tpu.memory_space<vmem>>, vector<1x16xf32>,
        %get3A_630 = vector.shape_cast %get3A_629 : vector<1x16xf32> to vector<16xf32>
        %mul3A_631 = arith.constant 2 : i32
        %mul3A_632 = arith.muli %mul3A_631, %scan3A_414 : i32
        %add3A_633 = arith.constant 1 : i32
        %add3A_634 = arith.addi %mul3A_632, %add3A_633 : i32
        %get3A_635 = arith.index_cast %add3A_634 : i32 to index
        %get3A_636 = arith.constant 192 : index
        %get3A_637 = tpu.vector_load %arg9[%get3A_635, %get3A_636] {strides = array<i32>} : memref<96x384xf32, #tpu.memory_space<vmem>>, vector<1x16xf32>,
        %get3A_638 = vector.shape_cast %get3A_637 : vector<1x16xf32> to vector<16xf32>
        %add3A_639 = arith.addf %get3A_630, %get3A_638 : vector<16xf32>
        %add3A_640 = arith.addf %scan3A_427, %add3A_639 : vector<16xf32>
        %mul3A_641 = arith.constant 2 : i32
        %mul3A_642 = arith.muli %mul3A_641, %scan3A_414 : i32
        %get3A_643 = arith.index_cast %mul3A_642 : i32 to index
        %get3A_644 = arith.constant 208 : index
        %get3A_645 = tpu.vector_load %arg9[%get3A_643, %get3A_644] {strides = array<i32>} : memref<96x384xf32, #tpu.memory_space<vmem>>, vector<1x16xf32>,
        %get3A_646 = vector.shape_cast %get3A_645 : vector<1x16xf32> to vector<16xf32>
        %mul3A_647 = arith.constant 2 : i32
        %mul3A_648 = arith.muli %mul3A_647, %scan3A_414 : i32
        %add3A_649 = arith.constant 1 : i32
        %add3A_650 = arith.addi %mul3A_648, %add3A_649 : i32
        %get3A_651 = arith.index_cast %add3A_650 : i32 to index
        %get3A_652 = arith.constant 208 : index
        %get3A_653 = tpu.vector_load %arg9[%get3A_651, %get3A_652] {strides = array<i32>} : memref<96x384xf32, #tpu.memory_space<vmem>>, vector<1x16xf32>,
        %get3A_654 = vector.shape_cast %get3A_653 : vector<1x16xf32> to vector<16xf32>
        %add3A_655 = arith.addf %get3A_646, %get3A_654 : vector<16xf32>
        %add3A_656 = arith.addf %scan3A_428, %add3A_655 : vector<16xf32>
        %mul3A_657 = arith.constant 2 : i32
        %mul3A_658 = arith.muli %mul3A_657, %scan3A_414 : i32
        %get3A_659 = arith.index_cast %mul3A_658 : i32 to index
        %get3A_660 = arith.constant 224 : index
        %get3A_661 = tpu.vector_load %arg9[%get3A_659, %get3A_660] {strides = array<i32>} : memref<96x384xf32, #tpu.memory_space<vmem>>, vector<1x16xf32>,
        %get3A_662 = vector.shape_cast %get3A_661 : vector<1x16xf32> to vector<16xf32>
        %mul3A_663 = arith.constant 2 : i32
        %mul3A_664 = arith.muli %mul3A_663, %scan3A_414 : i32
        %add3A_665 = arith.constant 1 : i32
        %add3A_666 = arith.addi %mul3A_664, %add3A_665 : i32
        %get3A_667 = arith.index_cast %add3A_666 : i32 to index
        %get3A_668 = arith.constant 224 : index
        %get3A_669 = tpu.vector_load %arg9[%get3A_667, %get3A_668] {strides = array<i32>} : memref<96x384xf32, #tpu.memory_space<vmem>>, vector<1x16xf32>,
        %get3A_670 = vector.shape_cast %get3A_669 : vector<1x16xf32> to vector<16xf32>
        %add3A_671 = arith.addf %get3A_662, %get3A_670 : vector<16xf32>
        %add3A_672 = arith.addf %scan3A_429, %add3A_671 : vector<16xf32>
        %mul3A_673 = arith.constant 2 : i32
        %mul3A_674 = arith.muli %mul3A_673, %scan3A_414 : i32
        %get3A_675 = arith.index_cast %mul3A_674 : i32 to index
        %get3A_676 = arith.constant 240 : index
        %get3A_677 = tpu.vector_load %arg9[%get3A_675, %get3A_676] {strides = array<i32>} : memref<96x384xf32, #tpu.memory_space<vmem>>, vector<1x16xf32>,
        %get3A_678 = vector.shape_cast %get3A_677 : vector<1x16xf32> to vector<16xf32>
        %mul3A_679 = arith.constant 2 : i32
        %mul3A_680 = arith.muli %mul3A_679, %scan3A_414 : i32
        %add3A_681 = arith.constant 1 : i32
        %add3A_682 = arith.addi %mul3A_680, %add3A_681 : i32
        %get3A_683 = arith.index_cast %add3A_682 : i32 to index
        %get3A_684 = arith.constant 240 : index
        %get3A_685 = tpu.vector_load %arg9[%get3A_683, %get3A_684] {strides = array<i32>} : memref<96x384xf32, #tpu.memory_space<vmem>>, vector<1x16xf32>,
        %get3A_686 = vector.shape_cast %get3A_685 : vector<1x16xf32> to vector<16xf32>
        %add3A_687 = arith.addf %get3A_678, %get3A_686 : vector<16xf32>
        %add3A_688 = arith.addf %scan3A_430, %add3A_687 : vector<16xf32>
        %mul3A_689 = arith.constant 2 : i32
        %mul3A_690 = arith.muli %mul3A_689, %scan3A_414 : i32
        %get3A_691 = arith.index_cast %mul3A_690 : i32 to index
        %get3A_692 = arith.constant 256 : index
        %get3A_693 = tpu.vector_load %arg9[%get3A_691, %get3A_692] {strides = array<i32>} : memref<96x384xf32, #tpu.memory_space<vmem>>, vector<1x16xf32>,
        %get3A_694 = vector.shape_cast %get3A_693 : vector<1x16xf32> to vector<16xf32>
        %mul3A_695 = arith.constant 2 : i32
        %mul3A_696 = arith.muli %mul3A_695, %scan3A_414 : i32
        %add3A_697 = arith.constant 1 : i32
        %add3A_698 = arith.addi %mul3A_696, %add3A_697 : i32
        %get3A_699 = arith.index_cast %add3A_698 : i32 to index
        %get3A_700 = arith.constant 256 : index
        %get3A_701 = tpu.vector_load %arg9[%get3A_699, %get3A_700] {strides = array<i32>} : memref<96x384xf32, #tpu.memory_space<vmem>>, vector<1x16xf32>,
        %get3A_702 = vector.shape_cast %get3A_701 : vector<1x16xf32> to vector<16xf32>
        %add3A_703 = arith.addf %get3A_694, %get3A_702 : vector<16xf32>
        %add3A_704 = arith.addf %scan3A_431, %add3A_703 : vector<16xf32>
        %mul3A_705 = arith.constant 2 : i32
        %mul3A_706 = arith.muli %mul3A_705, %scan3A_414 : i32
        %get3A_707 = arith.index_cast %mul3A_706 : i32 to index
        %get3A_708 = arith.constant 272 : index
        %get3A_709 = tpu.vector_load %arg9[%get3A_707, %get3A_708] {strides = array<i32>} : memref<96x384xf32, #tpu.memory_space<vmem>>, vector<1x16xf32>,
        %get3A_710 = vector.shape_cast %get3A_709 : vector<1x16xf32> to vector<16xf32>
        %mul3A_711 = arith.constant 2 : i32
        %mul3A_712 = arith.muli %mul3A_711, %scan3A_414 : i32
        %add3A_713 = arith.constant 1 : i32
        %add3A_714 = arith.addi %mul3A_712, %add3A_713 : i32
        %get3A_715 = arith.index_cast %add3A_714 : i32 to index
        %get3A_716 = arith.constant 272 : index
        %get3A_717 = tpu.vector_load %arg9[%get3A_715, %get3A_716] {strides = array<i32>} : memref<96x384xf32, #tpu.memory_space<vmem>>, vector<1x16xf32>,
        %get3A_718 = vector.shape_cast %get3A_717 : vector<1x16xf32> to vector<16xf32>
        %add3A_719 = arith.addf %get3A_710, %get3A_718 : vector<16xf32>
        %add3A_720 = arith.addf %scan3A_432, %add3A_719 : vector<16xf32>
        %mul3A_721 = arith.constant 2 : i32
        %mul3A_722 = arith.muli %mul3A_721, %scan3A_414 : i32
        %get3A_723 = arith.index_cast %mul3A_722 : i32 to index
        %get3A_724 = arith.constant 288 : index
        %get3A_725 = tpu.vector_load %arg9[%get3A_723, %get3A_724] {strides = array<i32>} : memref<96x384xf32, #tpu.memory_space<vmem>>, vector<1x16xf32>,
        %get3A_726 = vector.shape_cast %get3A_725 : vector<1x16xf32> to vector<16xf32>
        %mul3A_727 = arith.constant 2 : i32
        %mul3A_728 = arith.muli %mul3A_727, %scan3A_414 : i32
        %add3A_729 = arith.constant 1 : i32
        %add3A_730 = arith.addi %mul3A_728, %add3A_729 : i32
        %get3A_731 = arith.index_cast %add3A_730 : i32 to index
        %get3A_732 = arith.constant 288 : index
        %get3A_733 = tpu.vector_load %arg9[%get3A_731, %get3A_732] {strides = array<i32>} : memref<96x384xf32, #tpu.memory_space<vmem>>, vector<1x16xf32>,
        %get3A_734 = vector.shape_cast %get3A_733 : vector<1x16xf32> to vector<16xf32>
        %add3A_735 = arith.addf %get3A_726, %get3A_734 : vector<16xf32>
        %add3A_736 = arith.addf %scan3A_433, %add3A_735 : vector<16xf32>
        scf.yield %add3A_448, %add3A_464, %add3A_480, %add3A_496, %add3A_512, %add3A_528, %add3A_544, %add3A_560, %add3A_576, %add3A_592, %add3A_608, %add3A_624, %add3A_640, %add3A_656, %add3A_672, %add3A_688, %add3A_704, %add3A_720, %add3A_736 : vector<16xf32>, vector<16xf32>, vector<16xf32>, vector<16xf32>, vector<16xf32>, vector<16xf32>, vector<16xf32>, vector<16xf32>, vector<16xf32>, vector<16xf32>, vector<16xf32>, vector<16xf32>, vector<16xf32>, vector<16xf32>, vector<16xf32>, vector<16xf32>, vector<16xf32>, vector<16xf32>, vector<16xf32>
      }
      %scan3A_317 = arith.constant 48 : i32
      %sub3A_318 = arith.subf %sub3A, %scan3A_316#0 : vector<16xf32>
      %sub3A_319 = arith.subf %sub3A_251, %scan3A_316#1 : vector<16xf32>
      %sub3A_320 = arith.subf %sub3A_252, %scan3A_316#2 : vector<16xf32>
      %sub3A_321 = arith.subf %sub3A_253, %scan3A_316#3 : vector<16xf32>
      %sub3A_322 = arith.subf %sub3A_254, %scan3A_316#4 : vector<16xf32>
      %sub3A_323 = arith.subf %sub3A_255, %scan3A_316#5 : vector<16xf32>
      %sub3A_324 = arith.subf %sub3A_256, %scan3A_316#6 : vector<16xf32>
      %sub3A_325 = arith.subf %sub3A_257, %scan3A_316#7 : vector<16xf32>
      %sub3A_326 = arith.subf %sub3A_258, %scan3A_316#8 : vector<16xf32>
      %sub3A_327 = arith.subf %sub3A_259, %scan3A_316#9 : vector<16xf32>
      %sub3A_328 = arith.subf %sub3A_260, %scan3A_316#10 : vector<16xf32>
      %sub3A_329 = arith.subf %sub3A_261, %scan3A_316#11 : vector<16xf32>
      %sub3A_330 = arith.subf %sub3A_262, %scan3A_316#12 : vector<16xf32>
      %sub3A_331 = arith.subf %sub3A_263, %scan3A_316#13 : vector<16xf32>
      %sub3A_332 = arith.subf %sub3A_264, %scan3A_316#14 : vector<16xf32>
      %sub3A_333 = arith.subf %sub3A_265, %scan3A_316#15 : vector<16xf32>
      %sub3A_334 = arith.subf %sub3A_266, %scan3A_316#16 : vector<16xf32>
      %sub3A_335 = arith.subf %sub3A_267, %scan3A_316#17 : vector<16xf32>
      %sub3A_336 = arith.subf %sub3A_268, %scan3A_316#18 : vector<16xf32>
      %swap3A = arith.constant 0 : index
      %swap3A_337 = tpu.vector_load %arg10[%swap3A] {strides = array<i32>} : memref<304xf32, #tpu.memory_space<vmem>>, vector<16xf32>,
      %swap3A_338 = vector.shape_cast %swap3A_337 : vector<16xf32> to vector<16xf32>
      %swap3A_339 = vector.shape_cast %sub3A_318 : vector<16xf32> to vector<16xf32>
      tpu.vector_store %arg10[%swap3A], %swap3A_339 {strides = array<i32>} : memref<304xf32, #tpu.memory_space<vmem>>, vector<16xf32>,
      %swap3A_340 = arith.constant 16 : index
      %swap3A_341 = tpu.vector_load %arg10[%swap3A_340] {strides = array<i32>} : memref<304xf32, #tpu.memory_space<vmem>>, vector<16xf32>,
      %swap3A_342 = vector.shape_cast %swap3A_341 : vector<16xf32> to vector<16xf32>
      %swap3A_343 = vector.shape_cast %sub3A_319 : vector<16xf32> to vector<16xf32>
      tpu.vector_store %arg10[%swap3A_340], %swap3A_343 {strides = array<i32>} : memref<304xf32, #tpu.memory_space<vmem>>, vector<16xf32>,
      %swap3A_344 = arith.constant 32 : index
      %swap3A_345 = tpu.vector_load %arg10[%swap3A_344] {strides = array<i32>} : memref<304xf32, #tpu.memory_space<vmem>>, vector<16xf32>,
      %swap3A_346 = vector.shape_cast %swap3A_345 : vector<16xf32> to vector<16xf32>
      %swap3A_347 = vector.shape_cast %sub3A_320 : vector<16xf32> to vector<16xf32>
      tpu.vector_store %arg10[%swap3A_344], %swap3A_347 {strides = array<i32>} : memref<304xf32, #tpu.memory_space<vmem>>, vector<16xf32>,
      %swap3A_348 = arith.constant 48 : index
      %swap3A_349 = tpu.vector_load %arg10[%swap3A_348] {strides = array<i32>} : memref<304xf32, #tpu.memory_space<vmem>>, vector<16xf32>,
      %swap3A_350 = vector.shape_cast %swap3A_349 : vector<16xf32> to vector<16xf32>
      %swap3A_351 = vector.shape_cast %sub3A_321 : vector<16xf32> to vector<16xf32>
      tpu.vector_store %arg10[%swap3A_348], %swap3A_351 {strides = array<i32>} : memref<304xf32, #tpu.memory_space<vmem>>, vector<16xf32>,
      %swap3A_352 = arith.constant 64 : index
      %swap3A_353 = tpu.vector_load %arg10[%swap3A_352] {strides = array<i32>} : memref<304xf32, #tpu.memory_space<vmem>>, vector<16xf32>,
      %swap3A_354 = vector.shape_cast %swap3A_353 : vector<16xf32> to vector<16xf32>
      %swap3A_355 = vector.shape_cast %sub3A_322 : vector<16xf32> to vector<16xf32>
      tpu.vector_store %arg10[%swap3A_352], %swap3A_355 {strides = array<i32>} : memref<304xf32, #tpu.memory_space<vmem>>, vector<16xf32>,
      %swap3A_356 = arith.constant 80 : index
      %swap3A_357 = tpu.vector_load %arg10[%swap3A_356] {strides = array<i32>} : memref<304xf32, #tpu.memory_space<vmem>>, vector<16xf32>,
      %swap3A_358 = vector.shape_cast %swap3A_357 : vector<16xf32> to vector<16xf32>
      %swap3A_359 = vector.shape_cast %sub3A_323 : vector<16xf32> to vector<16xf32>
      tpu.vector_store %arg10[%swap3A_356], %swap3A_359 {strides = array<i32>} : memref<304xf32, #tpu.memory_space<vmem>>, vector<16xf32>,
      %swap3A_360 = arith.constant 96 : index
      %swap3A_361 = tpu.vector_load %arg10[%swap3A_360] {strides = array<i32>} : memref<304xf32, #tpu.memory_space<vmem>>, vector<16xf32>,
      %swap3A_362 = vector.shape_cast %swap3A_361 : vector<16xf32> to vector<16xf32>
      %swap3A_363 = vector.shape_cast %sub3A_324 : vector<16xf32> to vector<16xf32>
      tpu.vector_store %arg10[%swap3A_360], %swap3A_363 {strides = array<i32>} : memref<304xf32, #tpu.memory_space<vmem>>, vector<16xf32>,
      %swap3A_364 = arith.constant 112 : index
      %swap3A_365 = tpu.vector_load %arg10[%swap3A_364] {strides = array<i32>} : memref<304xf32, #tpu.memory_space<vmem>>, vector<16xf32>,
      %swap3A_366 = vector.shape_cast %swap3A_365 : vector<16xf32> to vector<16xf32>
      %swap3A_367 = vector.shape_cast %sub3A_325 : vector<16xf32> to vector<16xf32>
      tpu.vector_store %arg10[%swap3A_364], %swap3A_367 {strides = array<i32>} : memref<304xf32, #tpu.memory_space<vmem>>, vector<16xf32>,
      %swap3A_368 = arith.constant 128 : index
      %swap3A_369 = tpu.vector_load %arg10[%swap3A_368] {strides = array<i32>} : memref<304xf32, #tpu.memory_space<vmem>>, vector<16xf32>,
      %swap3A_370 = vector.shape_cast %swap3A_369 : vector<16xf32> to vector<16xf32>
      %swap3A_371 = vector.shape_cast %sub3A_326 : vector<16xf32> to vector<16xf32>
      tpu.vector_store %arg10[%swap3A_368], %swap3A_371 {strides = array<i32>} : memref<304xf32, #tpu.memory_space<vmem>>, vector<16xf32>,
      %swap3A_372 = arith.constant 144 : index
      %swap3A_373 = tpu.vector_load %arg10[%swap3A_372] {strides = array<i32>} : memref<304xf32, #tpu.memory_space<vmem>>, vector<16xf32>,
      %swap3A_374 = vector.shape_cast %swap3A_373 : vector<16xf32> to vector<16xf32>
      %swap3A_375 = vector.shape_cast %sub3A_327 : vector<16xf32> to vector<16xf32>
      tpu.vector_store %arg10[%swap3A_372], %swap3A_375 {strides = array<i32>} : memref<304xf32, #tpu.memory_space<vmem>>, vector<16xf32>,
      %swap3A_376 = arith.constant 160 : index
      %swap3A_377 = tpu.vector_load %arg10[%swap3A_376] {strides = array<i32>} : memref<304xf32, #tpu.memory_space<vmem>>, vector<16xf32>,
      %swap3A_378 = vector.shape_cast %swap3A_377 : vector<16xf32> to vector<16xf32>
      %swap3A_379 = vector.shape_cast %sub3A_328 : vector<16xf32> to vector<16xf32>
      tpu.vector_store %arg10[%swap3A_376], %swap3A_379 {strides = array<i32>} : memref<304xf32, #tpu.memory_space<vmem>>, vector<16xf32>,
      %swap3A_380 = arith.constant 176 : index
      %swap3A_381 = tpu.vector_load %arg10[%swap3A_380] {strides = array<i32>} : memref<304xf32, #tpu.memory_space<vmem>>, vector<16xf32>,
      %swap3A_382 = vector.shape_cast %swap3A_381 : vector<16xf32> to vector<16xf32>
      %swap3A_383 = vector.shape_cast %sub3A_329 : vector<16xf32> to vector<16xf32>
      tpu.vector_store %arg10[%swap3A_380], %swap3A_383 {strides = array<i32>} : memref<304xf32, #tpu.memory_space<vmem>>, vector<16xf32>,
      %swap3A_384 = arith.constant 192 : index
      %swap3A_385 = tpu.vector_load %arg10[%swap3A_384] {strides = array<i32>} : memref<304xf32, #tpu.memory_space<vmem>>, vector<16xf32>,
      %swap3A_386 = vector.shape_cast %swap3A_385 : vector<16xf32> to vector<16xf32>
      %swap3A_387 = vector.shape_cast %sub3A_330 : vector<16xf32> to vector<16xf32>
      tpu.vector_store %arg10[%swap3A_384], %swap3A_387 {strides = array<i32>} : memref<304xf32, #tpu.memory_space<vmem>>, vector<16xf32>,
      %swap3A_388 = arith.constant 208 : index
      %swap3A_389 = tpu.vector_load %arg10[%swap3A_388] {strides = array<i32>} : memref<304xf32, #tpu.memory_space<vmem>>, vector<16xf32>,
      %swap3A_390 = vector.shape_cast %swap3A_389 : vector<16xf32> to vector<16xf32>
      %swap3A_391 = vector.shape_cast %sub3A_331 : vector<16xf32> to vector<16xf32>
      tpu.vector_store %arg10[%swap3A_388], %swap3A_391 {strides = array<i32>} : memref<304xf32, #tpu.memory_space<vmem>>, vector<16xf32>,
      %swap3A_392 = arith.constant 224 : index
      %swap3A_393 = tpu.vector_load %arg10[%swap3A_392] {strides = array<i32>} : memref<304xf32, #tpu.memory_space<vmem>>, vector<16xf32>,
      %swap3A_394 = vector.shape_cast %swap3A_393 : vector<16xf32> to vector<16xf32>
      %swap3A_395 = vector.shape_cast %sub3A_332 : vector<16xf32> to vector<16xf32>
      tpu.vector_store %arg10[%swap3A_392], %swap3A_395 {strides = array<i32>} : memref<304xf32, #tpu.memory_space<vmem>>, vector<16xf32>,
      %swap3A_396 = arith.constant 240 : index
      %swap3A_397 = tpu.vector_load %arg10[%swap3A_396] {strides = array<i32>} : memref<304xf32, #tpu.memory_space<vmem>>, vector<16xf32>,
      %swap3A_398 = vector.shape_cast %swap3A_397 : vector<16xf32> to vector<16xf32>
      %swap3A_399 = vector.shape_cast %sub3A_333 : vector<16xf32> to vector<16xf32>
      tpu.vector_store %arg10[%swap3A_396], %swap3A_399 {strides = array<i32>} : memref<304xf32, #tpu.memory_space<vmem>>, vector<16xf32>,
      %swap3A_400 = arith.constant 256 : index
      %swap3A_401 = tpu.vector_load %arg10[%swap3A_400] {strides = array<i32>} : memref<304xf32, #tpu.memory_space<vmem>>, vector<16xf32>,
      %swap3A_402 = vector.shape_cast %swap3A_401 : vector<16xf32> to vector<16xf32>
      %swap3A_403 = vector.shape_cast %sub3A_334 : vector<16xf32> to vector<16xf32>
      tpu.vector_store %arg10[%swap3A_400], %swap3A_403 {strides = array<i32>} : memref<304xf32, #tpu.memory_space<vmem>>, vector<16xf32>,
      %swap3A_404 = arith.constant 272 : index
      %swap3A_405 = tpu.vector_load %arg10[%swap3A_404] {strides = array<i32>} : memref<304xf32, #tpu.memory_space<vmem>>, vector<16xf32>,
      %swap3A_406 = vector.shape_cast %swap3A_405 : vector<16xf32> to vector<16xf32>
      %swap3A_407 = vector.shape_cast %sub3A_335 : vector<16xf32> to vector<16xf32>
      tpu.vector_store %arg10[%swap3A_404], %swap3A_407 {strides = array<i32>} : memref<304xf32, #tpu.memory_space<vmem>>, vector<16xf32>,
      %swap3A_408 = arith.constant 288 : index
      %swap3A_409 = tpu.vector_load %arg10[%swap3A_408] {strides = array<i32>} : memref<304xf32, #tpu.memory_space<vmem>>, vector<16xf32>,
      %swap3A_410 = vector.shape_cast %swap3A_409 : vector<16xf32> to vector<16xf32>
      %swap3A_411 = vector.shape_cast %sub3A_336 : vector<16xf32> to vector<16xf32>
      tpu.vector_store %arg10[%swap3A_408], %swap3A_411 {strides = array<i32>} : memref<304xf32, #tpu.memory_space<vmem>>, vector<16xf32>,
      %mul3A_412 = arith.constant 304 : i32
      %mul3A_413 = arith.muli %add3A_14, %mul3A_412 : i32
      "tpu.region"() ({
        %run_scoped3A = tpu.sem_alloc : memref<!tpu.dma_semaphore, #tpu.memory_space<semaphore_mem>>
        %dma_start3A_414 = tpu.memref_slice %arg5[%mul3A_413] : memref<311296xf32, #tpu.memory_space<hbm>> -> memref<304xf32, #tpu.memory_space<hbm>>
        %dma_start3A_415 = tpu.memref_slice %arg5[%mul3A_413] : memref<311296xf32, #tpu.memory_space<hbm>> -> memref<304xf32, #tpu.memory_space<hbm>>
        tpu.enqueue_dma source(%arg10 : memref<304xf32, #tpu.memory_space<vmem>>) target(%dma_start3A_415 : memref<304xf32, #tpu.memory_space<hbm>>) target_semaphore(%run_scoped3A : memref<!tpu.dma_semaphore, #tpu.memory_space<semaphore_mem>>)
        %dma_wait3A_416 = tpu.memref_slice %arg5[%mul3A_413] : memref<311296xf32, #tpu.memory_space<hbm>> -> memref<304xf32, #tpu.memory_space<hbm>>
        %dma_wait3A_417 = tpu.memref_slice %arg5[%mul3A_413] : memref<311296xf32, #tpu.memory_space<hbm>> -> memref<304xf32, #tpu.memory_space<hbm>>
        tpu.wait_dma2 semaphore(%run_scoped3A : memref<!tpu.dma_semaphore, #tpu.memory_space<semaphore_mem>>) src(%arg10 : memref<304xf32, #tpu.memory_space<vmem>>) dst(%dma_wait3A_417 : memref<304xf32, #tpu.memory_space<hbm>>)
        tpu.yield
      }) : () -> ()
    }
    %scan3A_12 = arith.constant 32 : i32
    return
  }
}

module attributes {stable_mosaic.version = 14 : i64} {
  func.func @body(%arg0: i32, %arg1: memref<1000x300xf32, #tpu.memory_space<vmem>>, %arg2: memref<1000x384xf32, #tpu.memory_space<vmem>>) attributes {dimension_semantics = [#tpu.dimension_semantics<arbitrary>], iteration_bounds = array<i64: 100>, scalar_prefetch = 0 : i64, scratch_operands = 0 : i64, tpu.core_type = #tpu.core_type<tc>, window_params = [{transform_indices = @transform_0, window_bounds = array<i64: 1000, 300>}, {transform_indices = @transform_1, window_bounds = array<i64: 1000, 384>}]} {
    %get3A = arith.constant 0 : index
    %get3A_0 = arith.constant 0 : index
    %get3A_1 = vector.load %arg1[%get3A, %get3A_0] : memref<1000x300xf32, #tpu.memory_space<vmem>>, vector<1000x300xf32>
    %jit3A = arith.constant 0 : i32
    %convert_element_type3A = arith.sitofp %jit3A : i32 to f32
    %pad3A = vector.broadcast %convert_element_type3A : f32 to vector<1000x84xf32>
    %pad3A_2 = tpu.concatenate %get3A_1, %pad3A in 1 : vector<1000x300xf32>, vector<1000x84xf32> -> vector<1000x384xf32>
    %swap3A = arith.constant 0 : index
    %swap3A_3 = arith.constant 0 : index
    %swap3A_4 = vector.load %arg2[%swap3A, %swap3A_3] : memref<1000x384xf32, #tpu.memory_space<vmem>>, vector<1000x384xf32>
    tpu.vector_store %arg2[%swap3A, %swap3A_3], %pad3A_2 {strides = array<i32>} : memref<1000x384xf32, #tpu.memory_space<vmem>>, vector<1000x384xf32>,
    return
  }
  func.func @transform_0(%arg0: i32) -> (i32, i32) {
    %c0_i32 = arith.constant 0 : i32
    %c0_i32_0 = arith.constant 0 : i32
    return %arg0, %c0_i32 : i32, i32
  }
  func.func @transform_1(%arg0: i32) -> (i32, i32) {
    %c0_i32 = arith.constant 0 : i32
    %c0_i32_0 = arith.constant 0 : i32
    return %arg0, %c0_i32 : i32, i32
  }
}

module attributes {stable_mosaic.version = 14 : i64} {
  func.func @body(%arg0: memref<1024x304xf32, #tpu.memory_space<vmem>>, %arg1: memref<304x600xf32, #tpu.memory_space<vmem>>, %arg2: memref<600xf32, #tpu.memory_space<vmem>>, %arg3: memref<600x300xf32, #tpu.memory_space<vmem>>, %arg4: memref<300xf32, #tpu.memory_space<vmem>>, %arg5: memref<300x300xf32, #tpu.memory_space<vmem>>, %arg6: memref<300xf32, #tpu.memory_space<vmem>>, %arg7: memref<300x100xf32, #tpu.memory_space<vmem>>, %arg8: memref<100xf32, #tpu.memory_space<vmem>>, %arg9: memref<100x2xf32, #tpu.memory_space<vmem>>, %arg10: memref<2xf32, #tpu.memory_space<vmem>>, %arg11: memref<1024x2xf32, #tpu.memory_space<vmem>>) attributes {dimension_semantics = [], scalar_prefetch = 0 : i64, scratch_operands = 0 : i64, tpu.core_type = #tpu.core_type<tc>} {
    %get3A = arith.constant 0 : index
    %get3A_0 = arith.constant 0 : index
    %get3A_1 = vector.load %arg0[%get3A, %get3A_0] : memref<1024x304xf32, #tpu.memory_space<vmem>>, vector<1024x304xf32>
    %mul3A = arith.constant 5.000000e-03 : f32
    %mul3A_2 = vector.broadcast %mul3A : f32 to vector<1024x304xf32>
    %mul3A_3 = arith.mulf %get3A_1, %mul3A_2 : vector<1024x304xf32>
    %convert_element_type3A = arith.truncf %mul3A_3 : vector<1024x304xf32> to vector<1024x304xbf16>
    %get3A_4 = arith.constant 0 : index
    %get3A_5 = arith.constant 0 : index
    %get3A_6 = vector.load %arg1[%get3A_4, %get3A_5] : memref<304x600xf32, #tpu.memory_space<vmem>>, vector<304x600xf32>
    %convert_element_type3A_7 = arith.truncf %get3A_6 : vector<304x600xf32> to vector<304x600xbf16>
    %dot_general3A = arith.constant dense<0.000000e+00> : vector<1024x600xf32>
    %dot_general3A_8 = tpu.matmul %convert_element_type3A, %convert_element_type3A_7, %dot_general3A {dimension_numbers = #tpu.dot_dimension_numbers<[1], [0], [0], [1], [0, 0, 1, 1], [], []>, transpose_lhs_hint = false} : vector<1024x304xbf16>, vector<304x600xbf16>, vector<1024x600xf32> -> vector<1024x600xf32>
    %get3A_9 = arith.constant 0 : index
    %get3A_10 = vector.load %arg2[%get3A_9] : memref<600xf32, #tpu.memory_space<vmem>>, vector<600xf32>
    %broadcast_in_dim3A = vector.shape_cast %get3A_10 : vector<600xf32> to vector<1x600xf32>
    %add3A = vector.broadcast %broadcast_in_dim3A : vector<1x600xf32> to vector<1024x600xf32>
    %add3A_11 = arith.addf %dot_general3A_8, %add3A : vector<1024x600xf32>
    %ge3A = arith.constant 0.000000e+00 : f32
    %ge3A_12 = vector.broadcast %ge3A : f32 to vector<1024x600xf32>
    %ge3A_13 = arith.cmpf oge, %add3A_11, %ge3A_12 : vector<1024x600xf32>
    %mul3A_14 = arith.constant 1.000000e+01 : f32
    %mul3A_15 = vector.broadcast %mul3A_14 : f32 to vector<1024x600xf32>
    %mul3A_16 = arith.mulf %mul3A_15, %add3A_11 : vector<1024x600xf32>
    %select_n3A = arith.select %ge3A_13, %add3A_11, %mul3A_16 : vector<1024x600xi1>, vector<1024x600xf32>
    %convert_element_type3A_17 = arith.truncf %select_n3A : vector<1024x600xf32> to vector<1024x600xbf16>
    %get3A_18 = arith.constant 0 : index
    %get3A_19 = arith.constant 0 : index
    %get3A_20 = vector.load %arg3[%get3A_18, %get3A_19] : memref<600x300xf32, #tpu.memory_space<vmem>>, vector<600x300xf32>
    %convert_element_type3A_21 = arith.truncf %get3A_20 : vector<600x300xf32> to vector<600x300xbf16>
    %dot_general3A_22 = arith.constant dense<0.000000e+00> : vector<1024x300xf32>
    %dot_general3A_23 = tpu.matmul %convert_element_type3A_17, %convert_element_type3A_21, %dot_general3A_22 {dimension_numbers = #tpu.dot_dimension_numbers<[1], [0], [0], [1], [0, 0, 1, 1], [], []>, transpose_lhs_hint = false} : vector<1024x600xbf16>, vector<600x300xbf16>, vector<1024x300xf32> -> vector<1024x300xf32>
    %get3A_24 = arith.constant 0 : index
    %get3A_25 = vector.load %arg4[%get3A_24] : memref<300xf32, #tpu.memory_space<vmem>>, vector<300xf32>
    %broadcast_in_dim3A_26 = vector.shape_cast %get3A_25 : vector<300xf32> to vector<1x300xf32>
    %add3A_27 = vector.broadcast %broadcast_in_dim3A_26 : vector<1x300xf32> to vector<1024x300xf32>
    %add3A_28 = arith.addf %dot_general3A_23, %add3A_27 : vector<1024x300xf32>
    %ge3A_29 = arith.constant 0.000000e+00 : f32
    %ge3A_30 = vector.broadcast %ge3A_29 : f32 to vector<1024x300xf32>
    %ge3A_31 = arith.cmpf oge, %add3A_28, %ge3A_30 : vector<1024x300xf32>
    %mul3A_32 = arith.constant 1.000000e+01 : f32
    %mul3A_33 = vector.broadcast %mul3A_32 : f32 to vector<1024x300xf32>
    %mul3A_34 = arith.mulf %mul3A_33, %add3A_28 : vector<1024x300xf32>
    %select_n3A_35 = arith.select %ge3A_31, %add3A_28, %mul3A_34 : vector<1024x300xi1>, vector<1024x300xf32>
    %convert_element_type3A_36 = arith.truncf %select_n3A_35 : vector<1024x300xf32> to vector<1024x300xbf16>
    %get3A_37 = arith.constant 0 : index
    %get3A_38 = arith.constant 0 : index
    %get3A_39 = vector.load %arg5[%get3A_37, %get3A_38] : memref<300x300xf32, #tpu.memory_space<vmem>>, vector<300x300xf32>
    %convert_element_type3A_40 = arith.truncf %get3A_39 : vector<300x300xf32> to vector<300x300xbf16>
    %dot_general3A_41 = arith.constant dense<0.000000e+00> : vector<1024x300xf32>
    %dot_general3A_42 = tpu.matmul %convert_element_type3A_36, %convert_element_type3A_40, %dot_general3A_41 {dimension_numbers = #tpu.dot_dimension_numbers<[1], [0], [0], [1], [0, 0, 1, 1], [], []>, transpose_lhs_hint = false} : vector<1024x300xbf16>, vector<300x300xbf16>, vector<1024x300xf32> -> vector<1024x300xf32>
    %get3A_43 = arith.constant 0 : index
    %get3A_44 = vector.load %arg6[%get3A_43] : memref<300xf32, #tpu.memory_space<vmem>>, vector<300xf32>
    %broadcast_in_dim3A_45 = vector.shape_cast %get3A_44 : vector<300xf32> to vector<1x300xf32>
    %add3A_46 = vector.broadcast %broadcast_in_dim3A_45 : vector<1x300xf32> to vector<1024x300xf32>
    %add3A_47 = arith.addf %dot_general3A_42, %add3A_46 : vector<1024x300xf32>
    %ge3A_48 = arith.constant 0.000000e+00 : f32
    %ge3A_49 = vector.broadcast %ge3A_48 : f32 to vector<1024x300xf32>
    %ge3A_50 = arith.cmpf oge, %add3A_47, %ge3A_49 : vector<1024x300xf32>
    %mul3A_51 = arith.constant 1.000000e+01 : f32
    %mul3A_52 = vector.broadcast %mul3A_51 : f32 to vector<1024x300xf32>
    %mul3A_53 = arith.mulf %mul3A_52, %add3A_47 : vector<1024x300xf32>
    %select_n3A_54 = arith.select %ge3A_50, %add3A_47, %mul3A_53 : vector<1024x300xi1>, vector<1024x300xf32>
    %convert_element_type3A_55 = arith.truncf %select_n3A_54 : vector<1024x300xf32> to vector<1024x300xbf16>
    %get3A_56 = arith.constant 0 : index
    %get3A_57 = arith.constant 0 : index
    %get3A_58 = vector.load %arg7[%get3A_56, %get3A_57] : memref<300x100xf32, #tpu.memory_space<vmem>>, vector<300x100xf32>
    %convert_element_type3A_59 = arith.truncf %get3A_58 : vector<300x100xf32> to vector<300x100xbf16>
    %dot_general3A_60 = arith.constant dense<0.000000e+00> : vector<1024x100xf32>
    %dot_general3A_61 = tpu.matmul %convert_element_type3A_55, %convert_element_type3A_59, %dot_general3A_60 {dimension_numbers = #tpu.dot_dimension_numbers<[1], [0], [0], [1], [0, 0, 1, 1], [], []>, transpose_lhs_hint = false} : vector<1024x300xbf16>, vector<300x100xbf16>, vector<1024x100xf32> -> vector<1024x100xf32>
    %get3A_62 = arith.constant 0 : index
    %get3A_63 = vector.load %arg8[%get3A_62] : memref<100xf32, #tpu.memory_space<vmem>>, vector<100xf32>
    %broadcast_in_dim3A_64 = vector.shape_cast %get3A_63 : vector<100xf32> to vector<1x100xf32>
    %add3A_65 = vector.broadcast %broadcast_in_dim3A_64 : vector<1x100xf32> to vector<1024x100xf32>
    %add3A_66 = arith.addf %dot_general3A_61, %add3A_65 : vector<1024x100xf32>
    %ge3A_67 = arith.constant 0.000000e+00 : f32
    %ge3A_68 = vector.broadcast %ge3A_67 : f32 to vector<1024x100xf32>
    %ge3A_69 = arith.cmpf oge, %add3A_66, %ge3A_68 : vector<1024x100xf32>
    %mul3A_70 = arith.constant 1.000000e+01 : f32
    %mul3A_71 = vector.broadcast %mul3A_70 : f32 to vector<1024x100xf32>
    %mul3A_72 = arith.mulf %mul3A_71, %add3A_66 : vector<1024x100xf32>
    %select_n3A_73 = arith.select %ge3A_69, %add3A_66, %mul3A_72 : vector<1024x100xi1>, vector<1024x100xf32>
    %convert_element_type3A_74 = arith.truncf %select_n3A_73 : vector<1024x100xf32> to vector<1024x100xbf16>
    %get3A_75 = arith.constant 0 : index
    %get3A_76 = arith.constant 0 : index
    %get3A_77 = vector.load %arg9[%get3A_75, %get3A_76] : memref<100x2xf32, #tpu.memory_space<vmem>>, vector<100x2xf32>
    %convert_element_type3A_78 = arith.truncf %get3A_77 : vector<100x2xf32> to vector<100x2xbf16>
    %dot_general3A_79 = arith.constant dense<0.000000e+00> : vector<1024x2xf32>
    %dot_general3A_80 = tpu.matmul %convert_element_type3A_74, %convert_element_type3A_78, %dot_general3A_79 {dimension_numbers = #tpu.dot_dimension_numbers<[1], [0], [0], [1], [0, 0, 1, 1], [], []>, transpose_lhs_hint = false} : vector<1024x100xbf16>, vector<100x2xbf16>, vector<1024x2xf32> -> vector<1024x2xf32>
    %get3A_81 = arith.constant 0 : index
    %get3A_82 = vector.load %arg10[%get3A_81] : memref<2xf32, #tpu.memory_space<vmem>>, vector<2xf32>
    %broadcast_in_dim3A_83 = vector.shape_cast %get3A_82 : vector<2xf32> to vector<1x2xf32>
    %add3A_84 = vector.broadcast %broadcast_in_dim3A_83 : vector<1x2xf32> to vector<1024x2xf32>
    %add3A_85 = arith.addf %dot_general3A_80, %add3A_84 : vector<1024x2xf32>
    %swap3A = arith.constant 0 : index
    %swap3A_86 = arith.constant 0 : index
    %swap3A_87 = vector.load %arg11[%swap3A, %swap3A_86] : memref<1024x2xf32, #tpu.memory_space<vmem>>, vector<1024x2xf32>
    tpu.vector_store %arg11[%swap3A, %swap3A_86], %add3A_85 {strides = array<i32>} : memref<1024x2xf32, #tpu.memory_space<vmem>>, vector<1024x2xf32>,
    return
  }
}

</mosaic_0001>

<sc_bundles>
// kernel: kernel.5.cloned.1.call-start
scs
__scs_entry_jumppad:
0x0: {  	(pc) =	sbr.rel $0x88, $3  }
0x1: {  	(tag) =	ssettag $0x0;
	lr =	simm.s32 $0x1  }
0x2: {  	[smem:$0x3F94] =	sst lr;
	_ =	strace $0xD0000000  }
0x3: {  	_ = 	snop  }
0x4: {  	_ = 	snop  }
0x5: {  	_ = 	snop  }
0x6: {  	_ = 	snop  }
0x7: {  	_ = 	snop  }
__scs_overlays_trampoline_lowered:
0x8: {  	[smem:$0x3FA3] =	sst s0  }
0x9: {  	[smem:$0x3FA4] =	sst s1  }
0xa: {  	[smem:$0x3FA5] =	sst s2  }
0xb: {  	[smem:$0x3FA6] =	sst s3  }
0xc: {  	[smem:$0x3FA7] =	sst s4  }
0xd: {  	[smem:$0x3FA8] =	sst s5  }
0xe: {  	[smem:$0x3FA9] =	sst s6  }
0xf: {  	[smem:$0x3FAA] =	sst s7  }
0x10: {  	[smem:$0x3FAB] =	sst s8  }
0x11: {  	[smem:$0x3FAC] =	sst s9;
	s0 =	simm.s32 @!p0 $0x0  }
0x12: {  	s1 =	sld [smem:$0x3F92];
	s0 =	simm.s32 @p0 $0x1  }
0x13: {  	[smem:$0x3FAD] =	sst s0;
	s0 =	simm.s32 @!p1 $0x0  }
0x14: {  	s2 =	sld [smem:$0x3F91];
	s0 =	simm.s32 @p1 $0x1  }
0x15: {  	[smem:$0x3FAE] =	sst s0;
	s0 =	simm.s32 @!p2 $0x0  }
0x16: {  	s3 =	sld [smem:$0x3FDB];
	s0 =	simm.s32 @p2 $0x1  }
0x17: {  	s4 =	simm.s32 $0x1BF5;
	[smem:$0x3FB0] =	sst s0  }
0x18: {  	s0 =	sld [smem:$0x3F93];
	_ =	swait.ge [sflag:s4], $0x0  }
0x19: {  	s7 =	sld [smem:$0x3F94]  }
0x1a: {  	s8 =	sadd.s32 $0xFFFFE003, lr  }
0x1b: {  	s9 =	sadd.s32 $0xFFFFFEF7, lr;
	s5 =	simm.s32 $0xFFFFFFFF;
	p2 =	slt.u32 s8, $0xFFFFF086  }
0x1c: {  	p1 =	slt.u32 s9, $0xF7A;
	s5 =	simm.s32 @!p2 $0x0  }
0x1d: {  	s5 =	simm.s32 @p1 $0x1;
	p0 =	seq.s32 s7, s2  }
0x1e: {  	s7 =	smul.u32 @!p0 $0xF7A, s2;
	p2 =	seq.s32 @!p0 s5, $0x0  }
0x1f: {  	s9 =	smul.u32 $0xF7A, s1;
	s8 =	simm.s32 @!p0 $0x1BF5;
	p2 =	por !p2, p0  }
0x20: {  	[sflag:s8] =	ssyncset.s32 @!p0 $0xFFFFF086;
	s6 =	sadd.s32 @!p0 s3, s7;
	s7 =	simm.s32 @!p0 $0x108  }
0x21: {  	s3 =	sadd.s32 s3, s9;
	s6 =	sadd.s32 @!p0 $0x88, s6;
	s7 =	simm.s32 @p2 $0x1082  }
0x22: {  	[simem:s7], [sflag:s8] =	dma.local @!p0 [hbm:s6], $0xF7A  }
0x23: {  	s9 =	sor.u32 $0xD0000000, s2;
	s6 =	simm.s32 $0x108;
	_ =	swait.ge @!p0 [sflag:s8], $0x0  }
0x24: {  	s3 =	sadd.s32 $0x88, s3;
	s6 =	simm.s32 @!p1 $0x1082;
	[sflag:s4] =	ssyncset.s32 $0xFFFFF086  }
0x25: {  	[simem:s6], [sflag:s4] =	dma.local [hbm:s3], $0xF7A  }
0x26: {  	[smem:$0x3F94] =	sst s1;
	(tag) =	ssettag s2;
	_ =	strace s9  }
0x27: {  	s1 =	sld [smem:$0x3FA4]  }
0x28: {  	s2 =	sld [smem:$0x3FA5]  }
0x29: {  	s4 =	sld [smem:$0x3FA7]  }
0x2a: {  	p0 =	seq.s32 s5, $0x0;
	s5 =	sld [smem:$0x3FA8]  }
0x2b: {  	s6 =	sld [smem:$0x3FA9]  }
0x2c: {  	s7 =	sld [smem:$0x3FAA]  }
0x2d: {  	s3 =	simm.s32 $0x108;
	s8 =	sld [smem:$0x3FAB]  }
0x2e: {  	s3 =	simm.s32 @!p0 $0x1082;
	s9 =	sld [smem:$0x3FAC]  }
0x2f: {  	lr =	sadd.s32 s0, s3;
	s0 =	sld [smem:$0x3FA3]  }
0x30: {  	s3 =	sld [smem:$0x3FA6]  }
0x31: {  	[smem:$0x3FAF] =	sst s10  }
0x32: {  	s10 =	sld [smem:$0x3FAD];
	_ =	sdelay $0x3  }
0x33: {  	p0 =	seq.s32 s10, $0x1;
	s10 =	sld [smem:$0x3FAF];
	_ =	sdelay $0x3  }
0x34: {  	[smem:$0x3FAF] =	sst s10  }
0x35: {  	s10 =	sld [smem:$0x3FAE];
	_ =	sdelay $0x3  }
0x36: {  	p1 =	seq.s32 s10, $0x1;
	s10 =	sld [smem:$0x3FAF];
	_ =	sdelay $0x3  }
0x37: {  	[smem:$0x3FAF] =	sst s10  }
0x38: {  	s10 =	sld [smem:$0x3FB0]  }
0x39: {  	_ = 	snop;
	(pc) =	sbr.ind lr, $3  }
0x3a: {  	_ = 	snop  }
0x3b: {  	_ = 	snop  }
0x3c: {  	p2 =	seq.s32 s10, $0x1;
	s10 =	sld [smem:$0x3FAF]  }
0x3d: {  	_ =	shalt  }
0x3e: {  	_ =	shalt  }
0x3f: {  	_ =	shalt  }
0x40: {  	_ =	shalt  }
0x41: {  	_ =	shalt  }
0x42: {  	_ =	shalt  }
0x43: {  	_ =	shalt  }
0x44: {  	_ =	shalt  }
0x45: {  	_ =	shalt  }
0x46: {  	_ =	shalt  }
0x47: {  	_ =	shalt  }
0x48: {  	_ =	shalt  }
0x49: {  	_ =	shalt  }
0x4a: {  	_ =	shalt  }
0x4b: {  	_ =	shalt  }
0x4c: {  	_ =	shalt  }
0x4d: {  	_ =	shalt  }
0x4e: {  	_ =	shalt  }
0x4f: {  	_ =	shalt  }
0x50: {  	_ =	shalt  }
0x51: {  	_ =	shalt  }
0x52: {  	_ =	shalt  }
0x53: {  	_ =	shalt  }
0x54: {  	_ =	shalt  }
0x55: {  	_ =	shalt  }
0x56: {  	_ =	shalt  }
0x57: {  	_ =	shalt  }
0x58: {  	_ =	shalt  }
0x59: {  	_ =	shalt  }
0x5a: {  	_ =	shalt  }
0x5b: {  	_ =	shalt  }
0x5c: {  	_ =	shalt  }
0x5d: {  	_ =	shalt  }
0x5e: {  	_ =	shalt  }
0x5f: {  	_ =	shalt  }
0x60: {  	_ =	shalt  }
0x61: {  	_ =	shalt  }
0x62: {  	_ =	shalt  }
0x63: {  	_ =	shalt  }
0x64: {  	_ =	shalt  }
0x65: {  	_ =	shalt  }
0x66: {  	_ =	shalt  }
0x67: {  	_ =	shalt  }
0x68: {  	_ =	shalt  }
0x69: {  	_ =	shalt  }
0x6a: {  	_ =	shalt  }
0x6b: {  	_ =	shalt  }
0x6c: {  	_ =	shalt  }
0x6d: {  	_ =	shalt  }
0x6e: {  	_ =	shalt  }
0x6f: {  	_ =	shalt  }
0x70: {  	_ =	shalt  }
0x71: {  	_ =	shalt  }
0x72: {  	_ =	shalt  }
0x73: {  	_ =	shalt  }
0x74: {  	_ =	shalt  }
0x75: {  	_ =	shalt  }
0x76: {  	_ =	shalt  }
0x77: {  	_ =	shalt  }
0x78: {  	_ =	shalt  }
0x79: {  	_ =	shalt  }
0x7a: {  	_ =	shalt  }
0x7b: {  	_ =	shalt  }
0x7c: {  	_ =	shalt  }
0x7d: {  	_ =	shalt  }
0x7e: {  	_ =	shalt  }
0x7f: {  	_ =	shalt  }
0x80: {  	_ =	shalt  }
0x81: {  	_ =	shalt  }
0x82: {  	_ =	shalt  }
0x83: {  	_ =	shalt  }
0x84: {  	_ =	shalt  }
0x85: {  	_ =	shalt  }
0x86: {  	_ =	shalt  }
0x87: {  	_ =	shalt  }
.Lfunc_end0:
.L_simem_size_0:
called_computation_lowered:
.L_overlay_start_0:
0x88: {  	s2 =	sld [smem:$0x3FD9]  }
0x89: {  	s3 =	sld [smem:$0x3FFE];
	_ =	sdelay $0x1  }
0x8a: {  	s1 =	srdreg.scid  }
0x8b: {  	s0 =	sand.u32 $0x1, s1  }
0x8c: {  	s16 =	sshll.u32 s0, $0xA;
	s2 =	sadd.s32 s3, s2  }
0x8d: {  	s2 =	sadd.s32 s2, s16  }
0x8e: {  	[smem:$0x3FBB] =	sst s2  }
0x8f: {  	_ = 	snop  }
0x90: {  	(tm) =	ssettm $0x1  }
0x91: {  	s17 =	sld [smem:$0x3FFB];
	_ =	sdelay $0x3  }
0x92: {  	_ =	strace s17  }
0x93: {  	s2 =	sld [smem:$0x3FFC];
	_ =	sdelay $0x3  }
0x94: {  	_ =	strace s2  }
0x95: {  	s2 =	sld [smem:$0x3FFD];
	_ =	sdelay $0x3  }
0x96: {  	_ =	strace s2  }
0x97: {  	_ =	strace $0x8FFFFFFF  }
0x98: {  	s18 =	sld [smem:$0x3FDB];
	_ =	sdelay $0x1  }
0x99: {  	s19 =	simm.s32 $_scs_section_size  }
0x9a: {  	s4 =	simm.s32 $_size__tile_overlayer_lowered;
	s5 =	simm.s32 $_tile_overlayer_lowered  }
0x9b: {  	s22 =	simm.s32 $0x1BFF;
	s21 =	sshll.u32 s5, $0x1;
	s2 =	sadd.s32 s19, s18  }
0x9c: {  	s6 =	simm.s32 $0x0;
	s20 =	sshll.u32 s4, $0x1;
	s4 =	sadd.s32 s21, s2  }
0x9d: {  	[timem:s6], [sflag:s22] =	dma.local [hbm:s4], s20  }
0x9e: {  	_ =	swait.ge [sflag:s22], s20  }
0x9f: {  	s3 =	ssub.s32 $0x0, s20;
	[sflag:s22] =	ssyncset.done $0x0  }
0xa0: {  	[sflag:s22] =	ssyncadd.s32 s3;
	_ =	sdelay $0x1  }
0xa1: {  	s23 =	simm.s32 $0x1B8B  }
0xa2: {  	_ =	swait.ge [sflag:s23], $0x1  }
0xa3: {  	[sflag:s23] =	ssyncset.done $0x0  }
0xa4: {  	s25 =	simm.s32 $0x1B8E;
	s24 =	sld [smem:$0x3FFE];
	[sflag:s23] =	ssyncadd.s32 $0xFFFFFFFF  }
0xa5: {  	s26 =	simm.s32 $execute0_lowered;
	[smem:$0x3FD2] =	sst s25  }
0xa6: {  	s4 =	sshll.u32 s26, $0x1;
	_ =	strace $0x80000046;
	[dreg:$0x1] =	wrdreg $0xFFFFFFFF  }
0xa7: {  	s28 =	simm.s32 $_size_execute0_lowered;
	s2 =	sadd.s32 s2, s4;
	[dreg:$0x0] =	wrdreg $0x0  }
0xa8: {  	s4 =	sshll.u32 s28, $0x1;
	[dreg:$0x2] =	wrdreg s2  }
0xa9: {  	[dreg:$0x3] =	wrdreg s4  }
0xaa: {  	[dreg:$0x4] =	wrdreg $0xC0  }
0xab: {  	_ =	task [dreg:s6], $0x5FFFF  }
0xac: {  	[dreg:$0x1] =	wrdreg $0xFFFFFFFF  }
0xad: {  	[dreg:$0x0] =	wrdreg $0x60  }
0xae: {  	[dreg:$0x2] =	wrdreg s24  }
0xaf: {  	[dreg:$0x3] =	wrdreg $0x9  }
0xb0: {  	_ =	task.clear_ibuf [dreg:s6], $0x4FFFF;
	_ =	strace $0x90000046  }
0xb1: {  	s29 =	simm.s32 $0x9;
	_ =	strace $0x80000048  }
0xb2: {  	_ =	swait.ge [sflag:s29], $0x1  }
0xb3: {  	[sflag:s29] =	ssyncadd.s32 $0xFFFFFFFF  }
0xb4: {  	_ =	strace $0x90000048  }
0xb5: {  	_ =	sfence  }
0xb6: {  	s30 =	sld [smem:$0x0];
	_ =	sdelay $0x2  }
0xb7: {  	s31 =	sshll.u32 s1, $0xD;
	s1 =	sshrl.u32 s1, $0x2  }
0xb8: {  	s3 =	sand.u32 $0x4000, s31;
	s1 =	sadd.s32 s1, s30  }
0xb9: {  	s0 =	sor.u32 s3, s0;
	s1 =	sshll.u32 s1, $0x11  }
0xba: {  	s0 =	sor.u32 s1, s0  }
0xbb: {  	s0 =	sadd.s32 $0x8F2B, s0  }
0xbc: {  	[sflag:s0] =	ssyncadd.remote.s32 $0x1  }
0xbd: {  	_ =	sfence.sel $0xFFFF  }
0xbe: {  	[dreg:$0x0] =	wrdreg $0xFFFFFFFF;
	(pc) =	sbr.abs _section_cstart, $3  }
0xbf: {  	[dreg:$0x1] =	wrdreg $0xFFFFFFFF  }
0xc0: {  	_ =	task.clear_ibuf [dreg:s6], $0x2FFFF;
	_ =	strace $0x9FFFFFFF  }
0xc1: {  	(tm) =	ssettm $0x7FFFFFFF  }
tec
execute0_lowered:
.L_overlay_start_1:
0x0: {  	(tag) =	ssettag $0x1  }
0x1: {  	s0 =	rddreg [dreg:$0x0];
	s2 =	simm.s32 $0x0;
	s1 =	srdreg.scid  }
0x2: {  	s3 =	stileid.u32;
	s11 =	simm.s32 $0x3;
	s31 =	simm.s32 $0x80  }
0x3: {  	s10 =	simm.s32 $0x10900;
	s12 =	simm.s32 $0x11100;
	s13 =	simm.s32 $0x11500  }
0x4: {  	s14 =	simm.s32 $0x11D00;
	s15 =	simm.s32 $0x1;
	s16 =	simm.s32 $0x2  }
0x5: {  	s18 =	simm.s32 $0x0;
	[smem:$0x7FF] =	sst s2;
	s1 =	sand.u32 $0x1, s1  }
0x6: {  	s4 =	sshll.u32 s3, $0x1;
	s3 =	sadd.s32 $0x1C00, s0;
	s5 =	sadd.s32 $0x495A00, s0  }
0x7: {  	s9 =	sadd.s32 $0xE400, s0;
	_ =	strace $0x80000047;
	s6 =	ssub.s32 $0x2, s1  }
0x8: {  	s1 =	sor.u32 s1, s4;
	s4 =	sadd.s32 $0x8000, s0;
	[dreg:$0x2] =	wrdreg s9  }
0x9: {  	v0 =	vlaneseq.u32;
	s9 =	sadd.s32 $0x495B00, s0;
	s7 =	sshrl.u32 s6, $0x1;
	s8 =	smul.u32 $0x320, s1  }
0xa: {  	v1 =	vshrl.u32 v0, $0x3;
	v2 =	vand.u32 $0x7, v0;
	s0 =	simm.s32 $0xF900;
	s1 =	sshll.u32 s1, $0x5;
	s6 =	ssub.s32 s6, s7  }
0xb: {  	v0 =	vor.u32 $0x8, v0;
	[tilespmem:$0x1FFD0] =	vst v2;
	v1 =	vmul.u32 $0x8, v1;
	[dreg:$0x3] =	wrdreg s1;
	s1 =	simm.s32 $0xFD00;
	s29 =	sadd.s32 s3, s8  }
0xc: {  	[tilespmem:$0x1FFF0] =	vst v0;
	s7 =	simm.s32 $0x12900;
	s30 =	smax.u32 s6, $0x1;
	[dreg:$0x4] =	wrdreg s29  }
0xd: {  	vm0 =	vmmov $0xffff;
	vm1 =	vmmov $0xff;
	[tilespmem:$0x1FFE0] =	vst v1;
	s8 =	simm.s32 $0x10500;
	s6 =	simm.s32 $0x12100;
	[dreg:$0x5] =	wrdreg s30  }
.LBB2_1:
0xe: {  	[dreg:$0x6] =	wrdreg s18  }
0xf: {  	s17 =	rddreg [dreg:$0x4]  }
0x10: {  	[tilespmem:s2], [sflag:$0x3] =	stream.linear.gather [hbm4b:s17+s2], $0x68, $0x38;
	[tilespmem:$0x12E80] =	vst v63  }
0x11: {  	_ =	swait.ge [sflag:s11], $0x68  }
0x12: {  	[sflag:s11] =	ssyncset.done $0x0  }
0x13: {  	[sflag:s11] =	ssyncadd.s32 $0xFFFFFF98  }
0x14: {  	v0 =	vld [tilespmem:$0x0];
	_ =	sdelay $0x3  }
0x15: {  	v3 =	vld [tilespmem:$0x1FFD0]  }
0x16: {  	v2 =	vshrl.u32 v0, $0x3  }
0x17: {  	v1 =	vld [tilespmem:$0x1FFE0];
	v2 =	vmul.u32 $0x18, v2  }
0x18: {  	v0 =	vand.u32 $0x7, v0  }
0x19: {  	v4 =	vld [tilespmem:$0x1FFF0];
	v0 =	vor.u32 v0, v2  }
0x1a: {  	v2 =	vperm.xlane v0, v3;
	_ =	sdelay $0x1  }
0x1b: {  	v2 =	vadd.s32 v1, v2;
	_ =	sdelay $0x1  }
0x1c: {  	v0 =	vperm.xlane v0, v4;
	_ =	sdelay $0x1  }
0x1d: {  	s29 =	simm.s32 $0x100;
	v0 =	vadd.s32 v1, v0  }
0x1e: {  	[tilespmem:s29], [sflag:$0x1] =	stream.indirect_vreg.gather [hbm4b:s5+s2], $0x80, v2, vm0, $0xb8;
	[tilespmem:$0x12E80] =	vst v63  }
0x1f: {  	s30 =	simm.s32 $0x900  }
0x20: {  	[tilespmem:s30], [sflag:$0x1] =	stream.indirect_vreg.gather [hbm4b:s9+s2], $0x80, v2, vm1, $0xb8;
	[tilespmem:$0x12E80] =	vst v63  }
0x21: {  	s18 =	simm.s32 $0xD00  }
0x22: {  	[tilespmem:s18], [sflag:$0x1] =	stream.indirect_vreg.gather [hbm4b:s5+s2], $0x80, v0, vm0, $0xb8;
	[tilespmem:$0x12E80] =	vst v63  }
0x23: {  	s19 =	simm.s32 $0x1500  }
0x24: {  	[tilespmem:s19], [sflag:$0x1] =	stream.indirect_vreg.gather [hbm4b:s9+s2], $0x80, v0, vm1, $0xb8;
	[tilespmem:$0x12E80] =	vst v63  }
0x25: {  	v0 =	vld [tilespmem:$0x10];
	_ =	sdelay $0x4  }
0x26: {  	v58 =	vshrl.u32 v0, $0x3  }
0x27: {  	v2 =	vmul.u32 $0x18, v58  }
0x28: {  	v0 =	vand.u32 $0x7, v0  }
0x29: {  	v0 =	vor.u32 v0, v2  }
0x2a: {  	v2 =	vperm.xlane v0, v3;
	_ =	sdelay $0x1  }
0x2b: {  	v2 =	vadd.s32 v1, v2;
	_ =	sdelay $0x1  }
0x2c: {  	v0 =	vperm.xlane v0, v4;
	_ =	sdelay $0x1  }
0x2d: {  	s20 =	simm.s32 $0x1900;
	v0 =	vadd.s32 v1, v0  }
0x2e: {  	[tilespmem:s20], [sflag:$0x1] =	stream.indirect_vreg.gather [hbm4b:s5+s2], $0x80, v2, vm0, $0xb8;
	[tilespmem:$0x12E80] =	vst v63  }
0x2f: {  	s21 =	simm.s32 $0x2100  }
0x30: {  	[tilespmem:s21], [sflag:$0x1] =	stream.indirect_vreg.gather [hbm4b:s9+s2], $0x80, v2, vm1, $0xb8;
	[tilespmem:$0x12E80] =	vst v63  }
0x31: {  	s22 =	simm.s32 $0x2500  }
0x32: {  	[tilespmem:s22], [sflag:$0x1] =	stream.indirect_vreg.gather [hbm4b:s5+s2], $0x80, v0, vm0, $0xb8;
	[tilespmem:$0x12E80] =	vst v63  }
0x33: {  	s23 =	simm.s32 $0x2D00  }
0x34: {  	[tilespmem:s23], [sflag:$0x1] =	stream.indirect_vreg.gather [hbm4b:s9+s2], $0x80, v0, vm1, $0xb8;
	[tilespmem:$0x12E80] =	vst v63  }
0x35: {  	v0 =	vld [tilespmem:$0x20];
	_ =	sdelay $0x4  }
0x36: {  	v59 =	vshrl.u32 v0, $0x3  }
0x37: {  	v2 =	vmul.u32 $0x18, v59  }
0x38: {  	v0 =	vand.u32 $0x7, v0  }
0x39: {  	v0 =	vor.u32 v0, v2  }
0x3a: {  	v2 =	vperm.xlane v0, v3;
	_ =	sdelay $0x1  }
0x3b: {  	v2 =	vadd.s32 v1, v2;
	_ =	sdelay $0x1  }
0x3c: {  	v0 =	vperm.xlane v0, v4;
	_ =	sdelay $0x1  }
0x3d: {  	s24 =	simm.s32 $0x3100;
	v0 =	vadd.s32 v1, v0  }
0x3e: {  	[tilespmem:s24], [sflag:$0x1] =	stream.indirect_vreg.gather [hbm4b:s5+s2], $0x80, v2, vm0, $0xb8;
	[tilespmem:$0x12E80] =	vst v63  }
0x3f: {  	s25 =	simm.s32 $0x3900  }
0x40: {  	[tilespmem:s25], [sflag:$0x1] =	stream.indirect_vreg.gather [hbm4b:s9+s2], $0x80, v2, vm1, $0xb8;
	[tilespmem:$0x12E80] =	vst v63  }
0x41: {  	s26 =	simm.s32 $0x3D00  }
0x42: {  	[tilespmem:s26], [sflag:$0x1] =	stream.indirect_vreg.gather [hbm4b:s5+s2], $0x80, v0, vm0, $0xb8;
	[tilespmem:$0x12E80] =	vst v63  }
0x43: {  	s28 =	simm.s32 $0x4500  }
0x44: {  	[tilespmem:s28], [sflag:$0x1] =	stream.indirect_vreg.gather [hbm4b:s9+s2], $0x80, v0, vm1, $0xb8;
	[tilespmem:$0x12E80] =	vst v63  }
0x45: {  	v0 =	vld [tilespmem:$0x30];
	_ =	sdelay $0x4  }
0x46: {  	v60 =	vshrl.u32 v0, $0x3  }
0x47: {  	v2 =	vmul.u32 $0x18, v60  }
0x48: {  	v0 =	vand.u32 $0x7, v0  }
0x49: {  	v0 =	vor.u32 v0, v2  }
0x4a: {  	v2 =	vperm.xlane v0, v3;
	_ =	sdelay $0x1  }
0x4b: {  	v2 =	vadd.s32 v1, v2;
	_ =	sdelay $0x1  }
0x4c: {  	v0 =	vperm.xlane v0, v4;
	_ =	sdelay $0x1  }
0x4d: {  	s29 =	simm.s32 $0x4900;
	v0 =	vadd.s32 v1, v0  }
0x4e: {  	[tilespmem:s29], [sflag:$0x1] =	stream.indirect_vreg.gather [hbm4b:s5+s2], $0x80, v2, vm0, $0xb8;
	[tilespmem:$0x12E80] =	vst v63  }
0x4f: {  	s30 =	simm.s32 $0x5100  }
0x50: {  	[tilespmem:s30], [sflag:$0x1] =	stream.indirect_vreg.gather [hbm4b:s9+s2], $0x80, v2, vm1, $0xb8;
	[tilespmem:$0x12E80] =	vst v63  }
0x51: {  	s18 =	simm.s32 $0x5500  }
0x52: {  	[tilespmem:s18], [sflag:$0x1] =	stream.indirect_vreg.gather [hbm4b:s5+s2], $0x80, v0, vm0, $0xb8;
	[tilespmem:$0x12E80] =	vst v63  }
0x53: {  	s19 =	simm.s32 $0x5D00  }
0x54: {  	[tilespmem:s19], [sflag:$0x1] =	stream.indirect_vreg.gather [hbm4b:s9+s2], $0x80, v0, vm1, $0xb8;
	[tilespmem:$0x12E80] =	vst v63  }
0x55: {  	v0 =	vld [tilespmem:$0x40];
	_ =	sdelay $0x4  }
0x56: {  	v61 =	vshrl.u32 v0, $0x3  }
0x57: {  	v2 =	vmul.u32 $0x18, v61  }
0x58: {  	v0 =	vand.u32 $0x7, v0  }
0x59: {  	v0 =	vor.u32 v0, v2  }
0x5a: {  	v2 =	vperm.xlane v0, v3;
	_ =	sdelay $0x1  }
0x5b: {  	v2 =	vadd.s32 v1, v2;
	_ =	sdelay $0x1  }
0x5c: {  	v0 =	vperm.xlane v0, v4;
	_ =	sdelay $0x1  }
0x5d: {  	s20 =	simm.s32 $0x6100;
	v0 =	vadd.s32 v1, v0  }
0x5e: {  	[tilespmem:s20], [sflag:$0x1] =	stream.indirect_vreg.gather [hbm4b:s5+s2], $0x80, v2, vm0, $0xb8;
	[tilespmem:$0x12E80] =	vst v63  }
0x5f: {  	s21 =	simm.s32 $0x6900  }
0x60: {  	[tilespmem:s21], [sflag:$0x1] =	stream.indirect_vreg.gather [hbm4b:s9+s2], $0x80, v2, vm1, $0xb8;
	[tilespmem:$0x12E80] =	vst v63  }
0x61: {  	s22 =	simm.s32 $0x6D00  }
0x62: {  	[tilespmem:s22], [sflag:$0x1] =	stream.indirect_vreg.gather [hbm4b:s5+s2], $0x80, v0, vm0, $0xb8;
	[tilespmem:$0x12E80] =	vst v63  }
0x63: {  	s23 =	simm.s32 $0x7500  }
0x64: {  	[tilespmem:s23], [sflag:$0x1] =	stream.indirect_vreg.gather [hbm4b:s9+s2], $0x80, v0, vm1, $0xb8;
	[tilespmem:$0x12E80] =	vst v63  }
0x65: {  	v0 =	vld [tilespmem:$0x50];
	_ =	sdelay $0x4  }
0x66: {  	v62 =	vshrl.u32 v0, $0x3  }
0x67: {  	v2 =	vmul.u32 $0x18, v62  }
0x68: {  	v0 =	vand.u32 $0x7, v0  }
0x69: {  	v0 =	vor.u32 v0, v2  }
0x6a: {  	v2 =	vperm.xlane v0, v3;
	_ =	sdelay $0x1  }
0x6b: {  	v2 =	vadd.s32 v1, v2;
	_ =	sdelay $0x1  }
0x6c: {  	v0 =	vperm.xlane v0, v4;
	_ =	sdelay $0x1  }
0x6d: {  	s24 =	simm.s32 $0x7900;
	v0 =	vadd.s32 v1, v0  }
0x6e: {  	[tilespmem:s24], [sflag:$0x1] =	stream.indirect_vreg.gather [hbm4b:s5+s2], $0x80, v2, vm0, $0xb8;
	[tilespmem:$0x12E80] =	vst v63  }
0x6f: {  	s25 =	simm.s32 $0x8100  }
0x70: {  	[tilespmem:s25], [sflag:$0x1] =	stream.indirect_vreg.gather [hbm4b:s9+s2], $0x80, v2, vm1, $0xb8;
	[tilespmem:$0x12E80] =	vst v63  }
0x71: {  	s26 =	simm.s32 $0x8500  }
0x72: {  	[tilespmem:s26], [sflag:$0x1] =	stream.indirect_vreg.gather [hbm4b:s5+s2], $0x80, v0, vm0, $0xb8;
	[tilespmem:$0x12E80] =	vst v63  }
0x73: {  	s28 =	simm.s32 $0x8D00  }
0x74: {  	[tilespmem:s28], [sflag:$0x1] =	stream.indirect_vreg.gather [hbm4b:s9+s2], $0x80, v0, vm1, $0xb8;
	[tilespmem:$0x12E80] =	vst v63  }
0x75: {  	v0 =	vld.msk [tilespmem:$0x60], $0xff;
	_ =	sdelay $0x4  }
0x76: {  	v63 =	vshrl.u32 v0, $0x3  }
0x77: {  	v2 =	vmul.u32 $0x18, v63  }
0x78: {  	v0 =	vand.u32 $0x7, v0  }
0x79: {  	v0 =	vor.u32 v0, v2  }
0x7a: {  	v0 =	vperm.xlane v0, v3;
	_ =	sdelay $0x1  }
0x7b: {  	v0 =	vadd.s32 v1, v0;
	_ =	sdelay $0x3  }
0x7c: {  	s29 =	simm.s32 $0x9100  }
0x7d: {  	[tilespmem:s29], [sflag:$0x1] =	stream.indirect_vreg.gather [hbm4b:s5+s2], $0x80, v0, vm0, $0xb8;
	[tilespmem:$0x12E80] =	vst v63  }
0x7e: {  	s17 =	simm.s32 $0x0;
	s30 =	simm.s32 $0x9900  }
0x7f: {  	[tilespmem:s30], [sflag:$0x1] =	stream.indirect_vreg.gather [hbm4b:s9+s2], $0x80, v0, vm1, $0xb8;
	[tilespmem:$0x12E80] =	vst v63  }
.LBB2_2:
0x80: {  	s18 =	rddreg [dreg:$0x3]  }
0x81: {  	s18 =	sadd.s32 s18, s17  }
0x82: {  	s19 =	smul.u32 $0xC8, s18;
	_ =	sdelay $0x1  }
0x83: {  	s20 =	sadd.s32 $0x68, s19  }
0x84: {  	s20 =	sshrl.u32 s20, $0x3  }
0x85: {  	s21 =	simm.s32 $0x0;
	s22 =	sadd.s32 s3, s20  }
0x86: {  	[tilespmem:s31], [sflag:$0x3] =	stream.linear.gather [hbm4b:s22+s21], $0x60, $0x38;
	[tilespmem:$0x12E80] =	vst v63  }
0x87: {  	_ =	swait.ge [sflag:s11], $0x60  }
0x88: {  	[sflag:s11] =	ssyncset.done $0x0  }
0x89: {  	[sflag:s11] =	ssyncadd.s32 $0xFFFFFFA0  }
0x8a: {  	v0 =	vld [tilespmem:$0x80];
	_ =	sdelay $0x3  }
0x8b: {  	v3 =	vld [tilespmem:$0x1FFD0]  }
0x8c: {  	v2 =	vshrl.u32 v0, $0x3  }
0x8d: {  	v1 =	vld [tilespmem:$0x1FFE0];
	v2 =	vmul.u32 $0x18, v2  }
0x8e: {  	v0 =	vand.u32 $0x7, v0  }
0x8f: {  	v4 =	vld [tilespmem:$0x1FFF0];
	v0 =	vor.u32 v0, v2  }
0x90: {  	v2 =	vperm.xlane v0, v3;
	_ =	sdelay $0x1  }
0x91: {  	v2 =	vadd.s32 v1, v2;
	_ =	sdelay $0x1  }
0x92: {  	v0 =	vperm.xlane v0, v4;
	_ =	sdelay $0x1  }
0x93: {  	s30 =	simm.s32 $0x9D00;
	v0 =	vadd.s32 v1, v0  }
0x94: {  	[tilespmem:s30], [sflag:$0x2] =	stream.indirect_vreg.gather [hbm4b:s5+s21], $0x80, v2, vm0, $0xb8;
	[tilespmem:$0x12E80] =	vst v63  }
0x95: {  	s31 =	simm.s32 $0xA500  }
0x96: {  	[tilespmem:s31], [sflag:$0x2] =	stream.indirect_vreg.gather [hbm4b:s9+s21], $0x80, v2, vm1, $0xb8;
	[tilespmem:$0x12E80] =	vst v63  }
0x97: {  	s23 =	simm.s32 $0xA900  }
0x98: {  	[tilespmem:s23], [sflag:$0x2] =	stream.indirect_vreg.gather [hbm4b:s5+s21], $0x80, v0, vm0, $0xb8;
	[tilespmem:$0x12E80] =	vst v63  }
0x99: {  	s24 =	simm.s32 $0xB100  }
0x9a: {  	[tilespmem:s24], [sflag:$0x2] =	stream.indirect_vreg.gather [hbm4b:s9+s21], $0x80, v0, vm1, $0xb8;
	[tilespmem:$0x12E80] =	vst v63  }
0x9b: {  	v0 =	vld [tilespmem:$0x90];
	_ =	sdelay $0x4  }
0x9c: {  	v2 =	vshrl.u32 v0, $0x3  }
0x9d: {  	v2 =	vmul.u32 $0x18, v2  }
0x9e: {  	v0 =	vand.u32 $0x7, v0  }
0x9f: {  	v0 =	vor.u32 v0, v2  }
0xa0: {  	v2 =	vperm.xlane v0, v3;
	_ =	sdelay $0x1  }
0xa1: {  	v2 =	vadd.s32 v1, v2;
	_ =	sdelay $0x1  }
0xa2: {  	v0 =	vperm.xlane v0, v4;
	_ =	sdelay $0x1  }
0xa3: {  	s25 =	simm.s32 $0xB500;
	v0 =	vadd.s32 v1, v0  }
0xa4: {  	[tilespmem:s25], [sflag:$0x2] =	stream.indirect_vreg.gather [hbm4b:s5+s21], $0x80, v2, vm0, $0xb8;
	[tilespmem:$0x12E80] =	vst v63  }
0xa5: {  	s26 =	simm.s32 $0xBD00  }
0xa6: {  	[tilespmem:s26], [sflag:$0x2] =	stream.indirect_vreg.gather [hbm4b:s9+s21], $0x80, v2, vm1, $0xb8;
	[tilespmem:$0x12E80] =	vst v63  }
0xa7: {  	s28 =	simm.s32 $0xC100  }
0xa8: {  	[tilespmem:s28], [sflag:$0x2] =	stream.indirect_vreg.gather [hbm4b:s5+s21], $0x80, v0, vm0, $0xb8;
	[tilespmem:$0x12E80] =	vst v63  }
0xa9: {  	s29 =	simm.s32 $0xC900  }
0xaa: {  	[tilespmem:s29], [sflag:$0x2] =	stream.indirect_vreg.gather [hbm4b:s9+s21], $0x80, v0, vm1, $0xb8;
	[tilespmem:$0x12E80] =	vst v63  }
0xab: {  	v0 =	vld [tilespmem:$0xA0];
	_ =	sdelay $0x4  }
0xac: {  	v2 =	vshrl.u32 v0, $0x3  }
0xad: {  	v2 =	vmul.u32 $0x18, v2  }
0xae: {  	v0 =	vand.u32 $0x7, v0  }
0xaf: {  	v0 =	vor.u32 v0, v2  }
0xb0: {  	v2 =	vperm.xlane v0, v3;
	_ =	sdelay $0x1  }
0xb1: {  	v2 =	vadd.s32 v1, v2;
	_ =	sdelay $0x1  }
0xb2: {  	v0 =	vperm.xlane v0, v4;
	_ =	sdelay $0x1  }
0xb3: {  	s30 =	simm.s32 $0xCD00;
	v0 =	vadd.s32 v1, v0  }
0xb4: {  	[tilespmem:s30], [sflag:$0x2] =	stream.indirect_vreg.gather [hbm4b:s5+s21], $0x80, v2, vm0, $0xb8;
	[tilespmem:$0x12E80] =	vst v63  }
0xb5: {  	s31 =	simm.s32 $0xD500  }
0xb6: {  	[tilespmem:s31], [sflag:$0x2] =	stream.indirect_vreg.gather [hbm4b:s9+s21], $0x80, v2, vm1, $0xb8;
	[tilespmem:$0x12E80] =	vst v63  }
0xb7: {  	s23 =	simm.s32 $0xD900  }
0xb8: {  	[tilespmem:s23], [sflag:$0x2] =	stream.indirect_vreg.gather [hbm4b:s5+s21], $0x80, v0, vm0, $0xb8;
	[tilespmem:$0x12E80] =	vst v63  }
0xb9: {  	s24 =	simm.s32 $0xE100  }
0xba: {  	[tilespmem:s24], [sflag:$0x2] =	stream.indirect_vreg.gather [hbm4b:s9+s21], $0x80, v0, vm1, $0xb8;
	[tilespmem:$0x12E80] =	vst v63  }
0xbb: {  	v0 =	vld [tilespmem:$0xB0];
	_ =	sdelay $0x4  }
0xbc: {  	v2 =	vshrl.u32 v0, $0x3  }
0xbd: {  	v2 =	vmul.u32 $0x18, v2  }
0xbe: {  	v0 =	vand.u32 $0x7, v0  }
0xbf: {  	v0 =	vor.u32 v0, v2  }
0xc0: {  	v2 =	vperm.xlane v0, v3;
	_ =	sdelay $0x1  }
0xc1: {  	v2 =	vadd.s32 v1, v2;
	_ =	sdelay $0x1  }
0xc2: {  	v0 =	vperm.xlane v0, v4;
	_ =	sdelay $0x1  }
0xc3: {  	s25 =	simm.s32 $0xE500;
	v0 =	vadd.s32 v1, v0  }
0xc4: {  	[tilespmem:s25], [sflag:$0x2] =	stream.indirect_vreg.gather [hbm4b:s5+s21], $0x80, v2, vm0, $0xb8;
	[tilespmem:$0x12E80] =	vst v63  }
0xc5: {  	s26 =	simm.s32 $0xED00  }
0xc6: {  	[tilespmem:s26], [sflag:$0x2] =	stream.indirect_vreg.gather [hbm4b:s9+s21], $0x80, v2, vm1, $0xb8;
	[tilespmem:$0x12E80] =	vst v63  }
0xc7: {  	s28 =	simm.s32 $0xF100  }
0xc8: {  	[tilespmem:s28], [sflag:$0x2] =	stream.indirect_vreg.gather [hbm4b:s5+s21], $0x80, v0, vm0, $0xb8;
	[tilespmem:$0x12E80] =	vst v63  }
0xc9: {  	_ = 	snop  }
0xca: {  	[tilespmem:s0], [sflag:$0x2] =	stream.indirect_vreg.gather [hbm4b:s9+s21], $0x80, v0, vm1, $0xb8;
	[tilespmem:$0x12E80] =	vst v63  }
0xcb: {  	v0 =	vld [tilespmem:$0xC0];
	_ =	sdelay $0x4  }
0xcc: {  	v2 =	vshrl.u32 v0, $0x3  }
0xcd: {  	v2 =	vmul.u32 $0x18, v2  }
0xce: {  	v0 =	vand.u32 $0x7, v0  }
0xcf: {  	v0 =	vor.u32 v0, v2  }
0xd0: {  	v2 =	vperm.xlane v0, v3;
	_ =	sdelay $0x1  }
0xd1: {  	v2 =	vadd.s32 v1, v2;
	_ =	sdelay $0x1  }
0xd2: {  	v0 =	vperm.xlane v0, v4;
	_ =	sdelay $0x1  }
0xd3: {  	v0 =	vadd.s32 v1, v0  }
0xd4: {  	[tilespmem:s1], [sflag:$0x2] =	stream.indirect_vreg.gather [hbm4b:s5+s21], $0x80, v2, vm0, $0xb8;
	[tilespmem:$0x12E80] =	vst v63  }
0xd5: {  	_ = 	snop  }
0xd6: {  	[tilespmem:s8], [sflag:$0x2] =	stream.indirect_vreg.gather [hbm4b:s9+s21], $0x80, v2, vm1, $0xb8;
	[tilespmem:$0x12E80] =	vst v63  }
0xd7: {  	_ = 	snop  }
0xd8: {  	[tilespmem:s10], [sflag:$0x2] =	stream.indirect_vreg.gather [hbm4b:s5+s21], $0x80, v0, vm0, $0xb8;
	[tilespmem:$0x12E80] =	vst v63  }
0xd9: {  	_ = 	snop  }
0xda: {  	[tilespmem:s12], [sflag:$0x2] =	stream.indirect_vreg.gather [hbm4b:s9+s21], $0x80, v0, vm1, $0xb8;
	[tilespmem:$0x12E80] =	vst v63  }
0xdb: {  	v0 =	vld [tilespmem:$0xD0];
	_ =	sdelay $0x4  }
0xdc: {  	v2 =	vshrl.u32 v0, $0x3  }
0xdd: {  	v2 =	vmul.u32 $0x18, v2  }
0xde: {  	v0 =	vand.u32 $0x7, v0  }
0xdf: {  	v0 =	vor.u32 v0, v2  }
0xe0: {  	v2 =	vperm.xlane v0, v3;
	_ =	sdelay $0x1  }
0xe1: {  	v2 =	vadd.s32 v1, v2;
	_ =	sdelay $0x1  }
0xe2: {  	v0 =	vperm.xlane v0, v4;
	_ =	sdelay $0x1  }
0xe3: {  	v0 =	vadd.s32 v1, v0  }
0xe4: {  	[tilespmem:s13], [sflag:$0x2] =	stream.indirect_vreg.gather [hbm4b:s5+s21], $0x80, v2, vm0, $0xb8;
	[tilespmem:$0x12E80] =	vst v63  }
0xe5: {  	_ = 	snop  }
0xe6: {  	[tilespmem:s14], [sflag:$0x2] =	stream.indirect_vreg.gather [hbm4b:s9+s21], $0x80, v2, vm1, $0xb8;
	[tilespmem:$0x12E80] =	vst v63  }
0xe7: {  	s29 =	simm.s32 $0x0  }
0xe8: {  	[tilespmem:s6], [sflag:$0x2] =	stream.indirect_vreg.gather [hbm4b:s5+s21], $0x80, v0, vm0, $0xb8;
	[tilespmem:$0x12E80] =	vst v63  }
0xe9: {  	s22 =	smul.u32 $0x3000, s29  }
0xea: {  	[tilespmem:s7], [sflag:$0x2] =	stream.indirect_vreg.gather [hbm4b:s9+s21], $0x80, v0, vm1, $0xb8;
	[tilespmem:$0x12E80] =	vst v63  }
0xeb: {  	s24 =	sshra.s32 s22, $0x2;
	_ =	swait.ge [sflag:s15], $0x9C00  }
0xec: {  	s25 =	sand.u32 $0x300, s21;
	s26 =	sor.u32 $0x100, s24;
	[sflag:s15] =	ssyncset.done $0x0  }
0xed: {  	s30 =	sadd.s32 s25, s26;
	[sflag:s15] =	ssyncadd.s32 $0xFFFF6400  }
0xee: {  	v0 =	vld [tilespmem:s30+$0x0]  }
0xef: {  	v2 =	vld [tilespmem:s30+$0x10]  }
0xf0: {  	v4 =	vld [tilespmem:s30+$0x20]  }
0xf1: {  	v5 =	vld [tilespmem:s30+$0x30]  }
0xf2: {  	v8 =	vld [tilespmem:s30+$0x40]  }
0xf3: {  	v9 =	vld [tilespmem:s30+$0x50]  }
0xf4: {  	s28 =	sadd.s32 $0x900, s24;
	v10 =	vld [tilespmem:s30+$0x60]  }
0xf5: {  	s29 =	sor.u32 $0x80, s25;
	s23 =	sadd.s32 s25, s28;
	v11 =	vld [tilespmem:s30+$0x70]  }
0xf6: {  	s22 =	sadd.s32 s29, s28;
	v3 =	vld [tilespmem:s23+$0x20]  }
0xf7: {  	s26 =	sadd.s32 s29, s26;
	v6 =	vld [tilespmem:s22+$0x20]  }
0xf8: {  	v7 =	vld [tilespmem:s26+$0x0]  }
0xf9: {  	v12 =	vld [tilespmem:s26+$0x10]  }
0xfa: {  	v13 =	vld [tilespmem:s26+$0x20]  }
0xfb: {  	v14 =	vld [tilespmem:s26+$0x30]  }
0xfc: {  	v15 =	vld [tilespmem:s26+$0x40]  }
0xfd: {  	v17 =	vld [tilespmem:s26+$0x50]  }
0xfe: {  	s24 =	sadd.s32 $0x500, s24;
	v18 =	vld [tilespmem:s26+$0x60]  }
0xff: {  	s25 =	sadd.s32 s25, s24;
	v19 =	vld [tilespmem:s26+$0x70]  }
0x100: {  	s24 =	sadd.s32 s29, s24;
	v20 =	vld [tilespmem:s25+$0x0]  }
0x101: {  	v21 =	vld [tilespmem:s24+$0x0]  }
0x102: {  	v22 =	vld [tilespmem:s25+$0x10]  }
0x103: {  	v3 =	vadd.f32 v6, v3;
	v2 =	vadd.f32 v12, v2;
	v12 =	vld [tilespmem:s24+$0x10]  }
0x104: {  	v0 =	vadd.f32 v7, v0;
	v6 =	vadd.f32 v13, v4;
	v13 =	vld [tilespmem:s25+$0x20]  }
0x105: {  	v7 =	vadd.f32 v14, v5;
	v8 =	vadd.f32 v15, v8;
	v14 =	vld [tilespmem:s24+$0x30]  }
0x106: {  	v9 =	vadd.f32 v17, v9;
	v10 =	vadd.f32 v18, v10;
	v17 =	vld [tilespmem:s25+$0x40]  }
0x107: {  	v16 =	vimm.f32 $0.0e+00;
	v11 =	vadd.f32 v19, v11;
	v18 =	vld [tilespmem:s24+$0x40];
	v15 =	vadd.f32 v21, v20  }
0x108: {  	v3 =	vadd.f32 v3, v16;
	v4 =	vadd.f32 v0, v16;
	v0 =	vld [tilespmem:s24+$0x20]  }
0x109: {  	v5 =	vadd.f32 v2, v16;
	v6 =	vadd.f32 v6, v16;
	v2 =	vld [tilespmem:s25+$0x30]  }
0x10a: {  	v7 =	vadd.f32 v7, v16;
	v8 =	vadd.f32 v8, v16  }
0x10b: {  	v24 =	vld [tilespmem:s25+$0x50];
	v9 =	vadd.f32 v9, v16;
	v10 =	vadd.f32 v10, v16  }
0x10c: {  	v27 =	vld [tilespmem:s24+$0x50];
	v11 =	vadd.f32 v11, v16;
	v19 =	vadd.f32 v12, v22  }
0x10d: {  	v23 =	vld [tilespmem:s25+$0x60];
	v21 =	vimm.f32 $0.0e+00;
	v12 =	vadd.f32 v15, v16;
	v33 =	vadd.f32 v18, v17  }
0x10e: {  	v25 =	vld [tilespmem:s24+$0x60];
	v20 =	vimm.f32 $0.0e+00;
	v0 =	vadd.f32 v0, v13;
	v2 =	vadd.f32 v14, v2  }
0x10f: {  	s31 =	simm.s32 $0x0;
	v26 =	vld [tilespmem:s24+$0x70];
	v18 =	vimm.f32 $0.0e+00;
	v17 =	vimm.f32 $0.0e+00;
	v13 =	vadd.f32 v19, v16  }
0x110: {  	s26 =	smul.u32 $0x3000, s31;
	s24 =	simm.s32 $0x2;
	v22 =	vld [tilespmem:s25+$0x70];
	v19 =	vimm.f32 $0.0e+00;
	v14 =	vadd.f32 v0, v16;
	v15 =	vadd.f32 v2, v16  }
.LBB2_3:
0x111: {  	p0 =	sne.s32 s24, $0x33;
	v16 =	vadd.f32 v33, v16;
	v0 =	vadd.f32 v27, v24;
	v2 =	vld [tilespmem:s23+$0x0]  }
0x112: {  	s21 =	sadd.s32 $0x100, s21;
	s25 =	sshra.s32 s26, $0x2;
	v24 =	vld [tilespmem:s22+$0x0]  }
0x113: {  	s26 =	sand.u32 $0x300, s21;
	s28 =	sor.u32 $0x100, s25;
	s29 =	sadd.s32 $0x900, s25;
	v21 =	vadd.f32 v0, v21;
	v0 =	vadd.f32 v25, v23;
	v23 =	vld [tilespmem:s23+$0x10]  }
0x114: {  	s30 =	sor.u32 $0x80, s26;
	s25 =	sadd.s32 $0x500, s25;
	s23 =	sadd.s32 s26, s29;
	v25 =	vld [tilespmem:s22+$0x10]  }
0x115: {  	s31 =	sadd.s32 s26, s28;
	s28 =	sadd.s32 s30, s28;
	s22 =	sadd.s32 s30, s29;
	v27 =	vld [tilespmem:s23+$0x20];
	v20 =	vadd.f32 v0, v20;
	v0 =	vadd.f32 v26, v22  }
0x116: {  	s26 =	sadd.s32 s26, s25;
	s25 =	sadd.s32 s30, s25;
	v22 =	vld [tilespmem:s22+$0x20]  }
0x117: {  	v26 =	vld [tilespmem:s31+$0x0];
	v19 =	vadd.f32 v0, v19;
	v0 =	vadd.f32 v24, v2  }
0x118: {  	v2 =	vld [tilespmem:s28+$0x0]  }
0x119: {  	v24 =	vld [tilespmem:s31+$0x10];
	v18 =	vadd.f32 v0, v18;
	v0 =	vadd.f32 v25, v23  }
0x11a: {  	v23 =	vld [tilespmem:s28+$0x10]  }
0x11b: {  	v25 =	vld [tilespmem:s31+$0x20];
	v22 =	vadd.f32 v22, v27;
	v17 =	vadd.f32 v0, v17  }
0x11c: {  	v0 =	vld [tilespmem:s28+$0x20]  }
0x11d: {  	v2 =	vadd.f32 v2, v26;
	v26 =	vld [tilespmem:s31+$0x30];
	v3 =	vadd.f32 v22, v3  }
0x11e: {  	v22 =	vld [tilespmem:s28+$0x30]  }
0x11f: {  	v4 =	vadd.f32 v2, v4;
	v2 =	vadd.f32 v23, v24;
	v23 =	vld [tilespmem:s31+$0x40]  }
0x120: {  	v24 =	vld [tilespmem:s28+$0x40]  }
0x121: {  	v5 =	vadd.f32 v2, v5;
	v0 =	vadd.f32 v0, v25;
	v2 =	vld [tilespmem:s31+$0x50]  }
0x122: {  	v25 =	vld [tilespmem:s28+$0x50]  }
0x123: {  	v6 =	vadd.f32 v0, v6;
	v0 =	vadd.f32 v22, v26;
	v22 =	vld [tilespmem:s31+$0x60]  }
0x124: {  	v26 =	vld [tilespmem:s28+$0x60]  }
0x125: {  	v7 =	vadd.f32 v0, v7;
	v0 =	vadd.f32 v24, v23;
	v23 =	vld [tilespmem:s31+$0x70]  }
0x126: {  	v24 =	vld [tilespmem:s28+$0x70]  }
0x127: {  	v8 =	vadd.f32 v0, v8;
	v0 =	vadd.f32 v25, v2;
	v2 =	vld [tilespmem:s26+$0x0]  }
0x128: {  	v25 =	vld [tilespmem:s25+$0x0]  }
0x129: {  	v9 =	vadd.f32 v0, v9;
	v0 =	vadd.f32 v26, v22;
	v22 =	vld [tilespmem:s26+$0x10]  }
0x12a: {  	v26 =	vld [tilespmem:s25+$0x10]  }
0x12b: {  	v10 =	vadd.f32 v0, v10;
	v0 =	vadd.f32 v24, v23;
	v23 =	vld [tilespmem:s26+$0x20]  }
0x12c: {  	v24 =	vld [tilespmem:s25+$0x20]  }
0x12d: {  	v11 =	vadd.f32 v0, v11;
	v0 =	vadd.f32 v25, v2;
	v2 =	vld [tilespmem:s26+$0x30]  }
0x12e: {  	v25 =	vld [tilespmem:s25+$0x30]  }
0x12f: {  	v12 =	vadd.f32 v0, v12;
	v0 =	vadd.f32 v26, v22;
	v22 =	vld [tilespmem:s26+$0x40]  }
0x130: {  	v26 =	vld [tilespmem:s25+$0x40]  }
0x131: {  	v13 =	vadd.f32 v0, v13;
	v0 =	vadd.f32 v24, v23;
	v24 =	vld [tilespmem:s26+$0x50]  }
.Ltmp0:
0x132: {  	v27 =	vld [tilespmem:s25+$0x50];
	(pc) =	sbr.rel @p0 .LBB2_3-.Ltmp0, $4  }
0x133: {  	v14 =	vadd.f32 v0, v14;
	v0 =	vadd.f32 v25, v2;
	v23 =	vld [tilespmem:s26+$0x60]  }
0x134: {  	v25 =	vld [tilespmem:s25+$0x60]  }
0x135: {  	s28 =	sshrl.u32 s24, $0x2;
	v15 =	vadd.f32 v0, v15;
	v33 =	vadd.f32 v26, v22;
	v22 =	vld [tilespmem:s26+$0x70]  }
0x136: {  	s24 =	sadd.s32 $0x1, s24;
	s26 =	smul.u32 $0x3000, s28;
	v26 =	vld [tilespmem:s25+$0x70]  }
0x137: {  	_ = 	snop  }
0x138: {  	s21 =	sadd.s32 $0x100, s21;
	s24 =	sshra.s32 s26, $0x2  }
0x139: {  	s21 =	sand.u32 $0x300, s21;
	s25 =	sadd.s32 $0x900, s24  }
0x13a: {  	v54 =	vld [tilespmem:s23+$0x0];
	s29 =	sor.u32 $0x80, s21;
	s31 =	sor.u32 $0x100, s24;
	s24 =	sadd.s32 $0x500, s24  }
0x13b: {  	v37 =	vld [tilespmem:s22+$0x0];
	s30 =	sadd.s32 s21, s25;
	s28 =	sadd.s32 s21, s31;
	s21 =	sadd.s32 s21, s24  }
0x13c: {  	v63 =	vld [tilespmem:s21+$0x60]  }
0x13d: {  	v57 =	vld [tilespmem:s23+$0x10]  }
0x13e: {  	v31 =	vld [tilespmem:s22+$0x10]  }
0x13f: {  	s25 =	sadd.s32 s29, s25;
	v62 =	vld [tilespmem:s30+$0x20]  }
0x140: {  	s23 =	sadd.s32 s29, s24;
	v29 =	vld [tilespmem:s25+$0x20]  }
0x141: {  	[tilespmem:$0x1FF00] =	vst v63;
	v63 =	vld [tilespmem:s23+$0x60]  }
0x142: {  	s22 =	sadd.s32 s29, s31;
	v32 =	vld [tilespmem:s28+$0x0]  }
0x143: {  	v30 =	vld [tilespmem:s22+$0x0]  }
0x144: {  	v35 =	vld [tilespmem:s28+$0x10]  }
0x145: {  	v34 =	vld [tilespmem:s22+$0x10]  }
0x146: {  	[tilespmem:$0x1FF10] =	vst v63;
	v63 =	vld [tilespmem:s21+$0x70]  }
0x147: {  	v60 =	vld [tilespmem:s28+$0x20]  }
0x148: {  	v36 =	vld [tilespmem:s22+$0x20]  }
0x149: {  	v58 =	vld [tilespmem:s28+$0x30]  }
0x14a: {  	v61 =	vld [tilespmem:s22+$0x30]  }
0x14b: {  	[tilespmem:$0x1FF30] =	vst v63;
	v63 =	vld [tilespmem:s23+$0x70]  }
0x14c: {  	v55 =	vld [tilespmem:s28+$0x40]  }
0x14d: {  	v59 =	vld [tilespmem:s22+$0x40]  }
0x14e: {  	v53 =	vld [tilespmem:s28+$0x50]  }
0x14f: {  	v56 =	vld [tilespmem:s22+$0x50]  }
0x150: {  	[tilespmem:$0x1FF40] =	vst v63;
	v63 =	vld [tilespmem:s30+$0x0]  }
0x151: {  	v50 =	vld [tilespmem:s28+$0x60]  }
0x152: {  	v52 =	vld [tilespmem:s22+$0x60]  }
0x153: {  	v47 =	vld [tilespmem:s28+$0x70]  }
0x154: {  	v51 =	vld [tilespmem:s22+$0x70]  }
0x155: {  	[tilespmem:$0x1FF60] =	vst v63;
	v63 =	vld [tilespmem:s25+$0x0]  }
0x156: {  	v48 =	vld [tilespmem:s21+$0x0]  }
0x157: {  	v49 =	vld [tilespmem:s23+$0x0]  }
0x158: {  	v44 =	vld [tilespmem:s21+$0x10]  }
0x159: {  	v46 =	vld [tilespmem:s23+$0x10]  }
0x15a: {  	[tilespmem:$0x1FF70] =	vst v63;
	v63 =	vld [tilespmem:s30+$0x10]  }
0x15b: {  	v42 =	vld [tilespmem:s21+$0x20]  }
0x15c: {  	v45 =	vld [tilespmem:s23+$0x20]  }
0x15d: {  	v40 =	vld [tilespmem:s21+$0x30]  }
0x15e: {  	v0 =	vld [tilespmem:s21+$0x50]  }
0x15f: {  	[tilespmem:$0x1FF90] =	vst v63;
	v63 =	vld [tilespmem:s25+$0x10]  }
0x160: {  	v43 =	vld [tilespmem:s23+$0x30]  }
0x161: {  	s24 =	sshrl.u32 s19, $0x3;
	v38 =	vld [tilespmem:s21+$0x40]  }
0x162: {  	v41 =	vld [tilespmem:s23+$0x40];
	s26 =	sadd.s32 s4, s24;
	s21 =	simm.s32 $0x0  }
0x163: {  	[tilespmem:$0x1FEE0] =	vst v0;
	v39 =	vld [tilespmem:s23+$0x50];
	[tilespmem:s21], [sflag:$0x3] =	stream.linear.gather [hbm4b:s26+s21], $0x68, $0x38  }
0x164: {  	[tilespmem:$0x1FFA0] =	vst v63  }
0x165: {  	_ =	swait.ge [sflag:s11], $0x68  }
0x166: {  	[sflag:s11] =	ssyncset.done $0x0  }
0x167: {  	[sflag:s11] =	ssyncadd.s32 $0xFFFFFF98  }
0x168: {  	v2 =	vld [tilespmem:$0x0];
	_ =	sdelay $0x3  }
0x169: {  	v28 =	vld [tilespmem:$0x1FFD0]  }
0x16a: {  	v63 =	vshrl.u32 v2, $0x3  }
0x16b: {  	v1 =	vld [tilespmem:$0x1FFE0];
	v63 =	vmul.u32 $0x18, v63  }
0x16c: {  	v2 =	vand.u32 $0x7, v2  }
0x16d: {  	v0 =	vld [tilespmem:$0x1FFF0];
	v2 =	vor.u32 v2, v63  }
0x16e: {  	v63 =	vperm.xlane v2, v28;
	_ =	sdelay $0x1  }
0x16f: {  	v63 =	vadd.s32 v1, v63;
	_ =	sdelay $0x1  }
0x170: {  	v2 =	vperm.xlane v2, v0;
	_ =	sdelay $0x1  }
0x171: {  	s28 =	simm.s32 $0x100;
	v2 =	vadd.s32 v1, v2  }
0x172: {  	[tilespmem:s28], [sflag:$0x1] =	stream.indirect_vreg.gather [hbm4b:s5+s21], $0x80, v63, vm0, $0xb8;
	[tilespmem:$0x12E80] =	vst v63  }
0x173: {  	s29 =	simm.s32 $0x900  }
0x174: {  	[tilespmem:s29], [sflag:$0x1] =	stream.indirect_vreg.gather [hbm4b:s9+s21], $0x80, v63, vm1, $0xb8;
	[tilespmem:$0x12E80] =	vst v63  }
0x175: {  	s30 =	simm.s32 $0xD00  }
0x176: {  	[tilespmem:s30], [sflag:$0x1] =	stream.indirect_vreg.gather [hbm4b:s5+s21], $0x80, v2, vm0, $0xb8;
	[tilespmem:$0x12E80] =	vst v63  }
0x177: {  	s31 =	simm.s32 $0x1500  }
0x178: {  	[tilespmem:s31], [sflag:$0x1] =	stream.indirect_vreg.gather [hbm4b:s9+s21], $0x80, v2, vm1, $0xb8;
	[tilespmem:$0x12E80] =	vst v63  }
0x179: {  	v2 =	vld [tilespmem:$0x10];
	_ =	sdelay $0x4  }
0x17a: {  	v63 =	vshrl.u32 v2, $0x3  }
0x17b: {  	v63 =	vmul.u32 $0x18, v63  }
0x17c: {  	v2 =	vand.u32 $0x7, v2  }
0x17d: {  	v2 =	vor.u32 v2, v63  }
0x17e: {  	v63 =	vperm.xlane v2, v28;
	_ =	sdelay $0x1  }
0x17f: {  	v63 =	vadd.s32 v1, v63;
	_ =	sdelay $0x1  }
0x180: {  	v2 =	vperm.xlane v2, v0;
	_ =	sdelay $0x1  }
0x181: {  	s23 =	simm.s32 $0x1900;
	v2 =	vadd.s32 v1, v2  }
0x182: {  	[tilespmem:s23], [sflag:$0x1] =	stream.indirect_vreg.gather [hbm4b:s5+s21], $0x80, v63, vm0, $0xb8;
	[tilespmem:$0x12E80] =	vst v63  }
0x183: {  	s24 =	simm.s32 $0x2100  }
0x184: {  	[tilespmem:s24], [sflag:$0x1] =	stream.indirect_vreg.gather [hbm4b:s9+s21], $0x80, v63, vm1, $0xb8;
	[tilespmem:$0x12E80] =	vst v63  }
0x185: {  	s25 =	simm.s32 $0x2500  }
0x186: {  	[tilespmem:s25], [sflag:$0x1] =	stream.indirect_vreg.gather [hbm4b:s5+s21], $0x80, v2, vm0, $0xb8;
	[tilespmem:$0x12E80] =	vst v63  }
0x187: {  	s26 =	simm.s32 $0x2D00  }
0x188: {  	[tilespmem:s26], [sflag:$0x1] =	stream.indirect_vreg.gather [hbm4b:s9+s21], $0x80, v2, vm1, $0xb8;
	[tilespmem:$0x12E80] =	vst v63  }
0x189: {  	v2 =	vld [tilespmem:$0x20];
	_ =	sdelay $0x4  }
0x18a: {  	v63 =	vshrl.u32 v2, $0x3  }
0x18b: {  	v63 =	vmul.u32 $0x18, v63  }
0x18c: {  	v2 =	vand.u32 $0x7, v2  }
0x18d: {  	v2 =	vor.u32 v2, v63  }
0x18e: {  	v63 =	vperm.xlane v2, v28;
	_ =	sdelay $0x1  }
0x18f: {  	v63 =	vadd.s32 v1, v63;
	_ =	sdelay $0x1  }
0x190: {  	v2 =	vperm.xlane v2, v0;
	_ =	sdelay $0x1  }
0x191: {  	s28 =	simm.s32 $0x3100;
	v2 =	vadd.s32 v1, v2  }
0x192: {  	[tilespmem:s28], [sflag:$0x1] =	stream.indirect_vreg.gather [hbm4b:s5+s21], $0x80, v63, vm0, $0xb8;
	[tilespmem:$0x12E80] =	vst v63  }
0x193: {  	s29 =	simm.s32 $0x3900  }
0x194: {  	[tilespmem:s29], [sflag:$0x1] =	stream.indirect_vreg.gather [hbm4b:s9+s21], $0x80, v63, vm1, $0xb8;
	[tilespmem:$0x12E80] =	vst v63  }
0x195: {  	s30 =	simm.s32 $0x3D00  }
0x196: {  	[tilespmem:s30], [sflag:$0x1] =	stream.indirect_vreg.gather [hbm4b:s5+s21], $0x80, v2, vm0, $0xb8;
	[tilespmem:$0x12E80] =	vst v63  }
0x197: {  	s31 =	simm.s32 $0x4500  }
0x198: {  	[tilespmem:s31], [sflag:$0x1] =	stream.indirect_vreg.gather [hbm4b:s9+s21], $0x80, v2, vm1, $0xb8;
	[tilespmem:$0x12E80] =	vst v63  }
0x199: {  	v2 =	vld [tilespmem:$0x30];
	_ =	sdelay $0x4  }
0x19a: {  	v63 =	vshrl.u32 v2, $0x3  }
0x19b: {  	v63 =	vmul.u32 $0x18, v63  }
0x19c: {  	v2 =	vand.u32 $0x7, v2  }
0x19d: {  	v2 =	vor.u32 v2, v63  }
0x19e: {  	v63 =	vperm.xlane v2, v28;
	_ =	sdelay $0x1  }
0x19f: {  	v63 =	vadd.s32 v1, v63;
	_ =	sdelay $0x1  }
0x1a0: {  	v2 =	vperm.xlane v2, v0;
	_ =	sdelay $0x1  }
0x1a1: {  	s23 =	simm.s32 $0x4900;
	v2 =	vadd.s32 v1, v2  }
0x1a2: {  	[tilespmem:s23], [sflag:$0x1] =	stream.indirect_vreg.gather [hbm4b:s5+s21], $0x80, v63, vm0, $0xb8;
	[tilespmem:$0x12E80] =	vst v63  }
0x1a3: {  	s24 =	simm.s32 $0x5100  }
0x1a4: {  	[tilespmem:s24], [sflag:$0x1] =	stream.indirect_vreg.gather [hbm4b:s9+s21], $0x80, v63, vm1, $0xb8;
	[tilespmem:$0x12E80] =	vst v63  }
0x1a5: {  	s25 =	simm.s32 $0x5500  }
0x1a6: {  	[tilespmem:s25], [sflag:$0x1] =	stream.indirect_vreg.gather [hbm4b:s5+s21], $0x80, v2, vm0, $0xb8;
	[tilespmem:$0x12E80] =	vst v63  }
0x1a7: {  	s26 =	simm.s32 $0x5D00  }
0x1a8: {  	[tilespmem:s26], [sflag:$0x1] =	stream.indirect_vreg.gather [hbm4b:s9+s21], $0x80, v2, vm1, $0xb8;
	[tilespmem:$0x12E80] =	vst v63  }
0x1a9: {  	v2 =	vld [tilespmem:$0x40];
	_ =	sdelay $0x4  }
0x1aa: {  	v63 =	vshrl.u32 v2, $0x3  }
0x1ab: {  	v63 =	vmul.u32 $0x18, v63  }
0x1ac: {  	v2 =	vand.u32 $0x7, v2  }
0x1ad: {  	v2 =	vor.u32 v2, v63  }
0x1ae: {  	v63 =	vperm.xlane v2, v28;
	_ =	sdelay $0x1  }
0x1af: {  	v63 =	vadd.s32 v1, v63;
	_ =	sdelay $0x1  }
0x1b0: {  	v2 =	vperm.xlane v2, v0;
	_ =	sdelay $0x1  }
0x1b1: {  	s28 =	simm.s32 $0x6100;
	v2 =	vadd.s32 v1, v2  }
0x1b2: {  	[tilespmem:s28], [sflag:$0x1] =	stream.indirect_vreg.gather [hbm4b:s5+s21], $0x80, v63, vm0, $0xb8;
	[tilespmem:$0x12E80] =	vst v63  }
0x1b3: {  	s29 =	simm.s32 $0x6900  }
0x1b4: {  	[tilespmem:s29], [sflag:$0x1] =	stream.indirect_vreg.gather [hbm4b:s9+s21], $0x80, v63, vm1, $0xb8;
	[tilespmem:$0x12E80] =	vst v63  }
0x1b5: {  	s30 =	simm.s32 $0x6D00  }
0x1b6: {  	[tilespmem:s30], [sflag:$0x1] =	stream.indirect_vreg.gather [hbm4b:s5+s21], $0x80, v2, vm0, $0xb8;
	[tilespmem:$0x12E80] =	vst v63  }
0x1b7: {  	s31 =	simm.s32 $0x7500  }
0x1b8: {  	[tilespmem:s31], [sflag:$0x1] =	stream.indirect_vreg.gather [hbm4b:s9+s21], $0x80, v2, vm1, $0xb8;
	[tilespmem:$0x12E80] =	vst v63  }
0x1b9: {  	v2 =	vld [tilespmem:$0x50];
	_ =	sdelay $0x4  }
0x1ba: {  	v63 =	vshrl.u32 v2, $0x3  }
0x1bb: {  	v63 =	vmul.u32 $0x18, v63  }
0x1bc: {  	v2 =	vand.u32 $0x7, v2  }
0x1bd: {  	v2 =	vor.u32 v2, v63  }
0x1be: {  	v63 =	vperm.xlane v2, v28;
	_ =	sdelay $0x1  }
0x1bf: {  	v63 =	vadd.s32 v1, v63;
	_ =	sdelay $0x1  }
0x1c0: {  	v2 =	vperm.xlane v2, v0;
	_ =	sdelay $0x1  }
0x1c1: {  	s23 =	simm.s32 $0x7900;
	v2 =	vadd.s32 v1, v2  }
0x1c2: {  	[tilespmem:s23], [sflag:$0x1] =	stream.indirect_vreg.gather [hbm4b:s5+s21], $0x80, v63, vm0, $0xb8;
	[tilespmem:$0x12E80] =	vst v63  }
0x1c3: {  	s24 =	simm.s32 $0x8100  }
0x1c4: {  	[tilespmem:s24], [sflag:$0x1] =	stream.indirect_vreg.gather [hbm4b:s9+s21], $0x80, v63, vm1, $0xb8;
	[tilespmem:$0x12E80] =	vst v63  }
0x1c5: {  	s25 =	simm.s32 $0x8500  }
0x1c6: {  	[tilespmem:s25], [sflag:$0x1] =	stream.indirect_vreg.gather [hbm4b:s5+s21], $0x80, v2, vm0, $0xb8;
	[tilespmem:$0x12E80] =	vst v63  }
0x1c7: {  	s26 =	simm.s32 $0x8D00  }
0x1c8: {  	[tilespmem:s26], [sflag:$0x1] =	stream.indirect_vreg.gather [hbm4b:s9+s21], $0x80, v2, vm1, $0xb8;
	[tilespmem:$0x12E80] =	vst v63  }
0x1c9: {  	v2 =	vld.msk [tilespmem:$0x60], $0xff;
	_ =	sdelay $0x4  }
0x1ca: {  	v0 =	vshrl.u32 v2, $0x3  }
0x1cb: {  	v63 =	vmul.u32 $0x18, v0  }
0x1cc: {  	v2 =	vand.u32 $0x7, v2  }
0x1cd: {  	v2 =	vor.u32 v2, v63  }
0x1ce: {  	v2 =	vperm.xlane v2, v28;
	_ =	sdelay $0x1  }
0x1cf: {  	v2 =	vadd.s32 v1, v2;
	_ =	sdelay $0x3  }
0x1d0: {  	s28 =	simm.s32 $0x9100  }
0x1d1: {  	v24 =	vadd.f32 v27, v24;
	[tilespmem:s28], [sflag:$0x1] =	stream.indirect_vreg.gather [hbm4b:s5+s21], $0x80, v2, vm0, $0xb8;
	[tilespmem:$0x12E80] =	vst v63  }
0x1d2: {  	s30 =	simm.s32 $0x9900  }
0x1d3: {  	[tilespmem:s30], [sflag:$0x1] =	stream.indirect_vreg.gather [hbm4b:s9+s21], $0x80, v2, vm1, $0xb8;
	v2 =	vadd.f32 v24, v21;
	v21 =	vadd.f32 v26, v22;
	[tilespmem:$0x12E80] =	vst v63  }
0x1d4: {  	v16 =	vadd.f32 v33, v16;
	v63 =	vadd.f32 v56, v53  }
0x1d5: {  	s29 =	simm.s32 $0x0;
	_ =	swait.ge [sflag:s16], $0x9000;
	v19 =	vadd.f32 v21, v19;
	v21 =	vadd.f32 v31, v57  }
0x1d6: {  	s22 =	smul.u32 $0x3000, s29;
	v57 =	vadd.f32 v36, v60;
	v60 =	vadd.f32 v61, v58;
	v58 =	vld [tilespmem:$0x1FEE0]  }
0x1d7: {  	v53 =	vadd.f32 v43, v40;
	v56 =	vadd.f32 v41, v38;
	v40 =	vld [tilespmem:$0x1FF60]  }
0x1d8: {  	s25 =	sshra.s32 s22, $0x2;
	v22 =	vadd.f32 v37, v54;
	v37 =	vadd.f32 v34, v35;
	v41 =	vld [tilespmem:$0x1FF70]  }
0x1d9: {  	s24 =	sand.u32 $0x300, s21;
	s31 =	sadd.s32 $0x9D00, s25;
	v34 =	vadd.f32 v51, v47;
	v51 =	vadd.f32 v45, v42;
	[sflag:s16] =	ssyncset.done $0x0;
	v42 =	vld [tilespmem:$0x1FF90]  }
0x1da: {  	v23 =	vadd.f32 v25, v23;
	v33 =	vadd.f32 v29, v62;
	s23 =	sadd.s32 s24, s31;
	v43 =	vld [tilespmem:$0x1FFA0];
	[sflag:s16] =	ssyncadd.s32 $0xFFFF7000  }
0x1db: {  	v18 =	vadd.f32 v22, v18;
	v22 =	vld [tilespmem:s23+$0x0]  }
0x1dc: {  	v20 =	vadd.f32 v23, v20;
	v0 =	vadd.f32 v33, v3;
	v23 =	vld [tilespmem:s23+$0x10]  }
0x1dd: {  	v3 =	vld [tilespmem:s23+$0x20]  }
0x1de: {  	[tilespmem:$0x1FE10] =	vst v0;
	v0 =	vadd.f32 v37, v5;
	v5 =	vld [tilespmem:s23+$0x40]  }
0x1df: {  	v62 =	vadd.f32 v59, v55;
	v61 =	vadd.f32 v57, v6;
	v6 =	vld [tilespmem:s23+$0x50]  }
0x1e0: {  	s29 =	sadd.s32 $0xA500, s25;
	v17 =	vadd.f32 v21, v17;
	[tilespmem:$0x1FE30] =	vst v0;
	v0 =	vadd.f32 v60, v7;
	v7 =	vld [tilespmem:s23+$0x60]  }
0x1e1: {  	s22 =	sadd.s32 s24, s29;
	s30 =	sor.u32 $0x80, s24;
	v21 =	vadd.f32 v30, v32;
	v32 =	vadd.f32 v62, v8;
	v8 =	vld [tilespmem:s23+$0x70]  }
0x1e2: {  	s26 =	sadd.s32 s30, s31;
	v35 =	vld [tilespmem:s22+$0x20]  }
0x1e3: {  	v37 =	vadd.f32 v49, v48;
	v49 =	vld [tilespmem:s26+$0x0]  }
0x1e4: {  	v33 =	vadd.f32 v52, v50;
	v52 =	vld [tilespmem:s26+$0x10]  }
0x1e5: {  	v57 =	vld [tilespmem:s26+$0x30]  }
0x1e6: {  	v36 =	vadd.f32 v33, v10;
	v59 =	vld [tilespmem:s26+$0x40]  }
0x1e7: {  	v62 =	vld [tilespmem:$0x1FF10]  }
0x1e8: {  	[tilespmem:$0x1FE80] =	vst v36;
	v36 =	vld [tilespmem:$0x1FF30]  }
0x1e9: {  	v50 =	vadd.f32 v37, v12;
	v27 =	vld [tilespmem:s26+$0x70];
	[tilespmem:$0x1FE40] =	vst v61  }
0x1ea: {  	v54 =	vadd.f32 v21, v4;
	v21 =	vld [tilespmem:s23+$0x30];
	[tilespmem:$0x1FE50] =	vst v0;
	v0 =	vadd.f32 v63, v9  }
0x1eb: {  	v48 =	vadd.f32 v46, v44;
	[tilespmem:$0x1FEA0] =	vst v50;
	v61 =	vld [tilespmem:$0x1FF00]  }
0x1ec: {  	v55 =	vadd.f32 v51, v14;
	s23 =	sadd.s32 s30, s29;
	v63 =	vld [tilespmem:s26+$0x50];
	[tilespmem:$0x1FE70] =	vst v0;
	v0 =	vadd.f32 v34, v11  }
0x1ed: {  	v60 =	vadd.f32 v56, v16;
	v47 =	vld [tilespmem:s23+$0x20];
	[tilespmem:$0x1FE20] =	vst v54;
	v50 =	vadd.f32 v52, v23  }
0x1ee: {  	v54 =	vld [tilespmem:s26+$0x20];
	v56 =	vadd.f32 v59, v5;
	[tilespmem:$0x1FE90] =	vst v0;
	v0 =	vadd.f32 v48, v13  }
0x1ef: {  	s25 =	sadd.s32 $0xA100, s25;
	v37 =	vld [tilespmem:$0x1FF40];
	v59 =	vadd.f32 v27, v8;
	v48 =	vadd.f32 v49, v22  }
0x1f0: {  	s24 =	sadd.s32 s24, s25;
	v38 =	vld [tilespmem:s26+$0x60];
	v4 =	vadd.f32 v62, v61;
	[tilespmem:$0x1FEB0] =	vst v0;
	v0 =	vadd.f32 v53, v15  }
0x1f1: {  	s25 =	sadd.s32 s30, s25;
	v44 =	vld [tilespmem:s24+$0x0];
	v52 =	vadd.f32 v57, v21;
	v57 =	vadd.f32 v63, v6  }
0x1f2: {  	v51 =	vld [tilespmem:s25+$0x10];
	v46 =	vadd.f32 v47, v35;
	v35 =	vimm.f32 $0.0e+00;
	[tilespmem:$0x1FED0] =	vst v0;
	v0 =	vadd.f32 v39, v58  }
0x1f3: {  	[tilespmem:$0x1FEC0] =	vst v55;
	v55 =	vld [tilespmem:s24+$0x30];
	v3 =	vadd.f32 v54, v3;
	v25 =	vadd.f32 v48, v35  }
0x1f4: {  	[tilespmem:$0x1FEF0] =	vst v60;
	v60 =	vld [tilespmem:s24+$0x40];
	v23 =	vadd.f32 v50, v35;
	v0 =	vadd.f32 v0, v2  }
0x1f5: {  	v49 =	vld [tilespmem:s24+$0x10];
	v26 =	vadd.f32 v52, v35;
	v27 =	vadd.f32 v56, v35  }
0x1f6: {  	v47 =	vld [tilespmem:s25+$0x0];
	v28 =	vadd.f32 v57, v35;
	[tilespmem:$0x1FF20] =	vst v0;
	v0 =	vadd.f32 v37, v36  }
0x1f7: {  	v53 =	vld [tilespmem:s24+$0x20];
	v30 =	vadd.f32 v59, v35;
	v39 =	vadd.f32 v4, v20  }
0x1f8: {  	v54 =	vld [tilespmem:s25+$0x20];
	v4 =	vadd.f32 v41, v40;
	v0 =	vadd.f32 v0, v19  }
0x1f9: {  	v22 =	vadd.f32 v46, v35;
	v58 =	vld [tilespmem:s25+$0x30];
	v24 =	vadd.f32 v3, v35  }
0x1fa: {  	v61 =	vld [tilespmem:s25+$0x40];
	v63 =	vadd.f32 v51, v49;
	[tilespmem:$0x1FF80] =	vst v0;
	v0 =	vadd.f32 v43, v42  }
0x1fb: {  	v46 =	vld [tilespmem:s25+$0x50];
	v45 =	vadd.f32 v4, v18;
	v2 =	vadd.f32 v38, v7  }
0x1fc: {  	[tilespmem:$0x1FE60] =	vst v32;
	v40 =	vimm.f32 $0.0e+00;
	v62 =	vadd.f32 v47, v44;
	v43 =	vld [tilespmem:s24+$0x50];
	v0 =	vadd.f32 v0, v17  }
0x1fd: {  	[tilespmem:$0x1FF50] =	vst v39;
	v39 =	vimm.f32 $0.0e+00;
	v32 =	vadd.f32 v63, v35;
	v44 =	vld [tilespmem:s25+$0x60];
	v29 =	vadd.f32 v2, v35  }
0x1fe: {  	v38 =	vimm.f32 $0.0e+00;
	v3 =	vadd.f32 v58, v55;
	v42 =	vld [tilespmem:s24+$0x60];
	[tilespmem:$0x1FFC0] =	vst v0;
	v0 =	vadd.f32 v54, v53  }
0x1ff: {  	s31 =	simm.s32 $0x0;
	v41 =	vld [tilespmem:s24+$0x70];
	v37 =	vimm.f32 $0.0e+00;
	v31 =	vadd.f32 v62, v35;
	v55 =	vadd.f32 v61, v60  }
0x200: {  	s26 =	smul.u32 $0x3000, s31;
	[tilespmem:$0x1FFB0] =	vst v45;
	v45 =	vld [tilespmem:s25+$0x70];
	v36 =	vimm.f32 $0.0e+00;
	v34 =	vadd.f32 v3, v35;
	s24 =	simm.s32 $0x2;
	v33 =	vadd.f32 v0, v35  }
.LBB2_5:
0x201: {  	p0 =	sne.s32 s24, $0x2F;
	v35 =	vadd.f32 v55, v35;
	v0 =	vadd.f32 v46, v43;
	v2 =	vld [tilespmem:s22+$0x0]  }
0x202: {  	s21 =	sadd.s32 $0x100, s21;
	s25 =	sshra.s32 s26, $0x2;
	v3 =	vld [tilespmem:s23+$0x0]  }
0x203: {  	s26 =	sand.u32 $0x300, s21;
	s28 =	sadd.s32 $0x9D00, s25;
	s29 =	sadd.s32 $0xA500, s25;
	v40 =	vadd.f32 v0, v40;
	v0 =	vadd.f32 v44, v42;
	v4 =	vld [tilespmem:s22+$0x10]  }
0x204: {  	s30 =	sor.u32 $0x80, s26;
	s25 =	sadd.s32 $0xA100, s25;
	s22 =	sadd.s32 s26, s29;
	v5 =	vld [tilespmem:s23+$0x10]  }
0x205: {  	s31 =	sadd.s32 s26, s28;
	s28 =	sadd.s32 s30, s28;
	s23 =	sadd.s32 s30, s29;
	v6 =	vld [tilespmem:s22+$0x20];
	v39 =	vadd.f32 v0, v39;
	v0 =	vadd.f32 v45, v41  }
0x206: {  	s26 =	sadd.s32 s26, s25;
	s25 =	sadd.s32 s30, s25;
	v7 =	vld [tilespmem:s23+$0x20]  }
0x207: {  	v8 =	vld [tilespmem:s31+$0x0];
	v38 =	vadd.f32 v0, v38;
	v0 =	vadd.f32 v3, v2  }
0x208: {  	v2 =	vld [tilespmem:s28+$0x0]  }
0x209: {  	v3 =	vld [tilespmem:s31+$0x10];
	v37 =	vadd.f32 v0, v37;
	v0 =	vadd.f32 v5, v4  }
0x20a: {  	v4 =	vld [tilespmem:s28+$0x10]  }
0x20b: {  	v5 =	vld [tilespmem:s31+$0x20];
	v6 =	vadd.f32 v7, v6;
	v36 =	vadd.f32 v0, v36  }
0x20c: {  	v0 =	vld [tilespmem:s28+$0x20]  }
0x20d: {  	v2 =	vadd.f32 v2, v8;
	v7 =	vld [tilespmem:s31+$0x30];
	v22 =	vadd.f32 v6, v22  }
0x20e: {  	v6 =	vld [tilespmem:s28+$0x30]  }
0x20f: {  	v25 =	vadd.f32 v2, v25;
	v2 =	vadd.f32 v4, v3;
	v3 =	vld [tilespmem:s31+$0x40]  }
0x210: {  	v4 =	vld [tilespmem:s28+$0x40]  }
0x211: {  	v23 =	vadd.f32 v2, v23;
	v0 =	vadd.f32 v0, v5;
	v2 =	vld [tilespmem:s31+$0x50]  }
0x212: {  	v5 =	vld [tilespmem:s28+$0x50]  }
0x213: {  	v24 =	vadd.f32 v0, v24;
	v0 =	vadd.f32 v6, v7;
	v6 =	vld [tilespmem:s31+$0x60]  }
0x214: {  	v7 =	vld [tilespmem:s28+$0x60]  }
0x215: {  	v26 =	vadd.f32 v0, v26;
	v0 =	vadd.f32 v4, v3;
	v3 =	vld [tilespmem:s31+$0x70]  }
0x216: {  	v4 =	vld [tilespmem:s28+$0x70]  }
0x217: {  	v27 =	vadd.f32 v0, v27;
	v0 =	vadd.f32 v5, v2;
	v2 =	vld [tilespmem:s26+$0x0]  }
0x218: {  	v5 =	vld [tilespmem:s25+$0x0]  }
0x219: {  	v28 =	vadd.f32 v0, v28;
	v0 =	vadd.f32 v7, v6;
	v6 =	vld [tilespmem:s26+$0x10]  }
0x21a: {  	v7 =	vld [tilespmem:s25+$0x10]  }
0x21b: {  	v29 =	vadd.f32 v0, v29;
	v0 =	vadd.f32 v4, v3;
	v3 =	vld [tilespmem:s26+$0x20]  }
0x21c: {  	v4 =	vld [tilespmem:s25+$0x20]  }
0x21d: {  	v30 =	vadd.f32 v0, v30;
	v0 =	vadd.f32 v5, v2;
	v2 =	vld [tilespmem:s26+$0x30]  }
0x21e: {  	v5 =	vld [tilespmem:s25+$0x30]  }
0x21f: {  	v31 =	vadd.f32 v0, v31;
	v0 =	vadd.f32 v7, v6;
	v6 =	vld [tilespmem:s26+$0x40]  }
0x220: {  	v7 =	vld [tilespmem:s25+$0x40]  }
0x221: {  	v32 =	vadd.f32 v0, v32;
	v0 =	vadd.f32 v4, v3;
	v43 =	vld [tilespmem:s26+$0x50]  }
.Ltmp1:
0x222: {  	v46 =	vld [tilespmem:s25+$0x50];
	(pc) =	sbr.rel @p0 .LBB2_5-.Ltmp1, $4  }
0x223: {  	v33 =	vadd.f32 v0, v33;
	v0 =	vadd.f32 v5, v2;
	v42 =	vld [tilespmem:s26+$0x60]  }
0x224: {  	v44 =	vld [tilespmem:s25+$0x60]  }
0x225: {  	s28 =	sshrl.u32 s24, $0x2;
	v34 =	vadd.f32 v0, v34;
	v55 =	vadd.f32 v7, v6;
	v41 =	vld [tilespmem:s26+$0x70]  }
0x226: {  	s24 =	sadd.s32 $0x1, s24;
	s26 =	smul.u32 $0x3000, s28;
	v45 =	vld [tilespmem:s25+$0x70]  }
0x227: {  	_ = 	snop  }
0x228: {  	s21 =	sadd.s32 $0x100, s21;
	s24 =	sshra.s32 s26, $0x2  }
0x229: {  	s21 =	sand.u32 $0x300, s21;
	s25 =	sadd.s32 $0x9D00, s24  }
0x22a: {  	s28 =	sadd.s32 s21, s25  }
0x22b: {  	v0 =	vld [tilespmem:s28+$0x50];
	_ =	sdelay $0x3  }
0x22c: {  	v16 =	vld [tilespmem:s22+$0x0]  }
0x22d: {  	[tilespmem:$0x1FD60] =	vst v0;
	v0 =	vld [tilespmem:s28+$0x60]  }
0x22e: {  	v19 =	vld [tilespmem:s23+$0x0]  }
0x22f: {  	v18 =	vld [tilespmem:s22+$0x10]  }
0x230: {  	v20 =	vld [tilespmem:s23+$0x10]  }
0x231: {  	v14 =	vld [tilespmem:s28+$0x0]  }
0x232: {  	[tilespmem:$0x1FD80] =	vst v0;
	v0 =	vld [tilespmem:s28+$0x70]  }
0x233: {  	v11 =	vld [tilespmem:s28+$0x10]  }
0x234: {  	v7 =	vld [tilespmem:s28+$0x20]  }
0x235: {  	s29 =	sadd.s32 $0xA500, s24;
	s24 =	sadd.s32 $0xA100, s24;
	v50 =	vld [tilespmem:s28+$0x30]  }
0x236: {  	s30 =	sor.u32 $0x80, s21;
	v58 =	vld [tilespmem:s28+$0x40];
	s28 =	sadd.s32 s21, s29;
	s21 =	sadd.s32 s21, s24  }
0x237: {  	s23 =	sadd.s32 s30, s29;
	[tilespmem:$0x1FDA0] =	vst v0;
	v0 =	vld [tilespmem:s21+$0x60]  }
0x238: {  	s25 =	sadd.s32 s30, s25;
	v4 =	vld [tilespmem:s23+$0x20]  }
0x239: {  	v5 =	vld [tilespmem:s25+$0x0]  }
0x23a: {  	v62 =	vld [tilespmem:s25+$0x10]  }
0x23b: {  	v61 =	vld [tilespmem:s25+$0x20]  }
0x23c: {  	[tilespmem:$0x1FDB0] =	vst v0;
	v0 =	vld [tilespmem:s21+$0x70]  }
0x23d: {  	v60 =	vld [tilespmem:s25+$0x30]  }
0x23e: {  	v6 =	vld [tilespmem:s25+$0x40]  }
0x23f: {  	v21 =	vld [tilespmem:s25+$0x50]  }
0x240: {  	v17 =	vld [tilespmem:s25+$0x60]  }
0x241: {  	[tilespmem:$0x1FDC0] =	vst v0;
	v0 =	vld [tilespmem:s28+$0x0]  }
0x242: {  	v15 =	vld [tilespmem:s25+$0x70]  }
0x243: {  	v63 =	vld [tilespmem:s28+$0x20]  }
0x244: {  	s24 =	sadd.s32 s30, s24;
	v12 =	vld [tilespmem:s21+$0x0]  }
0x245: {  	v13 =	vld [tilespmem:s24+$0x0]  }
0x246: {  	[tilespmem:$0x1FDD0] =	vst v0;
	v0 =	vld [tilespmem:s23+$0x0]  }
0x247: {  	v8 =	vld [tilespmem:s21+$0x10]  }
0x248: {  	v10 =	vld [tilespmem:s24+$0x10]  }
0x249: {  	v47 =	vld [tilespmem:s21+$0x20]  }
0x24a: {  	v9 =	vld [tilespmem:s24+$0x20]  }
0x24b: {  	[tilespmem:$0x1FDE0] =	vst v0;
	v0 =	vld [tilespmem:s28+$0x10]  }
0x24c: {  	v51 =	vld [tilespmem:s21+$0x30]  }
0x24d: {  	v48 =	vld [tilespmem:s24+$0x30]  }
0x24e: {  	v54 =	vld [tilespmem:s21+$0x40]  }
0x24f: {  	v49 =	vld [tilespmem:s24+$0x40]  }
0x250: {  	[tilespmem:$0x1FDF0] =	vst v0;
	v0 =	vld [tilespmem:s23+$0x10]  }
0x251: {  	v59 =	vld [tilespmem:s21+$0x50]  }
0x252: {  	v52 =	vld [tilespmem:s24+$0x50]  }
0x253: {  	s31 =	simm.s32 $0x80;
	s29 =	sadd.s32 s4, s20;
	s20 =	simm.s32 $0x0;
	v56 =	vld [tilespmem:s24+$0x60]  }
0x254: {  	v57 =	vld [tilespmem:s24+$0x70];
	[tilespmem:s31], [sflag:$0x3] =	stream.linear.gather [hbm4b:s29+s20], $0x60, $0x38  }
0x255: {  	[tilespmem:$0x1FE00] =	vst v0  }
0x256: {  	_ =	swait.ge [sflag:s11], $0x60  }
0x257: {  	[sflag:s11] =	ssyncset.done $0x0  }
0x258: {  	[sflag:s11] =	ssyncadd.s32 $0xFFFFFFA0  }
0x259: {  	v0 =	vld [tilespmem:$0x80];
	_ =	sdelay $0x3  }
0x25a: {  	v2 =	vld [tilespmem:$0x1FFD0]  }
0x25b: {  	v53 =	vshrl.u32 v0, $0x3  }
0x25c: {  	v1 =	vld [tilespmem:$0x1FFE0];
	v53 =	vmul.u32 $0x18, v53  }
0x25d: {  	v0 =	vand.u32 $0x7, v0  }
0x25e: {  	v3 =	vld [tilespmem:$0x1FFF0];
	v0 =	vor.u32 v0, v53  }
0x25f: {  	v53 =	vperm.xlane v0, v2;
	_ =	sdelay $0x1  }
0x260: {  	v53 =	vadd.s32 v1, v53;
	_ =	sdelay $0x1  }
0x261: {  	v0 =	vperm.xlane v0, v3;
	_ =	sdelay $0x1  }
0x262: {  	s30 =	simm.s32 $0x9D00;
	v0 =	vadd.s32 v1, v0  }
0x263: {  	[tilespmem:s30], [sflag:$0x2] =	stream.indirect_vreg.gather [hbm4b:s5+s20], $0x80, v53, vm0, $0xb8;
	[tilespmem:$0x12E80] =	vst v63  }
0x264: {  	s22 =	simm.s32 $0xA500  }
0x265: {  	[tilespmem:s22], [sflag:$0x2] =	stream.indirect_vreg.gather [hbm4b:s9+s20], $0x80, v53, vm1, $0xb8;
	[tilespmem:$0x12E80] =	vst v63  }
0x266: {  	s23 =	simm.s32 $0xA900  }
0x267: {  	[tilespmem:s23], [sflag:$0x2] =	stream.indirect_vreg.gather [hbm4b:s5+s20], $0x80, v0, vm0, $0xb8;
	[tilespmem:$0x12E80] =	vst v63  }
0x268: {  	s24 =	simm.s32 $0xB100  }
0x269: {  	[tilespmem:s24], [sflag:$0x2] =	stream.indirect_vreg.gather [hbm4b:s9+s20], $0x80, v0, vm1, $0xb8;
	[tilespmem:$0x12E80] =	vst v63  }
0x26a: {  	v0 =	vld [tilespmem:$0x90];
	_ =	sdelay $0x4  }
0x26b: {  	v53 =	vshrl.u32 v0, $0x3  }
0x26c: {  	v53 =	vmul.u32 $0x18, v53  }
0x26d: {  	v0 =	vand.u32 $0x7, v0  }
0x26e: {  	v0 =	vor.u32 v0, v53  }
0x26f: {  	v53 =	vperm.xlane v0, v2;
	_ =	sdelay $0x1  }
0x270: {  	v53 =	vadd.s32 v1, v53;
	_ =	sdelay $0x1  }
0x271: {  	v0 =	vperm.xlane v0, v3;
	_ =	sdelay $0x1  }
0x272: {  	s25 =	simm.s32 $0xB500;
	v0 =	vadd.s32 v1, v0  }
0x273: {  	[tilespmem:s25], [sflag:$0x2] =	stream.indirect_vreg.gather [hbm4b:s5+s20], $0x80, v53, vm0, $0xb8;
	[tilespmem:$0x12E80] =	vst v63  }
0x274: {  	s26 =	simm.s32 $0xBD00  }
0x275: {  	[tilespmem:s26], [sflag:$0x2] =	stream.indirect_vreg.gather [hbm4b:s9+s20], $0x80, v53, vm1, $0xb8;
	[tilespmem:$0x12E80] =	vst v63  }
0x276: {  	s28 =	simm.s32 $0xC100  }
0x277: {  	[tilespmem:s28], [sflag:$0x2] =	stream.indirect_vreg.gather [hbm4b:s5+s20], $0x80, v0, vm0, $0xb8;
	[tilespmem:$0x12E80] =	vst v63  }
0x278: {  	s29 =	simm.s32 $0xC900  }
0x279: {  	[tilespmem:s29], [sflag:$0x2] =	stream.indirect_vreg.gather [hbm4b:s9+s20], $0x80, v0, vm1, $0xb8;
	[tilespmem:$0x12E80] =	vst v63  }
0x27a: {  	v0 =	vld [tilespmem:$0xA0];
	_ =	sdelay $0x4  }
0x27b: {  	v53 =	vshrl.u32 v0, $0x3  }
0x27c: {  	v53 =	vmul.u32 $0x18, v53  }
0x27d: {  	v0 =	vand.u32 $0x7, v0  }
0x27e: {  	v0 =	vor.u32 v0, v53  }
0x27f: {  	v53 =	vperm.xlane v0, v2;
	_ =	sdelay $0x1  }
0x280: {  	v53 =	vadd.s32 v1, v53;
	_ =	sdelay $0x1  }
0x281: {  	v0 =	vperm.xlane v0, v3;
	_ =	sdelay $0x1  }
0x282: {  	s30 =	simm.s32 $0xCD00;
	v0 =	vadd.s32 v1, v0  }
0x283: {  	[tilespmem:s30], [sflag:$0x2] =	stream.indirect_vreg.gather [hbm4b:s5+s20], $0x80, v53, vm0, $0xb8;
	[tilespmem:$0x12E80] =	vst v63  }
0x284: {  	s22 =	simm.s32 $0xD500  }
0x285: {  	[tilespmem:s22], [sflag:$0x2] =	stream.indirect_vreg.gather [hbm4b:s9+s20], $0x80, v53, vm1, $0xb8;
	[tilespmem:$0x12E80] =	vst v63  }
0x286: {  	s23 =	simm.s32 $0xD900  }
0x287: {  	[tilespmem:s23], [sflag:$0x2] =	stream.indirect_vreg.gather [hbm4b:s5+s20], $0x80, v0, vm0, $0xb8;
	[tilespmem:$0x12E80] =	vst v63  }
0x288: {  	s24 =	simm.s32 $0xE100  }
0x289: {  	[tilespmem:s24], [sflag:$0x2] =	stream.indirect_vreg.gather [hbm4b:s9+s20], $0x80, v0, vm1, $0xb8;
	[tilespmem:$0x12E80] =	vst v63  }
0x28a: {  	v0 =	vld [tilespmem:$0xB0];
	_ =	sdelay $0x4  }
0x28b: {  	v53 =	vshrl.u32 v0, $0x3  }
0x28c: {  	v53 =	vmul.u32 $0x18, v53  }
0x28d: {  	v0 =	vand.u32 $0x7, v0  }
0x28e: {  	v0 =	vor.u32 v0, v53  }
0x28f: {  	v53 =	vperm.xlane v0, v2;
	_ =	sdelay $0x1  }
0x290: {  	v53 =	vadd.s32 v1, v53;
	_ =	sdelay $0x1  }
0x291: {  	v0 =	vperm.xlane v0, v3;
	_ =	sdelay $0x1  }
0x292: {  	s25 =	simm.s32 $0xE500;
	v0 =	vadd.s32 v1, v0  }
0x293: {  	[tilespmem:s25], [sflag:$0x2] =	stream.indirect_vreg.gather [hbm4b:s5+s20], $0x80, v53, vm0, $0xb8;
	[tilespmem:$0x12E80] =	vst v63  }
0x294: {  	s26 =	simm.s32 $0xED00  }
0x295: {  	[tilespmem:s26], [sflag:$0x2] =	stream.indirect_vreg.gather [hbm4b:s9+s20], $0x80, v53, vm1, $0xb8;
	[tilespmem:$0x12E80] =	vst v63  }
0x296: {  	s28 =	simm.s32 $0xF100  }
0x297: {  	[tilespmem:s28], [sflag:$0x2] =	stream.indirect_vreg.gather [hbm4b:s5+s20], $0x80, v0, vm0, $0xb8;
	[tilespmem:$0x12E80] =	vst v63  }
0x298: {  	_ = 	snop  }
0x299: {  	[tilespmem:s0], [sflag:$0x2] =	stream.indirect_vreg.gather [hbm4b:s9+s20], $0x80, v0, vm1, $0xb8;
	[tilespmem:$0x12E80] =	vst v63  }
0x29a: {  	v0 =	vld [tilespmem:$0xC0];
	_ =	sdelay $0x4  }
0x29b: {  	v53 =	vshrl.u32 v0, $0x3  }
0x29c: {  	v53 =	vmul.u32 $0x18, v53  }
0x29d: {  	v0 =	vand.u32 $0x7, v0  }
0x29e: {  	v0 =	vor.u32 v0, v53  }
0x29f: {  	v53 =	vperm.xlane v0, v2;
	_ =	sdelay $0x1  }
0x2a0: {  	v53 =	vadd.s32 v1, v53;
	_ =	sdelay $0x1  }
0x2a1: {  	v0 =	vperm.xlane v0, v3;
	_ =	sdelay $0x1  }
0x2a2: {  	v0 =	vadd.s32 v1, v0  }
0x2a3: {  	[tilespmem:s1], [sflag:$0x2] =	stream.indirect_vreg.gather [hbm4b:s5+s20], $0x80, v53, vm0, $0xb8;
	[tilespmem:$0x12E80] =	vst v63  }
0x2a4: {  	_ = 	snop  }
0x2a5: {  	[tilespmem:s8], [sflag:$0x2] =	stream.indirect_vreg.gather [hbm4b:s9+s20], $0x80, v53, vm1, $0xb8;
	[tilespmem:$0x12E80] =	vst v63  }
0x2a6: {  	_ = 	snop  }
0x2a7: {  	[tilespmem:s10], [sflag:$0x2] =	stream.indirect_vreg.gather [hbm4b:s5+s20], $0x80, v0, vm0, $0xb8;
	[tilespmem:$0x12E80] =	vst v63  }
0x2a8: {  	_ = 	snop  }
0x2a9: {  	[tilespmem:s12], [sflag:$0x2] =	stream.indirect_vreg.gather [hbm4b:s9+s20], $0x80, v0, vm1, $0xb8;
	[tilespmem:$0x12E80] =	vst v63  }
0x2aa: {  	v0 =	vld [tilespmem:$0xD0];
	_ =	sdelay $0x4  }
0x2ab: {  	v53 =	vshrl.u32 v0, $0x3  }
0x2ac: {  	v53 =	vmul.u32 $0x18, v53  }
0x2ad: {  	v0 =	vand.u32 $0x7, v0  }
0x2ae: {  	v0 =	vor.u32 v0, v53  }
0x2af: {  	v53 =	vperm.xlane v0, v2;
	_ =	sdelay $0x1  }
0x2b0: {  	v53 =	vadd.s32 v1, v53;
	_ =	sdelay $0x1  }
0x2b1: {  	v0 =	vperm.xlane v0, v3;
	_ =	sdelay $0x1  }
0x2b2: {  	v0 =	vadd.s32 v1, v0  }
0x2b3: {  	[tilespmem:s13], [sflag:$0x2] =	stream.indirect_vreg.gather [hbm4b:s5+s20], $0x80, v53, vm0, $0xb8;
	[tilespmem:$0x12E80] =	vst v63  }
0x2b4: {  	_ = 	snop  }
0x2b5: {  	[tilespmem:s14], [sflag:$0x2] =	stream.indirect_vreg.gather [hbm4b:s9+s20], $0x80, v53, vm1, $0xb8;
	[tilespmem:$0x12E80] =	vst v63  }
0x2b6: {  	_ = 	snop  }
0x2b7: {  	v2 =	vadd.f32 v4, v63;
	[tilespmem:s6], [sflag:$0x2] =	stream.indirect_vreg.gather [hbm4b:s5+s20], $0x80, v0, vm0, $0xb8;
	[tilespmem:$0x12E80] =	vst v63  }
0x2b8: {  	_ = 	snop  }
0x2b9: {  	v3 =	vadd.f32 v5, v14;
	v1 =	vadd.f32 v2, v22;
	[tilespmem:s7], [sflag:$0x2] =	stream.indirect_vreg.gather [hbm4b:s9+s20], $0x80, v0, vm1, $0xb8;
	[tilespmem:$0x12E80] =	vst v63  }
0x2ba: {  	_ =	swait.ge [sflag:s15], $0x9C00  }
0x2bb: {  	v2 =	vadd.f32 v62, v11;
	[tilespmem:$0x1FD10] =	vst v1;
	v1 =	vadd.f32 v3, v25;
	_ =	sdelay $0x1  }
0x2bc: {  	v3 =	vadd.f32 v61, v7;
	[tilespmem:$0x1FD20] =	vst v1;
	v1 =	vadd.f32 v2, v23;
	_ =	sdelay $0x1  }
0x2bd: {  	v2 =	vadd.f32 v60, v50;
	[tilespmem:$0x1FD30] =	vst v1;
	v1 =	vadd.f32 v3, v24;
	_ =	sdelay $0x1  }
0x2be: {  	[tilespmem:$0x1FD40] =	vst v1;
	v1 =	vadd.f32 v2, v26;
	_ =	sdelay $0x1  }
0x2bf: {  	[tilespmem:$0x1FD50] =	vst v1;
	v1 =	vld [tilespmem:$0x1FD60];
	_ =	sdelay $0x2  }
0x2c0: {  	v3 =	vadd.f32 v6, v58  }
0x2c1: {  	s29 =	simm.s32 $0x0  }
0x2c2: {  	s21 =	smul.u32 $0x3000, s29;
	v2 =	vadd.f32 v21, v1;
	v1 =	vadd.f32 v3, v27;
	_ =	sdelay $0x1  }
0x2c3: {  	s24 =	sshra.s32 s21, $0x2;
	[tilespmem:$0x1FD70] =	vst v1;
	v1 =	vld [tilespmem:$0x1FD80]  }
0x2c4: {  	s23 =	sand.u32 $0x300, s20;
	s30 =	sor.u32 $0x100, s24;
	[sflag:s15] =	ssyncset.done $0x0  }
0x2c5: {  	s26 =	sadd.s32 s23, s30;
	[sflag:s15] =	ssyncadd.s32 $0xFFFF6400  }
0x2c6: {  	v18 =	vadd.f32 v20, v18;
	v20 =	vld [tilespmem:s26+$0x0]  }
0x2c7: {  	v14 =	vld [tilespmem:s26+$0x10]  }
0x2c8: {  	v62 =	vld [tilespmem:s26+$0x20];
	v3 =	vadd.f32 v17, v1;
	v1 =	vadd.f32 v2, v28  }
0x2c9: {  	v7 =	vld [tilespmem:s26+$0x30]  }
0x2ca: {  	[tilespmem:$0x1FD90] =	vst v1;
	v1 =	vld [tilespmem:$0x1FDA0]  }
0x2cb: {  	v42 =	vadd.f32 v44, v42;
	v63 =	vld [tilespmem:s26+$0x40]  }
0x2cc: {  	v43 =	vadd.f32 v46, v43;
	s28 =	sadd.s32 $0x900, s24;
	v4 =	vld [tilespmem:s26+$0x50]  }
0x2cd: {  	v35 =	vadd.f32 v55, v35;
	v39 =	vadd.f32 v42, v39;
	s29 =	sor.u32 $0x80, s23;
	s21 =	sadd.s32 s23, s28;
	v25 =	vld [tilespmem:s26+$0x60]  }
0x2ce: {  	v16 =	vadd.f32 v19, v16;
	s22 =	sadd.s32 s29, s28;
	v53 =	vadd.f32 v45, v41;
	v45 =	vld [tilespmem:s21+$0x20]  }
0x2cf: {  	s25 =	sadd.s32 s29, s30;
	v0 =	vadd.f32 v43, v40;
	v46 =	vld [tilespmem:s22+$0x20];
	v2 =	vadd.f32 v15, v1  }
0x2d0: {  	v5 =	vld [tilespmem:s25+$0x10];
	v29 =	vadd.f32 v3, v29;
	v3 =	vadd.f32 v13, v12  }
0x2d1: {  	s24 =	sadd.s32 $0x500, s24;
	v1 =	vld [tilespmem:$0x1FDB0];
	v30 =	vadd.f32 v2, v30;
	v2 =	vadd.f32 v10, v8  }
0x2d2: {  	s23 =	sadd.s32 s23, s24;
	v50 =	vld [tilespmem:s25+$0x50];
	v31 =	vadd.f32 v3, v31;
	v3 =	vadd.f32 v9, v47  }
0x2d3: {  	v60 =	vld [tilespmem:s23+$0x20];
	v32 =	vadd.f32 v2, v32;
	v2 =	vadd.f32 v48, v51  }
0x2d4: {  	v6 =	vld [tilespmem:s25+$0x20];
	v33 =	vadd.f32 v3, v33;
	v3 =	vadd.f32 v49, v54  }
0x2d5: {  	v58 =	vld [tilespmem:s23+$0x0];
	v34 =	vadd.f32 v2, v34;
	v2 =	vadd.f32 v52, v59  }
0x2d6: {  	v35 =	vadd.f32 v3, v35;
	v3 =	vadd.f32 v56, v1;
	v1 =	vld [tilespmem:$0x1FDD0]  }
0x2d7: {  	v18 =	vadd.f32 v18, v36;
	v36 =	vadd.f32 v2, v0;
	v0 =	vld [tilespmem:$0x1FDC0]  }
0x2d8: {  	v16 =	vadd.f32 v16, v37;
	v37 =	vadd.f32 v3, v39;
	v3 =	vld [tilespmem:$0x1FDE0]  }
0x2d9: {  	v26 =	vld [tilespmem:s26+$0x70]  }
0x2da: {  	s24 =	sadd.s32 s29, s24;
	v48 =	vld [tilespmem:s25+$0x30]  }
0x2db: {  	v6 =	vadd.f32 v6, v62;
	v62 =	vld [tilespmem:s24+$0x40]  }
0x2dc: {  	v55 =	vadd.f32 v53, v38;
	v49 =	vld [tilespmem:s25+$0x40];
	v0 =	vadd.f32 v57, v0  }
0x2dd: {  	v3 =	vadd.f32 v3, v1;
	v1 =	vld [tilespmem:$0x1FE00]  }
0x2de: {  	v38 =	vadd.f32 v0, v55;
	v0 =	vld [tilespmem:$0x1FDF0]  }
0x2df: {  	v8 =	vld [tilespmem:s25+$0x0];
	v7 =	vadd.f32 v48, v7  }
0x2e0: {  	v54 =	vimm.f32 $0.0e+00;
	v59 =	vld [tilespmem:s24+$0x0]  }
0x2e1: {  	v4 =	vadd.f32 v50, v4;
	v2 =	vld [tilespmem:s25+$0x60];
	v44 =	vadd.f32 v7, v54  }
0x2e2: {  	v7 =	vld [tilespmem:s24+$0x30];
	v39 =	vadd.f32 v3, v16;
	v3 =	vadd.f32 v46, v45  }
0x2e3: {  	v43 =	vadd.f32 v6, v54;
	v57 =	vld [tilespmem:s25+$0x70];
	v0 =	vadd.f32 v1, v0  }
0x2e4: {  	v46 =	vadd.f32 v3, v54;
	v3 =	vadd.f32 v5, v14;
	v5 =	vld [tilespmem:s24+$0x10]  }
0x2e5: {  	v40 =	vadd.f32 v0, v18;
	v0 =	vadd.f32 v8, v20;
	v8 =	vld [tilespmem:s23+$0x10]  }
0x2e6: {  	v6 =	vadd.f32 v49, v63;
	v53 =	vadd.f32 v3, v54;
	v3 =	vld [tilespmem:s23+$0x30]  }
0x2e7: {  	v63 =	vadd.f32 v59, v58;
	v52 =	vadd.f32 v0, v54;
	v0 =	vld [tilespmem:s24+$0x20]  }
0x2e8: {  	v48 =	vadd.f32 v6, v54;
	v6 =	vld [tilespmem:s23+$0x40];
	v2 =	vadd.f32 v2, v25  }
0x2e9: {  	v49 =	vadd.f32 v4, v54;
	v4 =	vld [tilespmem:s24+$0x50];
	v50 =	vadd.f32 v63, v54  }
0x2ea: {  	v56 =	vimm.f32 $0.0e+00;
	v41 =	vadd.f32 v2, v54;
	v2 =	vld [tilespmem:s23+$0x50];
	v5 =	vadd.f32 v5, v8  }
0x2eb: {  	v58 =	vimm.f32 $0.0e+00;
	v61 =	vadd.f32 v57, v26;
	v7 =	vadd.f32 v7, v3;
	v3 =	vld [tilespmem:s23+$0x60]  }
0x2ec: {  	v59 =	vimm.f32 $0.0e+00;
	v0 =	vadd.f32 v0, v60;
	v51 =	vadd.f32 v5, v54;
	v5 =	vld [tilespmem:s24+$0x60]  }
0x2ed: {  	s30 =	simm.s32 $0x0;
	v55 =	vimm.f32 $0.0e+00;
	v47 =	vadd.f32 v7, v54;
	v7 =	vadd.f32 v62, v6;
	v6 =	vld [tilespmem:s24+$0x70]  }
0x2ee: {  	s25 =	smul.u32 $0x3000, s30;
	v57 =	vimm.f32 $0.0e+00;
	v42 =	vadd.f32 v61, v54;
	v45 =	vadd.f32 v0, v54;
	v0 =	vld [tilespmem:s23+$0x70];
	s23 =	simm.s32 $0x2  }
.LBB2_7:
0x2ef: {  	p0 =	sne.s32 s23, $0x33;
	v54 =	vadd.f32 v7, v54;
	v2 =	vadd.f32 v4, v2;
	v4 =	vld [tilespmem:s21+$0x0]  }
0x2f0: {  	s20 =	sadd.s32 $0x100, s20;
	s24 =	sshra.s32 s25, $0x2;
	v7 =	vld [tilespmem:s22+$0x0]  }
0x2f1: {  	s25 =	sand.u32 $0x300, s20;
	s26 =	sor.u32 $0x100, s24;
	s28 =	sadd.s32 $0x900, s24;
	v56 =	vadd.f32 v2, v56;
	v2 =	vadd.f32 v5, v3;
	v3 =	vld [tilespmem:s21+$0x10]  }
0x2f2: {  	s29 =	sor.u32 $0x80, s25;
	s24 =	sadd.s32 $0x500, s24;
	s21 =	sadd.s32 s25, s28;
	v5 =	vld [tilespmem:s22+$0x10]  }
0x2f3: {  	s30 =	sadd.s32 s25, s26;
	s26 =	sadd.s32 s29, s26;
	s22 =	sadd.s32 s29, s28;
	v8 =	vld [tilespmem:s21+$0x20];
	v57 =	vadd.f32 v2, v57;
	v0 =	vadd.f32 v6, v0  }
0x2f4: {  	s25 =	sadd.s32 s25, s24;
	s24 =	sadd.s32 s29, s24;
	v2 =	vld [tilespmem:s22+$0x20]  }
0x2f5: {  	v6 =	vld [tilespmem:s30+$0x0];
	v58 =	vadd.f32 v0, v58;
	v0 =	vadd.f32 v7, v4  }
0x2f6: {  	v4 =	vld [tilespmem:s26+$0x0]  }
0x2f7: {  	v7 =	vld [tilespmem:s30+$0x10];
	v59 =	vadd.f32 v0, v59;
	v0 =	vadd.f32 v5, v3  }
0x2f8: {  	v3 =	vld [tilespmem:s26+$0x10]  }
0x2f9: {  	v5 =	vld [tilespmem:s30+$0x20];
	v2 =	vadd.f32 v2, v8;
	v55 =	vadd.f32 v0, v55  }
0x2fa: {  	v0 =	vld [tilespmem:s26+$0x20]  }
0x2fb: {  	v4 =	vadd.f32 v4, v6;
	v6 =	vld [tilespmem:s30+$0x30];
	v46 =	vadd.f32 v2, v46  }
0x2fc: {  	v2 =	vld [tilespmem:s26+$0x30]  }
0x2fd: {  	v52 =	vadd.f32 v4, v52;
	v3 =	vadd.f32 v3, v7;
	v4 =	vld [tilespmem:s30+$0x40]  }
0x2fe: {  	v7 =	vld [tilespmem:s26+$0x40]  }
0x2ff: {  	v53 =	vadd.f32 v3, v53;
	v0 =	vadd.f32 v0, v5;
	v3 =	vld [tilespmem:s30+$0x50]  }
0x300: {  	v5 =	vld [tilespmem:s26+$0x50]  }
0x301: {  	v43 =	vadd.f32 v0, v43;
	v0 =	vadd.f32 v2, v6;
	v2 =	vld [tilespmem:s30+$0x60]  }
0x302: {  	v6 =	vld [tilespmem:s26+$0x60]  }
0x303: {  	v44 =	vadd.f32 v0, v44;
	v0 =	vadd.f32 v7, v4;
	v4 =	vld [tilespmem:s30+$0x70]  }
0x304: {  	v7 =	vld [tilespmem:s26+$0x70]  }
0x305: {  	v48 =	vadd.f32 v0, v48;
	v0 =	vadd.f32 v5, v3;
	v3 =	vld [tilespmem:s25+$0x0]  }
0x306: {  	v5 =	vld [tilespmem:s24+$0x0]  }
0x307: {  	v49 =	vadd.f32 v0, v49;
	v0 =	vadd.f32 v6, v2;
	v2 =	vld [tilespmem:s25+$0x10]  }
0x308: {  	v6 =	vld [tilespmem:s24+$0x10]  }
0x309: {  	v41 =	vadd.f32 v0, v41;
	v0 =	vadd.f32 v7, v4;
	v4 =	vld [tilespmem:s25+$0x20]  }
0x30a: {  	v7 =	vld [tilespmem:s24+$0x20]  }
0x30b: {  	v42 =	vadd.f32 v0, v42;
	v0 =	vadd.f32 v5, v3;
	v3 =	vld [tilespmem:s25+$0x30]  }
0x30c: {  	v5 =	vld [tilespmem:s24+$0x30]  }
0x30d: {  	v50 =	vadd.f32 v0, v50;
	v0 =	vadd.f32 v6, v2;
	v6 =	vld [tilespmem:s25+$0x40]  }
0x30e: {  	v8 =	vld [tilespmem:s24+$0x40]  }
0x30f: {  	v51 =	vadd.f32 v0, v51;
	v0 =	vadd.f32 v7, v4;
	v2 =	vld [tilespmem:s25+$0x50]  }
.Ltmp2:
0x310: {  	v4 =	vld [tilespmem:s24+$0x50];
	(pc) =	sbr.rel @p0 .LBB2_7-.Ltmp2, $4  }
0x311: {  	v45 =	vadd.f32 v0, v45;
	v0 =	vadd.f32 v5, v3;
	v3 =	vld [tilespmem:s25+$0x60]  }
0x312: {  	v5 =	vld [tilespmem:s24+$0x60]  }
0x313: {  	s26 =	sshrl.u32 s23, $0x2;
	v47 =	vadd.f32 v0, v47;
	v7 =	vadd.f32 v8, v6;
	v0 =	vld [tilespmem:s25+$0x70]  }
0x314: {  	s23 =	sadd.s32 $0x1, s23;
	s25 =	smul.u32 $0x3000, s26;
	v6 =	vld [tilespmem:s24+$0x70]  }
0x315: {  	v8 =	vld [tilespmem:s21+$0x0]  }
0x316: {  	v9 =	vld [tilespmem:s22+$0x0];
	s20 =	sadd.s32 $0x100, s20;
	s23 =	sshra.s32 s25, $0x2  }
0x317: {  	v10 =	vld [tilespmem:s21+$0x10];
	s24 =	sand.u32 $0x300, s20;
	s25 =	sadd.s32 $0x900, s23  }
0x318: {  	v11 =	vld [tilespmem:s22+$0x10];
	s26 =	sor.u32 $0x80, s24;
	s20 =	sadd.s32 s24, s25  }
0x319: {  	s21 =	sor.u32 $0x100, s23;
	s28 =	sadd.s32 s26, s25;
	v12 =	vld [tilespmem:s20+$0x20]  }
0x31a: {  	s29 =	sadd.s32 s24, s21;
	v13 =	vld [tilespmem:s28+$0x20]  }
0x31b: {  	s22 =	sadd.s32 s26, s21;
	v14 =	vld [tilespmem:s29+$0x0]  }
0x31c: {  	v15 =	vld [tilespmem:s22+$0x0]  }
0x31d: {  	v16 =	vld [tilespmem:s29+$0x10]  }
0x31e: {  	v17 =	vld [tilespmem:s22+$0x10]  }
0x31f: {  	v18 =	vld [tilespmem:s29+$0x20]  }
0x320: {  	v19 =	vld [tilespmem:s22+$0x20]  }
0x321: {  	v20 =	vld [tilespmem:s29+$0x30]  }
0x322: {  	v21 =	vld [tilespmem:s22+$0x30]  }
0x323: {  	v60 =	vld [tilespmem:s29+$0x40]  }
0x324: {  	v61 =	vld [tilespmem:s22+$0x40]  }
0x325: {  	v62 =	vld [tilespmem:s29+$0x50]  }
0x326: {  	v63 =	vld [tilespmem:s22+$0x50]  }
0x327: {  	v22 =	vld [tilespmem:s29+$0x60]  }
0x328: {  	v23 =	vld [tilespmem:s22+$0x60]  }
0x329: {  	s23 =	sadd.s32 $0x500, s23;
	v24 =	vld [tilespmem:s29+$0x70]  }
0x32a: {  	s24 =	sadd.s32 s24, s23;
	v25 =	vld [tilespmem:s22+$0x70]  }
0x32b: {  	s30 =	sadd.s32 s26, s23;
	v26 =	vld [tilespmem:s24+$0x0]  }
0x32c: {  	v27 =	vld [tilespmem:s30+$0x0]  }
0x32d: {  	v2 =	vadd.f32 v4, v2;
	v28 =	vld [tilespmem:s24+$0x10]  }
0x32e: {  	v7 =	vadd.f32 v7, v54;
	v3 =	vadd.f32 v5, v3;
	v4 =	vld [tilespmem:s30+$0x10]  }
0x32f: {  	v2 =	vadd.f32 v2, v56;
	v0 =	vadd.f32 v6, v0;
	v6 =	vld [tilespmem:s24+$0x20]  }
0x330: {  	v56 =	vld [tilespmem:s24+$0x50];
	v54 =	vadd.f32 v9, v8;
	v10 =	vadd.f32 v11, v10  }
0x331: {  	v3 =	vadd.f32 v3, v57;
	v8 =	vld [tilespmem:s30+$0x20];
	v0 =	vadd.f32 v0, v58  }
0x332: {  	v9 =	vld [tilespmem:s24+$0x30];
	v5 =	vadd.f32 v54, v59;
	v10 =	vadd.f32 v10, v55  }
0x333: {  	v11 =	vld [tilespmem:s30+$0x40];
	v58 =	vadd.f32 v13, v12;
	v59 =	vadd.f32 v15, v14  }
0x334: {  	v12 =	vld [tilespmem:s30+$0x30];
	v1 =	vadd.f32 v17, v16;
	v57 =	vadd.f32 v19, v18  }
0x335: {  	v15 =	vld [tilespmem:s24+$0x40];
	v61 =	vadd.f32 v61, v60;
	v63 =	vadd.f32 v63, v62  }
0x336: {  	v16 =	vld [tilespmem:s24+$0x70];
	v60 =	vadd.f32 v23, v22;
	v62 =	vadd.f32 v27, v26  }
0x337: {  	v4 =	vadd.f32 v4, v28;
	v23 =	vld [tilespmem:s20+$0x0];
	v6 =	vadd.f32 v8, v6  }
0x338: {  	v26 =	vld [tilespmem:s28+$0x10];
	v46 =	vadd.f32 v58, v46;
	v54 =	vadd.f32 v59, v52  }
0x339: {  	v52 =	vadd.f32 v1, v53;
	v58 =	vadd.f32 v21, v20;
	v59 =	vld [tilespmem:s30+$0x50]  }
0x33a: {  	v20 =	vld [tilespmem:s24+$0x60];
	v53 =	vadd.f32 v57, v43;
	v48 =	vadd.f32 v61, v48  }
0x33b: {  	v1 =	vld [tilespmem:s30+$0x60];
	v61 =	vadd.f32 v25, v24;
	v50 =	vadd.f32 v62, v50  }
0x33c: {  	v21 =	vld [tilespmem:s30+$0x70];
	v43 =	vadd.f32 v58, v44;
	v44 =	vadd.f32 v63, v49  }
0x33d: {  	v24 =	vld [tilespmem:s20+$0x10];
	v49 =	vadd.f32 v60, v41;
	v41 =	vadd.f32 v61, v42  }
0x33e: {  	v63 =	vld [tilespmem:s28+$0x0];
	v42 =	vadd.f32 v4, v51;
	v25 =	vadd.f32 v12, v9  }
0x33f: {  	v58 =	vadd.f32 v6, v45;
	v11 =	vadd.f32 v11, v15  }
0x340: {  	p0 =	seq.s32 s17, $0x1F;
	v60 =	vadd.f32 v59, v56;
	v56 =	vadd.f32 v25, v47  }
.Ltmp3:
0x341: {  	v51 =	vadd.f32 v11, v7;
	v61 =	vadd.f32 v1, v20;
	(pc) =	sbr.rel @p0 .LBB2_10-.Ltmp3, $4  }
0x342: {  	v62 =	vadd.f32 v21, v16;
	v4 =	vadd.f32 v26, v24  }
0x343: {  	v45 =	vadd.f32 v60, v2;
	v63 =	vadd.f32 v63, v23  }
0x344: {  	v59 =	vadd.f32 v61, v3;
	v55 =	vadd.f32 v62, v0  }
0x345: {  	v47 =	vadd.f32 v4, v10;
	v57 =	vadd.f32 v63, v5  }
0x346: {  	s19 =	sadd.s32 $0xC8, s19  }
0x347: {  	s19 =	sshrl.u32 s19, $0x3  }
0x348: {  	s19 =	sadd.s32 s3, s19  }
0x349: {  	[tilespmem:s2], [sflag:$0x3] =	stream.linear.gather [hbm4b:s19+s2], $0x68, $0x38;
	[tilespmem:$0x12E80] =	vst v63  }
0x34a: {  	_ =	swait.ge [sflag:s11], $0x68  }
0x34b: {  	[sflag:s11] =	ssyncset.done $0x0  }
0x34c: {  	[sflag:s11] =	ssyncadd.s32 $0xFFFFFF98  }
0x34d: {  	v0 =	vld [tilespmem:$0x0];
	_ =	sdelay $0x3  }
0x34e: {  	v1 =	vld [tilespmem:$0x1FFD0]  }
0x34f: {  	v2 =	vshrl.u32 v0, $0x3  }
0x350: {  	v3 =	vld [tilespmem:$0x1FFE0];
	v2 =	vmul.u32 $0x18, v2  }
0x351: {  	v0 =	vand.u32 $0x7, v0  }
0x352: {  	v4 =	vld [tilespmem:$0x1FFF0];
	v0 =	vor.u32 v0, v2  }
0x353: {  	v2 =	vperm.xlane v0, v1;
	_ =	sdelay $0x1  }
0x354: {  	v2 =	vadd.s32 v3, v2;
	_ =	sdelay $0x1  }
0x355: {  	v0 =	vperm.xlane v0, v4;
	_ =	sdelay $0x1  }
0x356: {  	s24 =	simm.s32 $0x100;
	v0 =	vadd.s32 v3, v0  }
0x357: {  	[tilespmem:s24], [sflag:$0x1] =	stream.indirect_vreg.gather [hbm4b:s5+s2], $0x80, v2, vm0, $0xb8;
	[tilespmem:$0x12E80] =	vst v63  }
0x358: {  	s25 =	simm.s32 $0x900  }
0x359: {  	[tilespmem:s25], [sflag:$0x1] =	stream.indirect_vreg.gather [hbm4b:s9+s2], $0x80, v2, vm1, $0xb8;
	[tilespmem:$0x12E80] =	vst v63  }
0x35a: {  	s26 =	simm.s32 $0xD00  }
0x35b: {  	[tilespmem:s26], [sflag:$0x1] =	stream.indirect_vreg.gather [hbm4b:s5+s2], $0x80, v0, vm0, $0xb8;
	[tilespmem:$0x12E80] =	vst v63  }
0x35c: {  	s28 =	simm.s32 $0x1500  }
0x35d: {  	[tilespmem:s28], [sflag:$0x1] =	stream.indirect_vreg.gather [hbm4b:s9+s2], $0x80, v0, vm1, $0xb8;
	[tilespmem:$0x12E80] =	vst v63  }
0x35e: {  	v0 =	vld [tilespmem:$0x10];
	_ =	sdelay $0x4  }
0x35f: {  	v25 =	vshrl.u32 v0, $0x3  }
0x360: {  	v2 =	vmul.u32 $0x18, v25  }
0x361: {  	v0 =	vand.u32 $0x7, v0  }
0x362: {  	v0 =	vor.u32 v0, v2  }
0x363: {  	v2 =	vperm.xlane v0, v1;
	_ =	sdelay $0x1  }
0x364: {  	v2 =	vadd.s32 v3, v2;
	_ =	sdelay $0x1  }
0x365: {  	v0 =	vperm.xlane v0, v4;
	_ =	sdelay $0x1  }
0x366: {  	s29 =	simm.s32 $0x1900;
	v0 =	vadd.s32 v3, v0  }
0x367: {  	[tilespmem:s29], [sflag:$0x1] =	stream.indirect_vreg.gather [hbm4b:s5+s2], $0x80, v2, vm0, $0xb8;
	[tilespmem:$0x12E80] =	vst v63  }
0x368: {  	s30 =	simm.s32 $0x2100  }
0x369: {  	[tilespmem:s30], [sflag:$0x1] =	stream.indirect_vreg.gather [hbm4b:s9+s2], $0x80, v2, vm1, $0xb8;
	[tilespmem:$0x12E80] =	vst v63  }
0x36a: {  	s20 =	simm.s32 $0x2500  }
0x36b: {  	[tilespmem:s20], [sflag:$0x1] =	stream.indirect_vreg.gather [hbm4b:s5+s2], $0x80, v0, vm0, $0xb8;
	[tilespmem:$0x12E80] =	vst v63  }
0x36c: {  	s21 =	simm.s32 $0x2D00  }
0x36d: {  	[tilespmem:s21], [sflag:$0x1] =	stream.indirect_vreg.gather [hbm4b:s9+s2], $0x80, v0, vm1, $0xb8;
	[tilespmem:$0x12E80] =	vst v63  }
0x36e: {  	v0 =	vld [tilespmem:$0x20];
	_ =	sdelay $0x4  }
0x36f: {  	v26 =	vshrl.u32 v0, $0x3  }
0x370: {  	v2 =	vmul.u32 $0x18, v26  }
0x371: {  	v0 =	vand.u32 $0x7, v0  }
0x372: {  	v0 =	vor.u32 v0, v2  }
0x373: {  	v2 =	vperm.xlane v0, v1;
	_ =	sdelay $0x1  }
0x374: {  	v2 =	vadd.s32 v3, v2;
	_ =	sdelay $0x1  }
0x375: {  	v0 =	vperm.xlane v0, v4;
	_ =	sdelay $0x1  }
0x376: {  	s22 =	simm.s32 $0x3100;
	v0 =	vadd.s32 v3, v0  }
0x377: {  	[tilespmem:s22], [sflag:$0x1] =	stream.indirect_vreg.gather [hbm4b:s5+s2], $0x80, v2, vm0, $0xb8;
	[tilespmem:$0x12E80] =	vst v63  }
0x378: {  	s23 =	simm.s32 $0x3900  }
0x379: {  	[tilespmem:s23], [sflag:$0x1] =	stream.indirect_vreg.gather [hbm4b:s9+s2], $0x80, v2, vm1, $0xb8;
	[tilespmem:$0x12E80] =	vst v63  }
0x37a: {  	s24 =	simm.s32 $0x3D00  }
0x37b: {  	[tilespmem:s24], [sflag:$0x1] =	stream.indirect_vreg.gather [hbm4b:s5+s2], $0x80, v0, vm0, $0xb8;
	[tilespmem:$0x12E80] =	vst v63  }
0x37c: {  	s25 =	simm.s32 $0x4500  }
0x37d: {  	[tilespmem:s25], [sflag:$0x1] =	stream.indirect_vreg.gather [hbm4b:s9+s2], $0x80, v0, vm1, $0xb8;
	[tilespmem:$0x12E80] =	vst v63  }
0x37e: {  	v0 =	vld [tilespmem:$0x30];
	_ =	sdelay $0x4  }
0x37f: {  	v60 =	vshrl.u32 v0, $0x3  }
0x380: {  	v2 =	vmul.u32 $0x18, v60  }
0x381: {  	v0 =	vand.u32 $0x7, v0  }
0x382: {  	v0 =	vor.u32 v0, v2  }
0x383: {  	v2 =	vperm.xlane v0, v1;
	_ =	sdelay $0x1  }
0x384: {  	v2 =	vadd.s32 v3, v2;
	_ =	sdelay $0x1  }
0x385: {  	v0 =	vperm.xlane v0, v4;
	_ =	sdelay $0x1  }
0x386: {  	s26 =	simm.s32 $0x4900;
	v0 =	vadd.s32 v3, v0  }
0x387: {  	[tilespmem:s26], [sflag:$0x1] =	stream.indirect_vreg.gather [hbm4b:s5+s2], $0x80, v2, vm0, $0xb8;
	[tilespmem:$0x12E80] =	vst v63  }
0x388: {  	s28 =	simm.s32 $0x5100  }
0x389: {  	[tilespmem:s28], [sflag:$0x1] =	stream.indirect_vreg.gather [hbm4b:s9+s2], $0x80, v2, vm1, $0xb8;
	[tilespmem:$0x12E80] =	vst v63  }
0x38a: {  	s29 =	simm.s32 $0x5500  }
0x38b: {  	[tilespmem:s29], [sflag:$0x1] =	stream.indirect_vreg.gather [hbm4b:s5+s2], $0x80, v0, vm0, $0xb8;
	[tilespmem:$0x12E80] =	vst v63  }
0x38c: {  	s30 =	simm.s32 $0x5D00  }
0x38d: {  	[tilespmem:s30], [sflag:$0x1] =	stream.indirect_vreg.gather [hbm4b:s9+s2], $0x80, v0, vm1, $0xb8;
	[tilespmem:$0x12E80] =	vst v63  }
0x38e: {  	v0 =	vld [tilespmem:$0x40];
	_ =	sdelay $0x4  }
0x38f: {  	v61 =	vshrl.u32 v0, $0x3  }
0x390: {  	v2 =	vmul.u32 $0x18, v61  }
0x391: {  	v0 =	vand.u32 $0x7, v0  }
0x392: {  	v0 =	vor.u32 v0, v2  }
0x393: {  	v2 =	vperm.xlane v0, v1;
	_ =	sdelay $0x1  }
0x394: {  	v2 =	vadd.s32 v3, v2;
	_ =	sdelay $0x1  }
0x395: {  	v0 =	vperm.xlane v0, v4;
	_ =	sdelay $0x1  }
0x396: {  	s20 =	simm.s32 $0x6100;
	v0 =	vadd.s32 v3, v0  }
0x397: {  	[tilespmem:s20], [sflag:$0x1] =	stream.indirect_vreg.gather [hbm4b:s5+s2], $0x80, v2, vm0, $0xb8;
	[tilespmem:$0x12E80] =	vst v63  }
0x398: {  	s21 =	simm.s32 $0x6900  }
0x399: {  	[tilespmem:s21], [sflag:$0x1] =	stream.indirect_vreg.gather [hbm4b:s9+s2], $0x80, v2, vm1, $0xb8;
	[tilespmem:$0x12E80] =	vst v63  }
0x39a: {  	s22 =	simm.s32 $0x6D00  }
0x39b: {  	[tilespmem:s22], [sflag:$0x1] =	stream.indirect_vreg.gather [hbm4b:s5+s2], $0x80, v0, vm0, $0xb8;
	[tilespmem:$0x12E80] =	vst v63  }
0x39c: {  	s23 =	simm.s32 $0x7500  }
0x39d: {  	[tilespmem:s23], [sflag:$0x1] =	stream.indirect_vreg.gather [hbm4b:s9+s2], $0x80, v0, vm1, $0xb8;
	[tilespmem:$0x12E80] =	vst v63  }
0x39e: {  	v0 =	vld [tilespmem:$0x50];
	_ =	sdelay $0x4  }
0x39f: {  	v62 =	vshrl.u32 v0, $0x3  }
0x3a0: {  	v2 =	vmul.u32 $0x18, v62  }
0x3a1: {  	v0 =	vand.u32 $0x7, v0  }
0x3a2: {  	v0 =	vor.u32 v0, v2  }
0x3a3: {  	v2 =	vperm.xlane v0, v1;
	_ =	sdelay $0x1  }
0x3a4: {  	v2 =	vadd.s32 v3, v2;
	_ =	sdelay $0x1  }
0x3a5: {  	v0 =	vperm.xlane v0, v4;
	_ =	sdelay $0x1  }
0x3a6: {  	s24 =	simm.s32 $0x7900;
	v0 =	vadd.s32 v3, v0  }
0x3a7: {  	[tilespmem:s24], [sflag:$0x1] =	stream.indirect_vreg.gather [hbm4b:s5+s2], $0x80, v2, vm0, $0xb8;
	[tilespmem:$0x12E80] =	vst v63  }
0x3a8: {  	s25 =	simm.s32 $0x8100  }
0x3a9: {  	[tilespmem:s25], [sflag:$0x1] =	stream.indirect_vreg.gather [hbm4b:s9+s2], $0x80, v2, vm1, $0xb8;
	[tilespmem:$0x12E80] =	vst v63  }
0x3aa: {  	s26 =	simm.s32 $0x8500  }
0x3ab: {  	[tilespmem:s26], [sflag:$0x1] =	stream.indirect_vreg.gather [hbm4b:s5+s2], $0x80, v0, vm0, $0xb8;
	[tilespmem:$0x12E80] =	vst v63  }
0x3ac: {  	s28 =	simm.s32 $0x8D00  }
0x3ad: {  	[tilespmem:s28], [sflag:$0x1] =	stream.indirect_vreg.gather [hbm4b:s9+s2], $0x80, v0, vm1, $0xb8;
	[tilespmem:$0x12E80] =	vst v63  }
0x3ae: {  	v0 =	vld.msk [tilespmem:$0x60], $0xff;
	_ =	sdelay $0x4  }
0x3af: {  	v63 =	vshrl.u32 v0, $0x3  }
0x3b0: {  	v2 =	vmul.u32 $0x18, v63  }
0x3b1: {  	v0 =	vand.u32 $0x7, v0  }
0x3b2: {  	v0 =	vor.u32 v0, v2  }
0x3b3: {  	v0 =	vperm.xlane v0, v1;
	_ =	sdelay $0x1  }
0x3b4: {  	v0 =	vadd.s32 v3, v0;
	_ =	sdelay $0x3  }
0x3b5: {  	s29 =	simm.s32 $0x9100  }
0x3b6: {  	[tilespmem:s29], [sflag:$0x1] =	stream.indirect_vreg.gather [hbm4b:s5+s2], $0x80, v0, vm0, $0xb8;
	[tilespmem:$0x12E80] =	vst v63  }
0x3b7: {  	s30 =	simm.s32 $0x9900  }
0x3b8: {  	[tilespmem:s30], [sflag:$0x1] =	stream.indirect_vreg.gather [hbm4b:s9+s2], $0x80, v0, vm1, $0xb8;
	[tilespmem:$0x12E80] =	vst v63  }
.LBB2_10:
0x3b9: {  	v1 =	vld [tilespmem:$0x1FE30];
	_ =	sdelay $0x4  }
0x3ba: {  	v2 =	vadd.f32 $0.0e+00, v1;
	v1 =	vld [tilespmem:$0x1FE40];
	_ =	sdelay $0x4  }
0x3bb: {  	v3 =	vadd.f32 $0.0e+00, v1;
	v1 =	vld [tilespmem:$0x1FE50];
	_ =	sdelay $0x4  }
0x3bc: {  	v4 =	vadd.f32 $0.0e+00, v1;
	v1 =	vld [tilespmem:$0x1FE60];
	_ =	sdelay $0x4  }
0x3bd: {  	v5 =	vadd.f32 $0.0e+00, v1;
	v1 =	vld [tilespmem:$0x1FE70];
	_ =	sdelay $0x4  }
0x3be: {  	v6 =	vadd.f32 $0.0e+00, v1;
	v1 =	vld [tilespmem:$0x1FE80];
	_ =	sdelay $0x4  }
0x3bf: {  	v7 =	vadd.f32 $0.0e+00, v1;
	v1 =	vld [tilespmem:$0x1FE90];
	_ =	sdelay $0x4  }
0x3c0: {  	v8 =	vadd.f32 $0.0e+00, v1;
	v1 =	vld [tilespmem:$0x1FEA0];
	_ =	sdelay $0x4  }
0x3c1: {  	v9 =	vadd.f32 $0.0e+00, v1;
	v1 =	vld [tilespmem:$0x1FEB0];
	_ =	sdelay $0x4  }
0x3c2: {  	v10 =	vadd.f32 $0.0e+00, v1;
	v1 =	vld [tilespmem:$0x1FEC0];
	_ =	sdelay $0x4  }
0x3c3: {  	v11 =	vadd.f32 $0.0e+00, v1;
	v1 =	vld [tilespmem:$0x1FED0];
	_ =	sdelay $0x4  }
0x3c4: {  	v12 =	vadd.f32 $0.0e+00, v1;
	v1 =	vld [tilespmem:$0x1FEF0];
	_ =	sdelay $0x3  }
0x3c5: {  	v0 =	vld [tilespmem:$0x1FE20];
	_ =	swait.ge [sflag:s16], $0x9000  }
0x3c6: {  	v13 =	vadd.f32 $0.0e+00, v1;
	v1 =	vld [tilespmem:$0x1FF20];
	_ =	sdelay $0x4  }
0x3c7: {  	v14 =	vadd.f32 $0.0e+00, v1;
	v1 =	vld [tilespmem:$0x1FF50];
	_ =	sdelay $0x4  }
0x3c8: {  	v15 =	vadd.f32 $0.0e+00, v1;
	v1 =	vld [tilespmem:$0x1FF80];
	_ =	sdelay $0x4  }
0x3c9: {  	v16 =	vadd.f32 $0.0e+00, v1;
	v1 =	vld [tilespmem:$0x1FFB0];
	_ =	sdelay $0x4  }
0x3ca: {  	v17 =	vadd.f32 $0.0e+00, v1;
	v1 =	vld [tilespmem:$0x1FFC0];
	_ =	sdelay $0x4  }
0x3cb: {  	v18 =	vadd.f32 $0.0e+00, v1;
	v1 =	vld [tilespmem:$0x1FD20];
	_ =	sdelay $0x2  }
0x3cc: {  	v0 =	vadd.f32 $0.0e+00, v0;
	_ =	sdelay $0x1  }
0x3cd: {  	v0 =	vadd.f32 v1, v0;
	v1 =	vld [tilespmem:$0x1FE10];
	_ =	sdelay $0x4  }
0x3ce: {  	v19 =	vadd.f32 $0.0e+00, v1;
	v1 =	vld [tilespmem:$0x1FD30]  }
0x3cf: {  	s19 =	simm.s32 $0x0  }
0x3d0: {  	s20 =	smul.u32 $0x3000, s19;
	_ =	sdelay $0x1  }
0x3d1: {  	s19 =	simm.s32 $0x0;
	s22 =	sshra.s32 s20, $0x2  }
0x3d2: {  	s23 =	sand.u32 $0x300, s19;
	s21 =	sadd.s32 $0xA500, s22;
	[sflag:s16] =	ssyncset.done $0x0;
	v2 =	vadd.f32 v1, v2;
	v1 =	vld [tilespmem:$0x1FD40]  }
0x3d3: {  	s24 =	sor.u32 $0x80, s23;
	s20 =	sadd.s32 s23, s21;
	[sflag:s16] =	ssyncadd.s32 $0xFFFF7000  }
0x3d4: {  	s25 =	sadd.s32 $0x9D00, s22;
	s21 =	sadd.s32 s24, s21;
	v23 =	vld [tilespmem:s20+$0x20]  }
0x3d5: {  	s26 =	sadd.s32 s23, s25;
	v24 =	vld [tilespmem:s21+$0x20]  }
0x3d6: {  	v25 =	vld [tilespmem:s26+$0x0]  }
0x3d7: {  	s25 =	sadd.s32 s24, s25;
	v3 =	vadd.f32 v1, v3;
	v1 =	vld [tilespmem:$0x1FD50]  }
0x3d8: {  	v26 =	vld [tilespmem:s25+$0x0]  }
0x3d9: {  	v27 =	vld [tilespmem:s26+$0x10]  }
0x3da: {  	v7 =	vadd.f32 v29, v7;
	v28 =	vld [tilespmem:s25+$0x10]  }
0x3db: {  	v8 =	vadd.f32 v30, v8;
	v10 =	vadd.f32 v32, v10;
	v30 =	vld [tilespmem:s26+$0x20]  }
0x3dc: {  	v11 =	vadd.f32 v33, v11;
	v4 =	vadd.f32 v1, v4;
	v1 =	vld [tilespmem:$0x1FD70]  }
0x3dd: {  	s22 =	sadd.s32 $0xA100, s22;
	v9 =	vadd.f32 v31, v9;
	v29 =	vadd.f32 v34, v12;
	v32 =	vld [tilespmem:s25+$0x20]  }
0x3de: {  	s23 =	sadd.s32 s23, s22;
	v11 =	vsub.f32 v11, v58;
	v12 =	vsub.f32 v10, v42;
	v62 =	vld [tilespmem:s25+$0x30]  }
0x3df: {  	v58 =	vld [tilespmem:s23+$0x20];
	v10 =	vsub.f32 v29, v56;
	v14 =	vadd.f32 v36, v14  }
0x3e0: {  	v31 =	vadd.f32 v35, v13;
	v13 =	vsub.f32 v9, v50;
	v36 =	vld [tilespmem:s26+$0x30]  }
0x3e1: {  	v9 =	vsub.f32 v14, v45;
	v5 =	vadd.f32 v1, v5;
	v1 =	vld [tilespmem:$0x1FD90]  }
0x3e2: {  	v29 =	vld [tilespmem:s26+$0x70];
	v14 =	vadd.f32 v24, v23;
	v24 =	vadd.f32 v26, v25  }
0x3e3: {  	s29 =	sadd.s32 s24, s22;
	v56 =	vld [tilespmem:s23+$0x0];
	v35 =	vimm.f32 $0.0e+00;
	v25 =	vadd.f32 v28, v27;
	v27 =	vadd.f32 v32, v30  }
0x3e4: {  	v23 =	vld [tilespmem:s29+$0x0];
	v14 =	vadd.f32 v14, v35  }
0x3e5: {  	v27 =	vadd.f32 v27, v35;
	v22 =	vsub.f32 v0, v54;
	v0 =	vld [tilespmem:s26+$0x40]  }
0x3e6: {  	v28 =	vadd.f32 v62, v36;
	v6 =	vadd.f32 v1, v6;
	v1 =	vld [tilespmem:$0x1FD10]  }
0x3e7: {  	v33 =	vadd.f32 v37, v15;
	v21 =	vsub.f32 v2, v52;
	v2 =	vld [tilespmem:s25+$0x40]  }
0x3e8: {  	v15 =	vsub.f32 v8, v41;
	v28 =	vadd.f32 v28, v35;
	v52 =	vld [tilespmem:s25+$0x50]  }
0x3e9: {  	v61 =	vadd.f32 v40, v18;
	v18 =	vsub.f32 v5, v48;
	v48 =	vld [tilespmem:s26+$0x50]  }
0x3ea: {  	v26 =	vld [tilespmem:s23+$0x10];
	v34 =	vadd.f32 v38, v16;
	v16 =	vsub.f32 v7, v49  }
0x3eb: {  	v62 =	vld [tilespmem:s29+$0x40];
	v63 =	vadd.f32 v1, v19;
	v1 =	vsub.f32 v31, v51  }
0x3ec: {  	v60 =	vadd.f32 v39, v17;
	v54 =	vld [tilespmem:s25+$0x60];
	v20 =	vsub.f32 v3, v53  }
0x3ed: {  	v53 =	vld [tilespmem:s26+$0x60];
	v3 =	vsub.f32 v61, v47;
	[tilespmem:$0x1FCC0] =	vst v1;
	v1 =	vsub.f32 v33, v59  }
0x3ee: {  	v0 =	vadd.f32 v2, v0;
	v2 =	vadd.f32 v52, v48;
	v31 =	vld [tilespmem:s25+$0x70]  }
0x3ef: {  	v61 =	vld [tilespmem:s29+$0x30];
	v17 =	vsub.f32 v6, v44;
	[tilespmem:$0x1FCD0] =	vst v1;
	v1 =	vsub.f32 v34, v55  }
0x3f0: {  	v30 =	vadd.f32 v2, v35;
	v2 =	vadd.f32 v23, v56;
	v59 =	vld [tilespmem:s29+$0x20]  }
0x3f1: {  	v33 =	vadd.f32 v24, v35;
	[tilespmem:$0x1FCE0] =	vst v1;
	v1 =	vsub.f32 v60, v57;
	v57 =	vld [tilespmem:s29+$0x10]  }
0x3f2: {  	v24 =	vadd.f32 v54, v53;
	v34 =	vadd.f32 v25, v35;
	v60 =	vld [tilespmem:s23+$0x30]  }
0x3f3: {  	v25 =	vadd.f32 v31, v29;
	v29 =	vadd.f32 v0, v35;
	v0 =	vld [tilespmem:s23+$0x40]  }
0x3f4: {  	v41 =	vld [tilespmem:s23+$0x50];
	[tilespmem:$0x1FCF0] =	vst v3;
	v19 =	vsub.f32 v4, v43;
	v3 =	vsub.f32 v63, v46  }
0x3f5: {  	v37 =	vimm.f32 $0.0e+00;
	v43 =	vld [tilespmem:s29+$0x50];
	v24 =	vadd.f32 v24, v35;
	v31 =	vadd.f32 v2, v35  }
0x3f6: {  	v42 =	vld [tilespmem:s29+$0x60];
	v36 =	vimm.f32 $0.0e+00;
	v25 =	vadd.f32 v25, v35;
	v23 =	vadd.f32 v57, v26  }
0x3f7: {  	v38 =	vimm.f32 $0.0e+00;
	v2 =	vld [tilespmem:s23+$0x60];
	v26 =	vadd.f32 v59, v58;
	v63 =	vadd.f32 v61, v60  }
0x3f8: {  	s30 =	simm.s32 $0x0;
	v39 =	vimm.f32 $0.0e+00;
	v44 =	vld [tilespmem:s29+$0x70];
	v45 =	vadd.f32 v62, v0;
	v32 =	vadd.f32 v23, v35  }
0x3f9: {  	s24 =	smul.u32 $0x3000, s30;
	s22 =	simm.s32 $0x2;
	v40 =	vimm.f32 $0.0e+00;
	[tilespmem:$0x1FD00] =	vst v3;
	v0 =	vld [tilespmem:s23+$0x70];
	v26 =	vadd.f32 v26, v35;
	v23 =	vadd.f32 v63, v35  }
.LBB2_11:
0x3fa: {  	p0 =	sne.s32 s22, $0x2F;
	v35 =	vadd.f32 v45, v35;
	v41 =	vadd.f32 v43, v41;
	v43 =	vld [tilespmem:s20+$0x0]  }
0x3fb: {  	s19 =	sadd.s32 $0x100, s19;
	s23 =	sshra.s32 s24, $0x2;
	v45 =	vld [tilespmem:s21+$0x0]  }
0x3fc: {  	s24 =	sand.u32 $0x300, s19;
	s25 =	sadd.s32 $0x9D00, s23;
	s26 =	sadd.s32 $0xA500, s23;
	v38 =	vadd.f32 v41, v38;
	v2 =	vadd.f32 v42, v2;
	v41 =	vld [tilespmem:s20+$0x10]  }
0x3fd: {  	s28 =	sor.u32 $0x80, s24;
	s23 =	sadd.s32 $0xA100, s23;
	s20 =	sadd.s32 s24, s26;
	v42 =	vld [tilespmem:s21+$0x10]  }
0x3fe: {  	s29 =	sadd.s32 s24, s25;
	s25 =	sadd.s32 s28, s25;
	s21 =	sadd.s32 s28, s26;
	v46 =	vld [tilespmem:s20+$0x20];
	v37 =	vadd.f32 v2, v37;
	v0 =	vadd.f32 v44, v0  }
0x3ff: {  	s24 =	sadd.s32 s24, s23;
	s23 =	sadd.s32 s28, s23;
	v2 =	vld [tilespmem:s21+$0x20]  }
0x400: {  	v44 =	vld [tilespmem:s29+$0x0];
	v40 =	vadd.f32 v0, v40;
	v0 =	vadd.f32 v45, v43  }
0x401: {  	v43 =	vld [tilespmem:s25+$0x0]  }
0x402: {  	v45 =	vld [tilespmem:s29+$0x10];
	v39 =	vadd.f32 v0, v39;
	v0 =	vadd.f32 v42, v41  }
0x403: {  	v41 =	vld [tilespmem:s25+$0x10]  }
0x404: {  	v42 =	vld [tilespmem:s29+$0x20];
	v2 =	vadd.f32 v2, v46;
	v36 =	vadd.f32 v0, v36  }
0x405: {  	v0 =	vld [tilespmem:s25+$0x20]  }
0x406: {  	v43 =	vadd.f32 v43, v44;
	v44 =	vld [tilespmem:s29+$0x30];
	v14 =	vadd.f32 v2, v14  }
0x407: {  	v2 =	vld [tilespmem:s25+$0x30]  }
0x408: {  	v33 =	vadd.f32 v43, v33;
	v41 =	vadd.f32 v41, v45;
	v43 =	vld [tilespmem:s29+$0x40]  }
0x409: {  	v45 =	vld [tilespmem:s25+$0x40]  }
0x40a: {  	v34 =	vadd.f32 v41, v34;
	v0 =	vadd.f32 v0, v42;
	v41 =	vld [tilespmem:s29+$0x50]  }
0x40b: {  	v42 =	vld [tilespmem:s25+$0x50]  }
0x40c: {  	v27 =	vadd.f32 v0, v27;
	v0 =	vadd.f32 v2, v44;
	v2 =	vld [tilespmem:s29+$0x60]  }
0x40d: {  	v44 =	vld [tilespmem:s25+$0x60]  }
0x40e: {  	v28 =	vadd.f32 v0, v28;
	v0 =	vadd.f32 v45, v43;
	v43 =	vld [tilespmem:s29+$0x70]  }
0x40f: {  	v45 =	vld [tilespmem:s25+$0x70]  }
0x410: {  	v29 =	vadd.f32 v0, v29;
	v0 =	vadd.f32 v42, v41;
	v41 =	vld [tilespmem:s24+$0x0]  }
0x411: {  	v42 =	vld [tilespmem:s23+$0x0]  }
0x412: {  	v30 =	vadd.f32 v0, v30;
	v0 =	vadd.f32 v44, v2;
	v2 =	vld [tilespmem:s24+$0x10]  }
0x413: {  	v44 =	vld [tilespmem:s23+$0x10]  }
0x414: {  	v24 =	vadd.f32 v0, v24;
	v0 =	vadd.f32 v45, v43;
	v43 =	vld [tilespmem:s24+$0x20]  }
0x415: {  	v45 =	vld [tilespmem:s23+$0x20]  }
0x416: {  	v25 =	vadd.f32 v0, v25;
	v0 =	vadd.f32 v42, v41;
	v42 =	vld [tilespmem:s24+$0x30]  }
0x417: {  	v46 =	vld [tilespmem:s23+$0x30]  }
0x418: {  	v31 =	vadd.f32 v0, v31;
	v0 =	vadd.f32 v44, v2;
	v44 =	vld [tilespmem:s24+$0x40]  }
0x419: {  	v47 =	vld [tilespmem:s23+$0x40]  }
0x41a: {  	v32 =	vadd.f32 v0, v32;
	v0 =	vadd.f32 v45, v43;
	v41 =	vld [tilespmem:s24+$0x50]  }
.Ltmp4:
0x41b: {  	v43 =	vld [tilespmem:s23+$0x50];
	(pc) =	sbr.rel @p0 .LBB2_11-.Ltmp4, $4  }
0x41c: {  	v26 =	vadd.f32 v0, v26;
	v0 =	vadd.f32 v46, v42;
	v2 =	vld [tilespmem:s24+$0x60]  }
0x41d: {  	v42 =	vld [tilespmem:s23+$0x60]  }
0x41e: {  	s25 =	sshrl.u32 s22, $0x2;
	v23 =	vadd.f32 v0, v23;
	v45 =	vadd.f32 v47, v44;
	v0 =	vld [tilespmem:s24+$0x70]  }
0x41f: {  	s22 =	sadd.s32 $0x1, s22;
	s24 =	smul.u32 $0x3000, s25;
	v44 =	vld [tilespmem:s23+$0x70]  }
0x420: {  	v46 =	vld [tilespmem:s20+$0x0]  }
0x421: {  	v47 =	vld [tilespmem:s21+$0x0];
	s19 =	sadd.s32 $0x100, s19;
	s22 =	sshra.s32 s24, $0x2  }
0x422: {  	v48 =	vld [tilespmem:s20+$0x10];
	s23 =	sand.u32 $0x300, s19;
	s24 =	sadd.s32 $0xA500, s22  }
0x423: {  	v49 =	vld [tilespmem:s21+$0x10];
	s25 =	sor.u32 $0x80, s23;
	s19 =	sadd.s32 s23, s24  }
0x424: {  	s29 =	sadd.s32 $0x9D00, s22;
	s30 =	sadd.s32 s25, s24;
	v50 =	vld [tilespmem:s19+$0x20]  }
0x425: {  	s26 =	sadd.s32 s23, s29;
	v51 =	vld [tilespmem:s30+$0x20]  }
0x426: {  	s21 =	sadd.s32 s25, s29;
	v52 =	vld [tilespmem:s26+$0x0]  }
0x427: {  	v53 =	vld [tilespmem:s21+$0x0]  }
0x428: {  	v54 =	vld [tilespmem:s26+$0x10]  }
0x429: {  	v55 =	vld [tilespmem:s21+$0x10]  }
0x42a: {  	v56 =	vld [tilespmem:s26+$0x20]  }
0x42b: {  	v57 =	vld [tilespmem:s21+$0x20]  }
0x42c: {  	v58 =	vld [tilespmem:s26+$0x30]  }
0x42d: {  	v59 =	vld [tilespmem:s21+$0x30]  }
0x42e: {  	v60 =	vld [tilespmem:s26+$0x40]  }
0x42f: {  	v61 =	vld [tilespmem:s21+$0x40]  }
0x430: {  	v62 =	vld [tilespmem:s26+$0x50]  }
0x431: {  	v63 =	vld [tilespmem:s21+$0x50]  }
0x432: {  	v3 =	vld [tilespmem:s26+$0x60]  }
0x433: {  	v4 =	vld [tilespmem:s21+$0x60]  }
0x434: {  	s22 =	sadd.s32 $0xA100, s22;
	v5 =	vld [tilespmem:s26+$0x70]  }
0x435: {  	s23 =	sadd.s32 s23, s22;
	v6 =	vld [tilespmem:s21+$0x70]  }
0x436: {  	s28 =	sadd.s32 s25, s22;
	v7 =	vld [tilespmem:s23+$0x0]  }
0x437: {  	v35 =	vadd.f32 v45, v35;
	v41 =	vadd.f32 v43, v41;
	v8 =	vld [tilespmem:s28+$0x0]  }
0x438: {  	v2 =	vadd.f32 v42, v2;
	v43 =	vld [tilespmem:s23+$0x10];
	v0 =	vadd.f32 v44, v0  }
0x439: {  	v38 =	vadd.f32 v41, v38;
	v42 =	vld [tilespmem:s28+$0x10];
	v41 =	vadd.f32 v47, v46  }
0x43a: {  	v44 =	vld [tilespmem:s23+$0x20];
	v0 =	vadd.f32 v0, v40;
	v40 =	vadd.f32 v49, v48  }
0x43b: {  	v2 =	vadd.f32 v2, v37;
	v37 =	vld [tilespmem:s28+$0x20];
	v39 =	vadd.f32 v41, v39  }
0x43c: {  	v45 =	vld [tilespmem:s28+$0x40];
	v36 =	vadd.f32 v40, v36;
	v53 =	vadd.f32 v53, v52  }
0x43d: {  	v47 =	vld [tilespmem:s28+$0x30];
	v55 =	vadd.f32 v55, v54;
	v48 =	vadd.f32 v51, v50  }
0x43e: {  	v46 =	vld [tilespmem:s23+$0x60];
	v57 =	vadd.f32 v57, v56;
	v59 =	vadd.f32 v59, v58  }
0x43f: {  	v41 =	vld [tilespmem:s23+$0x30];
	v61 =	vadd.f32 v61, v60;
	v63 =	vadd.f32 v63, v62  }
0x440: {  	v40 =	vld [tilespmem:s23+$0x40];
	v3 =	vadd.f32 v4, v3;
	v54 =	vadd.f32 v6, v5  }
0x441: {  	v50 =	vld [tilespmem:s23+$0x50];
	v56 =	vadd.f32 v8, v7;
	v33 =	vadd.f32 v53, v33  }
0x442: {  	v52 =	vld [tilespmem:s28+$0x60];
	v34 =	vadd.f32 v55, v34;
	v27 =	vadd.f32 v57, v27  }
0x443: {  	v58 =	vld [tilespmem:s28+$0x70];
	v28 =	vadd.f32 v59, v28;
	v29 =	vadd.f32 v61, v29  }
0x444: {  	v60 =	vld [tilespmem:s30+$0x0];
	v30 =	vadd.f32 v63, v30;
	v57 =	vadd.f32 v42, v43  }
0x445: {  	v62 =	vld [tilespmem:s19+$0x10];
	v3 =	vadd.f32 v3, v24;
	v4 =	vadd.f32 v54, v25  }
0x446: {  	v53 =	vld [tilespmem:s28+$0x50];
	v6 =	vadd.f32 v56, v31;
	v61 =	vadd.f32 v37, v44  }
0x447: {  	v55 =	vld [tilespmem:s23+$0x70];
	v63 =	vadd.f32 v47, v41;
	v22 =	vsub.f32 v22, v33  }
0x448: {  	v59 =	vld [tilespmem:s19+$0x0];
	v7 =	vadd.f32 v57, v32;
	v21 =	vsub.f32 v21, v34  }
0x449: {  	v37 =	vld [tilespmem:s30+$0x10];
	v26 =	vadd.f32 v61, v26;
	v20 =	vsub.f32 v20, v27;
	[tilespmem:$0x12D00] =	vst v22  }
0x44a: {  	v19 =	vsub.f32 v19, v28;
	v42 =	vadd.f32 v45, v40;
	[tilespmem:$0x12D10] =	vst v21  }
0x44b: {  	v18 =	vsub.f32 v18, v29;
	v17 =	vsub.f32 v17, v30;
	[tilespmem:$0x12D20] =	vst v20  }
0x44c: {  	v3 =	vsub.f32 v16, v3;
	v4 =	vsub.f32 v15, v4;
	[tilespmem:$0x12D30] =	vst v19  }
0x44d: {  	v6 =	vsub.f32 v13, v6;
	v41 =	vadd.f32 v63, v23;
	[tilespmem:$0x12D40] =	vst v18  }
0x44e: {  	v54 =	vld [tilespmem:$0x1FCC0];
	v47 =	vadd.f32 v52, v46;
	v44 =	vadd.f32 v42, v35;
	[tilespmem:$0x12D50] =	vst v17  }
0x44f: {  	[tilespmem:$0x12D60] =	vst v3;
	v51 =	vsub.f32 v11, v26;
	v43 =	vadd.f32 v53, v50  }
0x450: {  	[tilespmem:$0x12D70] =	vst v4;
	v49 =	vadd.f32 v58, v55;
	v50 =	vsub.f32 v12, v7  }
0x451: {  	v61 =	vld [tilespmem:$0x1FCF0];
	[tilespmem:$0x12D80] =	vst v6;
	v52 =	vsub.f32 v10, v41;
	v53 =	vadd.f32 v60, v59  }
0x452: {  	v55 =	vadd.f32 v37, v62;
	v59 =	vld [tilespmem:$0x1FCE0];
	[tilespmem:$0x12DA0] =	vst v51;
	v45 =	vadd.f32 v43, v38  }
0x453: {  	v58 =	vld [tilespmem:$0x1FCD0];
	v6 =	vsub.f32 v54, v44;
	[tilespmem:$0x12D90] =	vst v50;
	v57 =	vadd.f32 v53, v39  }
0x454: {  	v63 =	vld [tilespmem:$0x1FD00];
	[tilespmem:$0x12DB0] =	vst v52;
	v4 =	vadd.f32 v55, v36;
	v56 =	vsub.f32 v9, v45  }
0x455: {  	v0 =	vadd.f32 v49, v0;
	[tilespmem:$0x12DC0] =	vst v6;
	v3 =	vsub.f32 v1, v57  }
0x456: {  	v2 =	vadd.f32 v47, v2;
	v62 =	vsub.f32 v61, v4;
	[tilespmem:$0x12DD0] =	vst v56  }
0x457: {  	v60 =	vadd.f32 v48, v14;
	v0 =	vsub.f32 v59, v0;
	[tilespmem:$0x12E00] =	vst v3  }
0x458: {  	v2 =	vsub.f32 v58, v2;
	[tilespmem:$0x12E10] =	vst v62  }
0x459: {  	s18 =	smul.u32 $0x26, s18;
	s17 =	sadd.s32 $0x1, s17;
	[tilespmem:$0x12DF0] =	vst v0;
	v0 =	vsub.f32 v63, v60  }
0x45a: {  	p0 =	sne.s32 s17, $0x20;
	s29 =	rddreg [dreg:$0x2];
	[tilespmem:$0x12DE0] =	vst v2  }
.Ltmp5:
0x45b: {  	s18 =	sadd.s32 s29, s18;
	s30 =	simm.s32 $0x12D00;
	[tilespmem:$0x12E20] =	vst v0;
	(pc) =	sbr.rel @p0 .LBB2_2-.Ltmp5, $4  }
0x45c: {  	[hbm4b:s18+s2] =	stream.linear.scatter [tilespmem:s30], [sflag:$0x3], $0x130, $0x38;
	[tilespmem:$0x12E80] =	vst v63  }
0x45d: {  	_ =	swait.ge [sflag:s11], $0x130  }
0x45e: {  	[sflag:s11] =	ssyncset.done $0x0  }
0x45f: {  	[sflag:s11] =	ssyncadd.s32 $0xFFFFFED0  }
0x460: {  	s18 =	rddreg [dreg:$0x6]  }
0x461: {  	s17 =	rddreg [dreg:$0x5];
	s18 =	sadd.s32 $0x1, s18  }
0x462: {  	p0 =	sne.s32 s18, s17  }
.Ltmp6:
0x463: {  	_ = 	snop;
	(pc) =	sbr.rel @p0 .LBB2_1-.Ltmp6, $1  }
0x464: {  	_ =	sdelay $0x3  }
0x465: {  	_ =	sfence.sel $0x180000  }
0x466: {  	[bflag:$0x0] =	sbarrier.arrive $0xFFFF  }
0x467: {  	_ =	strace $0x90000047  }
0x468: {  	s0 =	stileid.u32;
	[bflag:$0x2] =	sbarrier.arrive $0xFFFF  }
0x469: {  	p0 =	sne.s32 s0, $0x0;
	s0 =	rddreg [dreg:$0x1]  }
0x46a: {  	s0 =	sadd.s32 @!p0 $0x100000, s0  }
0x46b: {  	[sflag:s0] =	ssyncadd.tile.s32 @!p0 $0x1;
	_ =	shalt  }
.Lfunc_end2:
_tile_overlayer_lowered:
.L_overlay_start_2:
0x46c: {  	(tag) =	ssettag $0x2  }
0x46d: {  	s0 =	rddreg [dreg:$0x0];
	s2 =	stileid.u32  }
0x46e: {  	s1 =	rddreg [dreg:$0x1];
	p0 =	sne.s32 s2, $0x0  }
0x46f: {  	s3 =	rddreg [dreg:$0x2];
	[bflag:$0x3] =	sbarrier.arrive $0xFFFF;
	s2 =	simm.s32 @!p0 $0x1C03  }
0x470: {  	[timem:s3], [sflag:s2] =	dma.local @!p0 [hbm:s0], s1  }
0x471: {  	s0 =	simm.s32 @!p0 $0x3  }
0x472: {  	_ =	swait.ge @!p0 [sflag:s0], s1  }
0x473: {  	s1 =	ssub.s32 @!p0 $0x0, s1;
	[sflag:s0] =	ssyncset.done @!p0 $0x0  }
0x474: {  	[sflag:s0] =	ssyncadd.s32 @!p0 s1  }
0x475: {  	[bflag:$0x3] =	sbarrier.arrive $0xFFFF  }
0x476: {  	_ =	shalt  }

</sc_bundles>
